<compile_context>
chip_gen: v7x
topology: tpu7x:2x2x1
jax: 0.10.2.dev20260603
libtpu: 0.0.44.dev20260713+nightly
codegen_flags: <defaults>
</compile_context>

<pallas_src>
import functools

import jax
import jax.numpy as jnp
from jax import lax
from jax.experimental import pallas as pl
from jax.experimental.pallas import tpu as pltpu
from jax.experimental.pallas import tpu_sc as plsc

N = 10000
E = 160000
IN_CH = 256
HID = 1024
OUT = 128

NPAD = 10240
E_PAD = 163840
K = 128
ROWS2D = E_PAD // K
F = 128


def _mesh():
    return plsc.VectorSubcoreMesh(core_axis_name="c", subcore_axis_name="s")


def _deg_sc(col2d):
    nch = ROWS2D // 32
    seg = NPAD // 16
    grp = 8

    @functools.partial(
        pl.kernel,
        out_type=jax.ShapeDtypeStruct((2, NPAD), jnp.float32),
        mesh=_mesh(),
        scratch_types=[
            pltpu.VMEM((nch, K), jnp.int32),
            pltpu.VMEM((K,), jnp.float32),
            pltpu.VMEM((seg,), jnp.float32),
            pltpu.VMEM_SHARED((NPAD,), jnp.float32),
            pltpu.SemaphoreType.DMA,
        ],
    )
    def k(col_hbm, out_hbm, colv, ones, zbuf, acc, sem):
        c = lax.axis_index("c")
        t = lax.axis_index("s")
        wid = t * 2 + c
        for i in range(K // 16):
            ones[pl.ds(i * 16, 16)] = jnp.ones((16,), jnp.float32)
        zv = jnp.zeros((16,), jnp.float32)

        def zb(i, _):
            zbuf[pl.ds(i * 16, 16)] = zv
            return 0

        lax.fori_loop(0, seg // 16, zb, 0)
        pltpu.sync_copy(col_hbm.at[pl.ds(wid * nch, nch)], colv)
        off = pl.multiple_of(t * seg, 8)
        pltpu.sync_copy(zbuf, acc.at[pl.ds(off, seg)])
        plsc.subcore_barrier()

        def chunk(g, _):
            cps = [
                pltpu.async_copy(ones, acc.at[colv.at[g * grp + i]], sem, add=True)
                for i in range(grp)
            ]
            for cp in cps:
                cp.wait()
            return 0

        lax.fori_loop(0, nch // grp, chunk, 0)
        plsc.subcore_barrier()
        pltpu.sync_copy(acc.at[pl.ds(off, seg)], zbuf)
        pltpu.sync_copy(zbuf, out_hbm.at[c, pl.ds(off, seg)])

    return k(col2d)


def _agg_sc(ys, row2d, col2d):
    nch = ROWS2D // 32
    rpt = NPAD // 16
    ny = len(ys)

    @functools.partial(
        pl.kernel,
        out_type=[jax.ShapeDtypeStruct((2 * NPAD, F), jnp.float32)] * ny,
        mesh=_mesh(),
        scratch_types=[
            pltpu.VMEM((nch, K), jnp.int32),
            pltpu.VMEM((nch, K), jnp.int32),
            pltpu.VMEM((2, K, F), jnp.float32),
            pltpu.VMEM_SHARED((NPAD, F), jnp.float32),
            pltpu.SemaphoreType.DMA,
            pltpu.SemaphoreType.DMA,
        ],
    )
    def k(*args):
        y_hbms = args[:ny]
        row_hbm, col_hbm = args[ny], args[ny + 1]
        out_hbms = args[ny + 2:2 * ny + 2]
        rowv, colv, gbuf, acc, gsem0, gsem1 = args[2 * ny + 2:]
        c = lax.axis_index("c")
        t = lax.axis_index("s")
        wid = t * 2 + c
        pltpu.sync_copy(row_hbm.at[pl.ds(wid * nch, nch)], rowv)
        pltpu.sync_copy(col_hbm.at[pl.ds(wid * nch, nch)], colv)
        abase = pl.multiple_of(t * rpt, 8)
        obase = pl.multiple_of(c * NPAD + t * rpt, 8)

        for y_hbm, out_hbm in zip(y_hbms, out_hbms):
            pltpu.sync_copy(y_hbm.at[pl.ds(abase, rpt)],
                            acc.at[pl.ds(abase, rpt)])
            plsc.subcore_barrier()

            def start_gather(j, b, sem):
                pltpu.async_copy(y_hbm.at[rowv.at[j]], gbuf.at[b], sem)

            def wait_gather(j, b, sem):
                pltpu.make_async_copy(y_hbm.at[rowv.at[j]], gbuf.at[b],
                                      sem).wait()

            def scat(j, b):
                pltpu.sync_copy(gbuf.at[b], acc.at[colv.at[j]], add=True)

            start_gather(0, 0, gsem0)

            def pair(g, _):
                j0 = 2 * g
                start_gather(j0 + 1, 1, gsem1)
                wait_gather(j0, 0, gsem0)
                scat(j0, 0)
                start_gather(j0 + 2, 0, gsem0)
                wait_gather(j0 + 1, 1, gsem1)
                scat(j0 + 1, 1)
                return 0

            lax.fori_loop(0, nch // 2 - 1, pair, 0)
            start_gather(nch - 1, 1, gsem1)
            wait_gather(nch - 2, 0, gsem0)
            scat(nch - 2, 0)
            wait_gather(nch - 1, 1, gsem1)
            scat(nch - 1, 1)
            plsc.subcore_barrier()
            pltpu.sync_copy(acc.at[pl.ds(abase, rpt)],
                            out_hbm.at[pl.ds(obase, rpt)])
            plsc.subcore_barrier()

    return k(*ys, row2d, col2d)


BM = 2048


def _prescale_tc(parts_t, x_pad):

    def body(p_ref, x_ref, dis_ref, ya_ref, yb_ref):
        p = p_ref[...]
        dis = lax.rsqrt(1.0 + p[:, 0:1] + p[:, 1:2])
        dis_ref[...] = dis
        ya_ref[...] = x_ref[:, :F] * dis
        yb_ref[...] = x_ref[:, F:] * dis

    return pl.pallas_call(
        body,
        grid=(NPAD // BM,),
        in_specs=[pl.BlockSpec((BM, 2), lambda i: (i, 0)),
                  pl.BlockSpec((BM, IN_CH), lambda i: (i, 0))],
        out_specs=[pl.BlockSpec((BM, 1), lambda i: (i, 0)),
                   pl.BlockSpec((BM, F), lambda i: (i, 0)),
                   pl.BlockSpec((BM, F), lambda i: (i, 0))],
        out_shape=[jax.ShapeDtypeStruct((NPAD, 1), jnp.float32),
                   jax.ShapeDtypeStruct((NPAD, F), jnp.float32),
                   jax.ShapeDtypeStruct((NPAD, F), jnp.float32)],
    )(parts_t, x_pad)


def _mlp_tc(Pa, Pb, y1a, y1b, dis, W1, b1, W2):
    BM2 = 2048
    NB = NPAD // BM2

    def body(p0a, p1a, ya, p0b, p1b, yb, d_ref, w1_ref, bias_ref, w2_ref,
             o_ref):
        d = d_ref[...]
        a = (p0a[...] + p1a[...] - ya[...]) * d
        b = (p0b[...] + p1b[...] - yb[...]) * d
        acc = jnp.dot(a, w1_ref[:F, :], preferred_element_type=jnp.float32)
        acc += jnp.dot(b, w1_ref[F:, :], preferred_element_type=jnp.float32)
        h = jnp.maximum(acc + bias_ref[...], 0.0)
        o_ref[...] = jnp.dot(h, w2_ref[...],
                             preferred_element_type=jnp.float32) * d

    return pl.pallas_call(
        body,
        grid=(NB,),
        in_specs=[pl.BlockSpec((BM2, F), lambda i: (i, 0)),
                  pl.BlockSpec((BM2, F), lambda i: (i + NB, 0)),
                  pl.BlockSpec((BM2, F), lambda i: (i, 0)),
                  pl.BlockSpec((BM2, F), lambda i: (i, 0)),
                  pl.BlockSpec((BM2, F), lambda i: (i + NB, 0)),
                  pl.BlockSpec((BM2, F), lambda i: (i, 0)),
                  pl.BlockSpec((BM2, 1), lambda i: (i, 0)),
                  pl.BlockSpec((IN_CH, HID), lambda i: (0, 0)),
                  pl.BlockSpec((1, HID), lambda i: (0, 0)),
                  pl.BlockSpec((HID, OUT), lambda i: (0, 0))],
        out_specs=pl.BlockSpec((BM2, OUT), lambda i: (i, 0)),
        out_shape=jax.ShapeDtypeStruct((NPAD, OUT), jnp.float32),
    )(Pa, Pa, y1a, Pb, Pb, y1b, dis, W1, b1, W2)


def _post_tc(P2, y2, dis, b2):
    NB = NPAD // BM

    def body(q0, q1, y_ref, d_ref, b_ref, o_ref):
        a = q0[...] + q1[...] - y_ref[...]
        o_ref[...] = jnp.maximum(a * d_ref[...] + b_ref[...], 0.0)

    return pl.pallas_call(
        body,
        grid=(NB,),
        in_specs=[pl.BlockSpec((BM, OUT), lambda i: (i, 0)),
                  pl.BlockSpec((BM, OUT), lambda i: (i + NB, 0)),
                  pl.BlockSpec((BM, OUT), lambda i: (i, 0)),
                  pl.BlockSpec((BM, 1), lambda i: (i, 0)),
                  pl.BlockSpec((1, OUT), lambda i: (0, 0))],
        out_specs=pl.BlockSpec((BM, OUT), lambda i: (i, 0)),
        out_shape=jax.ShapeDtypeStruct((NPAD, OUT), jnp.float32),
    )(P2, P2, y2, dis, b2)


def kernel(x, edge_index, W1, b1, W2, b2):
    pad_i = jnp.arange(E_PAD - E, dtype=jnp.int32)
    rows = jnp.concatenate([edge_index[0], (pad_i * 53) % N])
    cols = jnp.concatenate([edge_index[1], N + (pad_i % 16)])
    row2d = rows.reshape(ROWS2D, K)
    col2d = cols.reshape(ROWS2D, K)
    x_pad = jnp.pad(x, ((0, NPAD - N), (0, 0)))

    parts = _deg_sc(col2d)
    dis, y1a, y1b = _prescale_tc(parts.T, x_pad)
    Pa, Pb = _agg_sc([y1a, y1b], row2d, col2d)
    y2 = _mlp_tc(Pa, Pb, y1a, y1b, dis, W1, b1.reshape(1, HID), W2)
    (P2,) = _agg_sc([y2], row2d, col2d)
    z = _post_tc(P2, y2, dis, b2.reshape(1, OUT))
    return z[:N]

# --- scband reference (transcript-rebuilt; emitter-appended) ---
"""Pipeline reference for scband-gcn-net-12463995093137 (READ-ONLY COPY).

The authoritative reference and input builder live on the scoring server;
editing this copy changes nothing except your own understanding.
"""

import jax, jax.numpy as jnp
import numpy as np

N_NODES = 10000
N_EDGES = 160000
IN_CH = 256
HID_CH = 1024
OUT_CH = 128


def setup_inputs(seed: int = 0) -> dict:
    key = jax.random.key(seed)
    k1, k2, k3, k4 = jax.random.split(key, 4)
    x = jax.random.normal(k1, (N_NODES, IN_CH), dtype=jnp.float32)
    edge_index = jax.random.randint(k2, (2, N_EDGES), 0, N_NODES, dtype=jnp.int32)
    W1 = jax.random.normal(k3, (IN_CH, HID_CH), dtype=jnp.float32) * (1.0 / np.sqrt(IN_CH))
    b1 = jnp.zeros((HID_CH,), dtype=jnp.float32)
    W2 = jax.random.normal(k4, (HID_CH, OUT_CH), dtype=jnp.float32) * (1.0 / np.sqrt(HID_CH))
    b2 = jnp.zeros((OUT_CH,), dtype=jnp.float32)
    return {"x": x, "edge_index": edge_index, "W1": W1, "b1": b1, "W2": W2, "b2": b2}


def _gcn_conv(x, edge_index, W, b):
    # Faithful PyG GCNConv: linear (no bias) -> add self-loops -> sym-normalized
    # scatter-add aggregation at target nodes -> add bias.
    n = x.shape[0]
    xw = x @ W
    loop = jnp.arange(n, dtype=edge_index.dtype)
    row = jnp.concatenate([edge_index[0], loop])  # source
    col = jnp.concatenate([edge_index[1], loop])  # target
    deg = jnp.zeros((n,), dtype=xw.dtype).at[col].add(1.0)
    deg_inv_sqrt = jnp.where(deg > 0, jax.lax.rsqrt(deg), 0.0)
    norm = deg_inv_sqrt[row] * deg_inv_sqrt[col]
    msg = xw[row] * norm[:, None]
    out = jnp.zeros((n, xw.shape[1]), dtype=xw.dtype).at[col].add(msg)
    return out + b


def reference(x, edge_index, W1, b1, W2, b2):
    h = jax.nn.relu(_gcn_conv(x, edge_index, W1, b1))
    z = jax.nn.relu(_gcn_conv(h, edge_index, W2, b2))
    return z

if __name__ == "__main__":
    import jax
    _d = setup_inputs()
    print(jax.jit(kernel)(*tuple(_d.values())))

</pallas_src>

<mosaic_0001>
#map = affine_map<(d0, d1) -> (0, 0)>
module attributes {stable_mosaic.version = 14 : i64} {
  func.func @k(%arg0: i32, %arg1: i32, %arg2: memref<10240x128xf32, #tpu.memory_space<hbm>>, %arg3: memref<1280x128xi32, #tpu.memory_space<hbm>>, %arg4: memref<1280x128xi32, #tpu.memory_space<hbm>>, %arg5: memref<20480x128xf32, #tpu.memory_space<hbm>>, %arg6: memref<40x128xi32, #tpu.memory_space<vmem>>, %arg7: memref<40x128xi32, #tpu.memory_space<vmem>>, %arg8: memref<2x128x128xf32, #tpu.memory_space<vmem>>, %arg9: memref<10240x128xf32, #tpu.memory_space<vmem_shared>>, %arg10: memref<!tpu.dma_semaphore, #tpu.memory_space<semaphore_mem>>, %arg11: memref<!tpu.dma_semaphore, #tpu.memory_space<semaphore_mem>>) attributes {dimension_semantics = [#tpu.dimension_semantics<core_parallel>, #tpu.dimension_semantics<subcore_parallel>], iteration_bounds = array<i64: 2, 16>, scalar_prefetch = 0 : i64, scratch_operands = 6 : i64, tpu.core_type = #tpu.core_type<sc_vector_subcore>, window_params = [{transform_indices = #map}, {transform_indices = #map}, {transform_indices = #map}, {transform_indices = #map}]} {
    %mul3A = arith.constant 2 : i32
    %mul3A_0 = arith.muli %arg1, %mul3A : i32
    %add3A = arith.addi %mul3A_0, %arg0 : i32
    %mul3A_1 = arith.constant 40 : i32
    %mul3A_2 = arith.muli %add3A, %mul3A_1 : i32
    "tpu.region"() ({
      %run_scoped3A_70 = tpu.sem_alloc : memref<!tpu.dma_semaphore, #tpu.memory_space<semaphore_mem>>
      %dma_start3A_71 = arith.constant 0 : i32
      %dma_start3A_72 = tpu.memref_slice %arg3[%mul3A_2, %dma_start3A_71] : memref<1280x128xi32, #tpu.memory_space<hbm>> -> memref<40x128xi32, #tpu.memory_space<hbm>>
      %dma_start3A_73 = arith.constant 0 : i32
      %dma_start3A_74 = tpu.memref_slice %arg3[%mul3A_2, %dma_start3A_73] : memref<1280x128xi32, #tpu.memory_space<hbm>> -> memref<40x128xi32, #tpu.memory_space<hbm>>
      tpu.enqueue_dma source(%dma_start3A_74 : memref<40x128xi32, #tpu.memory_space<hbm>>) target(%arg6 : memref<40x128xi32, #tpu.memory_space<vmem>>) target_semaphore(%run_scoped3A_70 : memref<!tpu.dma_semaphore, #tpu.memory_space<semaphore_mem>>)
      %dma_wait3A_75 = arith.constant 0 : i32
      %dma_wait3A_76 = tpu.memref_slice %arg3[%mul3A_2, %dma_wait3A_75] : memref<1280x128xi32, #tpu.memory_space<hbm>> -> memref<40x128xi32, #tpu.memory_space<hbm>>
      %dma_wait3A_77 = arith.constant 0 : i32
      %dma_wait3A_78 = tpu.memref_slice %arg3[%mul3A_2, %dma_wait3A_77] : memref<1280x128xi32, #tpu.memory_space<hbm>> -> memref<40x128xi32, #tpu.memory_space<hbm>>
      tpu.wait_dma2 semaphore(%run_scoped3A_70 : memref<!tpu.dma_semaphore, #tpu.memory_space<semaphore_mem>>) src(%dma_wait3A_78 : memref<40x128xi32, #tpu.memory_space<hbm>>) dst(%arg6 : memref<40x128xi32, #tpu.memory_space<vmem>>)
      tpu.yield
    }) : () -> ()
    %mul3A_3 = arith.constant 40 : i32
    %mul3A_4 = arith.muli %add3A, %mul3A_3 : i32
    "tpu.region"() ({
      %run_scoped3A_70 = tpu.sem_alloc : memref<!tpu.dma_semaphore, #tpu.memory_space<semaphore_mem>>
      %dma_start3A_71 = arith.constant 0 : i32
      %dma_start3A_72 = tpu.memref_slice %arg4[%mul3A_4, %dma_start3A_71] : memref<1280x128xi32, #tpu.memory_space<hbm>> -> memref<40x128xi32, #tpu.memory_space<hbm>>
      %dma_start3A_73 = arith.constant 0 : i32
      %dma_start3A_74 = tpu.memref_slice %arg4[%mul3A_4, %dma_start3A_73] : memref<1280x128xi32, #tpu.memory_space<hbm>> -> memref<40x128xi32, #tpu.memory_space<hbm>>
      tpu.enqueue_dma source(%dma_start3A_74 : memref<40x128xi32, #tpu.memory_space<hbm>>) target(%arg7 : memref<40x128xi32, #tpu.memory_space<vmem>>) target_semaphore(%run_scoped3A_70 : memref<!tpu.dma_semaphore, #tpu.memory_space<semaphore_mem>>)
      %dma_wait3A_75 = arith.constant 0 : i32
      %dma_wait3A_76 = tpu.memref_slice %arg4[%mul3A_4, %dma_wait3A_75] : memref<1280x128xi32, #tpu.memory_space<hbm>> -> memref<40x128xi32, #tpu.memory_space<hbm>>
      %dma_wait3A_77 = arith.constant 0 : i32
      %dma_wait3A_78 = tpu.memref_slice %arg4[%mul3A_4, %dma_wait3A_77] : memref<1280x128xi32, #tpu.memory_space<hbm>> -> memref<40x128xi32, #tpu.memory_space<hbm>>
      tpu.wait_dma2 semaphore(%run_scoped3A_70 : memref<!tpu.dma_semaphore, #tpu.memory_space<semaphore_mem>>) src(%dma_wait3A_78 : memref<40x128xi32, #tpu.memory_space<hbm>>) dst(%arg7 : memref<40x128xi32, #tpu.memory_space<vmem>>)
      tpu.yield
    }) : () -> ()
    %mul3A_5 = arith.constant 640 : i32
    %mul3A_6 = arith.muli %arg1, %mul3A_5 : i32
    %multiple_of3A = tpu.assume_multiple %mul3A_6, 8 : i32
    %mul3A_7 = arith.constant 10240 : i32
    %mul3A_8 = arith.muli %arg0, %mul3A_7 : i32
    %mul3A_9 = arith.constant 640 : i32
    %mul3A_10 = arith.muli %arg1, %mul3A_9 : i32
    %add3A_11 = arith.addi %mul3A_8, %mul3A_10 : i32
    %multiple_of3A_12 = tpu.assume_multiple %add3A_11, 8 : i32
    "tpu.region"() ({
      %run_scoped3A_70 = tpu.sem_alloc : memref<!tpu.dma_semaphore, #tpu.memory_space<semaphore_mem>>
      %dma_start3A_71 = arith.constant 0 : i32
      %dma_start3A_72 = tpu.memref_slice %arg9[%multiple_of3A, %dma_start3A_71] : memref<10240x128xf32, #tpu.memory_space<vmem_shared>> -> memref<640x128xf32, #tpu.memory_space<vmem_shared>>
      %dma_start3A_73 = arith.constant 0 : i32
      %dma_start3A_74 = tpu.memref_slice %arg2[%multiple_of3A, %dma_start3A_73] : memref<10240x128xf32, #tpu.memory_space<hbm>> -> memref<640x128xf32, #tpu.memory_space<hbm>>
      tpu.enqueue_dma source(%dma_start3A_74 : memref<640x128xf32, #tpu.memory_space<hbm>>) target(%dma_start3A_72 : memref<640x128xf32, #tpu.memory_space<vmem_shared>>) target_semaphore(%run_scoped3A_70 : memref<!tpu.dma_semaphore, #tpu.memory_space<semaphore_mem>>)
      %dma_wait3A_75 = arith.constant 0 : i32
      %dma_wait3A_76 = tpu.memref_slice %arg9[%multiple_of3A, %dma_wait3A_75] : memref<10240x128xf32, #tpu.memory_space<vmem_shared>> -> memref<640x128xf32, #tpu.memory_space<vmem_shared>>
      %dma_wait3A_77 = arith.constant 0 : i32
      %dma_wait3A_78 = tpu.memref_slice %arg2[%multiple_of3A, %dma_wait3A_77] : memref<10240x128xf32, #tpu.memory_space<hbm>> -> memref<640x128xf32, #tpu.memory_space<hbm>>
      tpu.wait_dma2 semaphore(%run_scoped3A_70 : memref<!tpu.dma_semaphore, #tpu.memory_space<semaphore_mem>>) src(%dma_wait3A_78 : memref<640x128xf32, #tpu.memory_space<hbm>>) dst(%dma_wait3A_76 : memref<640x128xf32, #tpu.memory_space<vmem_shared>>)
      tpu.yield
    }) : () -> ()
    %barrier3A = arith.constant 0 : index
    tpu.barrier barrier_id(%barrier3A)
    %dma_start3A = arith.constant 0 : i32
    %dma_start3A_13 = arith.constant 0 : i32
    %dma_start3A_14 = arith.constant 0 : i32
    %dma_start3A_15 = arith.constant 0 : i32
    %dma_start3A_16 = tpu.memref_slice %arg8[%dma_start3A_13, %dma_start3A_14, %dma_start3A_15] : memref<2x128x128xf32, #tpu.memory_space<vmem>> -> memref<1x128x128xf32, #tpu.memory_space<vmem>>
    %dma_start3A_17 = tpu.memref_squeeze %dma_start3A_16 : memref<1x128x128xf32, #tpu.memory_space<vmem>> -> memref<128x128xf32, #tpu.memory_space<vmem>>
    %dma_start3A_18 = arith.constant 0 : i32
    %dma_start3A_19 = tpu.memref_slice %arg6[%dma_start3A, %dma_start3A_18] : memref<40x128xi32, #tpu.memory_space<vmem>> -> memref<1x128xi32, #tpu.memory_space<vmem>>
    %dma_start3A_20 = tpu.memref_squeeze %dma_start3A_19 : memref<1x128xi32, #tpu.memory_space<vmem>> -> memref<128xi32, #tpu.memory_space<vmem>>
    %dma_start3A_21 = arith.constant 0 : i32
    %dma_start3A_22 = arith.constant 0 : i32
    %dma_start3A_23 = tpu.memref_slice %arg2[%dma_start3A_21, %dma_start3A_22] : memref<10240x128xf32, #tpu.memory_space<hbm>> -> memref<10240x128xf32, #tpu.memory_space<hbm>>
    tpu.enqueue_indirect_dma source(%dma_start3A_23 : memref<10240x128xf32, #tpu.memory_space<hbm>>) target(%dma_start3A_17 : memref<128x128xf32, #tpu.memory_space<vmem>>) offsets(%dma_start3A_20 : memref<128xi32, #tpu.memory_space<vmem>>) semaphore(%arg10 : memref<!tpu.dma_semaphore, #tpu.memory_space<semaphore_mem>>)
    %scan3A = arith.constant 0 : i32
    %scan3A_24 = arith.constant 0 : i32
    %scan3A_25 = arith.constant 19 : i32
    %scan3A_26 = arith.addi %scan3A_24, %scan3A_25 : i32
    %scan3A_27 = arith.constant 1 : i32
    %scan3A_28 = scf.for %scan3A_70 = %scan3A_24 to %scan3A_26 step %scan3A_27 iter_args(%scan3A_71 = %scan3A) -> (i32)  : i32 {
      %mul3A_72 = arith.constant 2 : i32
      %mul3A_73 = arith.muli %mul3A_72, %scan3A_70 : i32
      %add3A_74 = arith.constant 1 : i32
      %add3A_75 = arith.addi %mul3A_73, %add3A_74 : i32
      %dma_start3A_76 = arith.constant 1 : i32
      %dma_start3A_77 = arith.constant 0 : i32
      %dma_start3A_78 = arith.constant 0 : i32
      %dma_start3A_79 = tpu.memref_slice %arg8[%dma_start3A_76, %dma_start3A_77, %dma_start3A_78] : memref<2x128x128xf32, #tpu.memory_space<vmem>> -> memref<1x128x128xf32, #tpu.memory_space<vmem>>
      %dma_start3A_80 = tpu.memref_squeeze %dma_start3A_79 : memref<1x128x128xf32, #tpu.memory_space<vmem>> -> memref<128x128xf32, #tpu.memory_space<vmem>>
      %dma_start3A_81 = arith.constant 0 : i32
      %dma_start3A_82 = tpu.memref_slice %arg6[%add3A_75, %dma_start3A_81] : memref<40x128xi32, #tpu.memory_space<vmem>> -> memref<1x128xi32, #tpu.memory_space<vmem>>
      %dma_start3A_83 = tpu.memref_squeeze %dma_start3A_82 : memref<1x128xi32, #tpu.memory_space<vmem>> -> memref<128xi32, #tpu.memory_space<vmem>>
      %dma_start3A_84 = arith.constant 0 : i32
      %dma_start3A_85 = arith.constant 0 : i32
      %dma_start3A_86 = tpu.memref_slice %arg2[%dma_start3A_84, %dma_start3A_85] : memref<10240x128xf32, #tpu.memory_space<hbm>> -> memref<10240x128xf32, #tpu.memory_space<hbm>>
      tpu.enqueue_indirect_dma source(%dma_start3A_86 : memref<10240x128xf32, #tpu.memory_space<hbm>>) target(%dma_start3A_80 : memref<128x128xf32, #tpu.memory_space<vmem>>) offsets(%dma_start3A_83 : memref<128xi32, #tpu.memory_space<vmem>>) semaphore(%arg11 : memref<!tpu.dma_semaphore, #tpu.memory_space<semaphore_mem>>)
      %dma_wait3A_87 = arith.constant 0 : i32
      %dma_wait3A_88 = arith.constant 0 : i32
      %dma_wait3A_89 = arith.constant 0 : i32
      %dma_wait3A_90 = tpu.memref_slice %arg8[%dma_wait3A_87, %dma_wait3A_88, %dma_wait3A_89] : memref<2x128x128xf32, #tpu.memory_space<vmem>> -> memref<1x128x128xf32, #tpu.memory_space<vmem>>
      %dma_wait3A_91 = tpu.memref_squeeze %dma_wait3A_90 : memref<1x128x128xf32, #tpu.memory_space<vmem>> -> memref<128x128xf32, #tpu.memory_space<vmem>>
      %dma_wait3A_92 = arith.constant 0 : i32
      %dma_wait3A_93 = tpu.memref_slice %arg6[%mul3A_73, %dma_wait3A_92] : memref<40x128xi32, #tpu.memory_space<vmem>> -> memref<1x128xi32, #tpu.memory_space<vmem>>
      %dma_wait3A_94 = tpu.memref_squeeze %dma_wait3A_93 : memref<1x128xi32, #tpu.memory_space<vmem>> -> memref<128xi32, #tpu.memory_space<vmem>>
      %dma_wait3A_95 = arith.constant 0 : i32
      %dma_wait3A_96 = arith.constant 0 : i32
      %dma_wait3A_97 = tpu.memref_slice %arg2[%dma_wait3A_95, %dma_wait3A_96] : memref<10240x128xf32, #tpu.memory_space<hbm>> -> memref<10240x128xf32, #tpu.memory_space<hbm>>
      tpu.wait_indirect_dma semaphore(%arg10 : memref<!tpu.dma_semaphore, #tpu.memory_space<semaphore_mem>>) src(%dma_wait3A_97 : memref<10240x128xf32, #tpu.memory_space<hbm>>) dst(%dma_wait3A_91 : memref<128x128xf32, #tpu.memory_space<vmem>>)
      %run_scoped3A_98 = arith.constant 0 : i32
      "tpu.region"() ({
        %run_scoped3A_129 = tpu.sem_alloc : memref<!tpu.dma_semaphore, #tpu.memory_space<semaphore_mem>>
        %dma_start3A_130 = arith.constant 0 : i32
        %dma_start3A_131 = arith.constant 0 : i32
        %dma_start3A_132 = tpu.memref_slice %arg8[%run_scoped3A_98, %dma_start3A_130, %dma_start3A_131] : memref<2x128x128xf32, #tpu.memory_space<vmem>> -> memref<1x128x128xf32, #tpu.memory_space<vmem>>
        %dma_start3A_133 = tpu.memref_squeeze %dma_start3A_132 : memref<1x128x128xf32, #tpu.memory_space<vmem>> -> memref<128x128xf32, #tpu.memory_space<vmem>>
        %dma_start3A_134 = arith.constant 0 : i32
        %dma_start3A_135 = tpu.memref_slice %arg7[%mul3A_73, %dma_start3A_134] : memref<40x128xi32, #tpu.memory_space<vmem>> -> memref<1x128xi32, #tpu.memory_space<vmem>>
        %dma_start3A_136 = tpu.memref_squeeze %dma_start3A_135 : memref<1x128xi32, #tpu.memory_space<vmem>> -> memref<128xi32, #tpu.memory_space<vmem>>
        %dma_start3A_137 = arith.constant 0 : i32
        %dma_start3A_138 = arith.constant 0 : i32
        %dma_start3A_139 = tpu.memref_slice %arg9[%dma_start3A_137, %dma_start3A_138] : memref<10240x128xf32, #tpu.memory_space<vmem_shared>> -> memref<10240x128xf32, #tpu.memory_space<vmem_shared>>
        tpu.enqueue_indirect_dma source(%dma_start3A_133 : memref<128x128xf32, #tpu.memory_space<vmem>>) target(%dma_start3A_139 : memref<10240x128xf32, #tpu.memory_space<vmem_shared>>) offsets(%dma_start3A_136 : memref<128xi32, #tpu.memory_space<vmem>>) semaphore(%run_scoped3A_129 : memref<!tpu.dma_semaphore, #tpu.memory_space<semaphore_mem>>) {add = true}
        %dma_wait3A_140 = arith.constant 0 : i32
        %dma_wait3A_141 = arith.constant 0 : i32
        %dma_wait3A_142 = tpu.memref_slice %arg8[%run_scoped3A_98, %dma_wait3A_140, %dma_wait3A_141] : memref<2x128x128xf32, #tpu.memory_space<vmem>> -> memref<1x128x128xf32, #tpu.memory_space<vmem>>
        %dma_wait3A_143 = tpu.memref_squeeze %dma_wait3A_142 : memref<1x128x128xf32, #tpu.memory_space<vmem>> -> memref<128x128xf32, #tpu.memory_space<vmem>>
        %dma_wait3A_144 = arith.constant 0 : i32
        %dma_wait3A_145 = tpu.memref_slice %arg7[%mul3A_73, %dma_wait3A_144] : memref<40x128xi32, #tpu.memory_space<vmem>> -> memref<1x128xi32, #tpu.memory_space<vmem>>
        %dma_wait3A_146 = tpu.memref_squeeze %dma_wait3A_145 : memref<1x128xi32, #tpu.memory_space<vmem>> -> memref<128xi32, #tpu.memory_space<vmem>>
        %dma_wait3A_147 = arith.constant 0 : i32
        %dma_wait3A_148 = arith.constant 0 : i32
        %dma_wait3A_149 = tpu.memref_slice %arg9[%dma_wait3A_147, %dma_wait3A_148] : memref<10240x128xf32, #tpu.memory_space<vmem_shared>> -> memref<10240x128xf32, #tpu.memory_space<vmem_shared>>
        tpu.wait_indirect_dma semaphore(%run_scoped3A_129 : memref<!tpu.dma_semaphore, #tpu.memory_space<semaphore_mem>>) src(%dma_wait3A_143 : memref<128x128xf32, #tpu.memory_space<vmem>>) dst(%dma_wait3A_149 : memref<10240x128xf32, #tpu.memory_space<vmem_shared>>)
        tpu.yield
      }) : () -> ()
      %add3A_99 = arith.constant 2 : i32
      %add3A_100 = arith.addi %mul3A_73, %add3A_99 : i32
      %dma_start3A_101 = arith.constant 0 : i32
      %dma_start3A_102 = arith.constant 0 : i32
      %dma_start3A_103 = arith.constant 0 : i32
      %dma_start3A_104 = tpu.memref_slice %arg8[%dma_start3A_101, %dma_start3A_102, %dma_start3A_103] : memref<2x128x128xf32, #tpu.memory_space<vmem>> -> memref<1x128x128xf32, #tpu.memory_space<vmem>>
      %dma_start3A_105 = tpu.memref_squeeze %dma_start3A_104 : memref<1x128x128xf32, #tpu.memory_space<vmem>> -> memref<128x128xf32, #tpu.memory_space<vmem>>
      %dma_start3A_106 = arith.constant 0 : i32
      %dma_start3A_107 = tpu.memref_slice %arg6[%add3A_100, %dma_start3A_106] : memref<40x128xi32, #tpu.memory_space<vmem>> -> memref<1x128xi32, #tpu.memory_space<vmem>>
      %dma_start3A_108 = tpu.memref_squeeze %dma_start3A_107 : memref<1x128xi32, #tpu.memory_space<vmem>> -> memref<128xi32, #tpu.memory_space<vmem>>
      %dma_start3A_109 = arith.constant 0 : i32
      %dma_start3A_110 = arith.constant 0 : i32
      %dma_start3A_111 = tpu.memref_slice %arg2[%dma_start3A_109, %dma_start3A_110] : memref<10240x128xf32, #tpu.memory_space<hbm>> -> memref<10240x128xf32, #tpu.memory_space<hbm>>
      tpu.enqueue_indirect_dma source(%dma_start3A_111 : memref<10240x128xf32, #tpu.memory_space<hbm>>) target(%dma_start3A_105 : memref<128x128xf32, #tpu.memory_space<vmem>>) offsets(%dma_start3A_108 : memref<128xi32, #tpu.memory_space<vmem>>) semaphore(%arg10 : memref<!tpu.dma_semaphore, #tpu.memory_space<semaphore_mem>>)
      %add3A_112 = arith.constant 1 : i32
      %add3A_113 = arith.addi %mul3A_73, %add3A_112 : i32
      %dma_wait3A_114 = arith.constant 1 : i32
      %dma_wait3A_115 = arith.constant 0 : i32
      %dma_wait3A_116 = arith.constant 0 : i32
      %dma_wait3A_117 = tpu.memref_slice %arg8[%dma_wait3A_114, %dma_wait3A_115, %dma_wait3A_116] : memref<2x128x128xf32, #tpu.memory_space<vmem>> -> memref<1x128x128xf32, #tpu.memory_space<vmem>>
      %dma_wait3A_118 = tpu.memref_squeeze %dma_wait3A_117 : memref<1x128x128xf32, #tpu.memory_space<vmem>> -> memref<128x128xf32, #tpu.memory_space<vmem>>
      %dma_wait3A_119 = arith.constant 0 : i32
      %dma_wait3A_120 = tpu.memref_slice %arg6[%add3A_113, %dma_wait3A_119] : memref<40x128xi32, #tpu.memory_space<vmem>> -> memref<1x128xi32, #tpu.memory_space<vmem>>
      %dma_wait3A_121 = tpu.memref_squeeze %dma_wait3A_120 : memref<1x128xi32, #tpu.memory_space<vmem>> -> memref<128xi32, #tpu.memory_space<vmem>>
      %dma_wait3A_122 = arith.constant 0 : i32
      %dma_wait3A_123 = arith.constant 0 : i32
      %dma_wait3A_124 = tpu.memref_slice %arg2[%dma_wait3A_122, %dma_wait3A_123] : memref<10240x128xf32, #tpu.memory_space<hbm>> -> memref<10240x128xf32, #tpu.memory_space<hbm>>
      tpu.wait_indirect_dma semaphore(%arg11 : memref<!tpu.dma_semaphore, #tpu.memory_space<semaphore_mem>>) src(%dma_wait3A_124 : memref<10240x128xf32, #tpu.memory_space<hbm>>) dst(%dma_wait3A_118 : memref<128x128xf32, #tpu.memory_space<vmem>>)
      %add3A_125 = arith.constant 1 : i32
      %add3A_126 = arith.addi %mul3A_73, %add3A_125 : i32
      %run_scoped3A_127 = arith.constant 1 : i32
      "tpu.region"() ({
        %run_scoped3A_129 = tpu.sem_alloc : memref<!tpu.dma_semaphore, #tpu.memory_space<semaphore_mem>>
        %dma_start3A_130 = arith.constant 0 : i32
        %dma_start3A_131 = arith.constant 0 : i32
        %dma_start3A_132 = tpu.memref_slice %arg8[%run_scoped3A_127, %dma_start3A_130, %dma_start3A_131] : memref<2x128x128xf32, #tpu.memory_space<vmem>> -> memref<1x128x128xf32, #tpu.memory_space<vmem>>
        %dma_start3A_133 = tpu.memref_squeeze %dma_start3A_132 : memref<1x128x128xf32, #tpu.memory_space<vmem>> -> memref<128x128xf32, #tpu.memory_space<vmem>>
        %dma_start3A_134 = arith.constant 0 : i32
        %dma_start3A_135 = tpu.memref_slice %arg7[%add3A_126, %dma_start3A_134] : memref<40x128xi32, #tpu.memory_space<vmem>> -> memref<1x128xi32, #tpu.memory_space<vmem>>
        %dma_start3A_136 = tpu.memref_squeeze %dma_start3A_135 : memref<1x128xi32, #tpu.memory_space<vmem>> -> memref<128xi32, #tpu.memory_space<vmem>>
        %dma_start3A_137 = arith.constant 0 : i32
        %dma_start3A_138 = arith.constant 0 : i32
        %dma_start3A_139 = tpu.memref_slice %arg9[%dma_start3A_137, %dma_start3A_138] : memref<10240x128xf32, #tpu.memory_space<vmem_shared>> -> memref<10240x128xf32, #tpu.memory_space<vmem_shared>>
        tpu.enqueue_indirect_dma source(%dma_start3A_133 : memref<128x128xf32, #tpu.memory_space<vmem>>) target(%dma_start3A_139 : memref<10240x128xf32, #tpu.memory_space<vmem_shared>>) offsets(%dma_start3A_136 : memref<128xi32, #tpu.memory_space<vmem>>) semaphore(%run_scoped3A_129 : memref<!tpu.dma_semaphore, #tpu.memory_space<semaphore_mem>>) {add = true}
        %dma_wait3A_140 = arith.constant 0 : i32
        %dma_wait3A_141 = arith.constant 0 : i32
        %dma_wait3A_142 = tpu.memref_slice %arg8[%run_scoped3A_127, %dma_wait3A_140, %dma_wait3A_141] : memref<2x128x128xf32, #tpu.memory_space<vmem>> -> memref<1x128x128xf32, #tpu.memory_space<vmem>>
        %dma_wait3A_143 = tpu.memref_squeeze %dma_wait3A_142 : memref<1x128x128xf32, #tpu.memory_space<vmem>> -> memref<128x128xf32, #tpu.memory_space<vmem>>
        %dma_wait3A_144 = arith.constant 0 : i32
        %dma_wait3A_145 = tpu.memref_slice %arg7[%add3A_126, %dma_wait3A_144] : memref<40x128xi32, #tpu.memory_space<vmem>> -> memref<1x128xi32, #tpu.memory_space<vmem>>
        %dma_wait3A_146 = tpu.memref_squeeze %dma_wait3A_145 : memref<1x128xi32, #tpu.memory_space<vmem>> -> memref<128xi32, #tpu.memory_space<vmem>>
        %dma_wait3A_147 = arith.constant 0 : i32
        %dma_wait3A_148 = arith.constant 0 : i32
        %dma_wait3A_149 = tpu.memref_slice %arg9[%dma_wait3A_147, %dma_wait3A_148] : memref<10240x128xf32, #tpu.memory_space<vmem_shared>> -> memref<10240x128xf32, #tpu.memory_space<vmem_shared>>
        tpu.wait_indirect_dma semaphore(%run_scoped3A_129 : memref<!tpu.dma_semaphore, #tpu.memory_space<semaphore_mem>>) src(%dma_wait3A_143 : memref<128x128xf32, #tpu.memory_space<vmem>>) dst(%dma_wait3A_149 : memref<10240x128xf32, #tpu.memory_space<vmem_shared>>)
        tpu.yield
      }) : () -> ()
      %scan3A_128 = arith.constant 0 : i32
      scf.yield %scan3A_128 : i32
    }
    %scan3A_29 = arith.constant 19 : i32
    %dma_start3A_30 = arith.constant 39 : i32
    %dma_start3A_31 = arith.constant 1 : i32
    %dma_start3A_32 = arith.constant 0 : i32
    %dma_start3A_33 = arith.constant 0 : i32
    %dma_start3A_34 = tpu.memref_slice %arg8[%dma_start3A_31, %dma_start3A_32, %dma_start3A_33] : memref<2x128x128xf32, #tpu.memory_space<vmem>> -> memref<1x128x128xf32, #tpu.memory_space<vmem>>
    %dma_start3A_35 = tpu.memref_squeeze %dma_start3A_34 : memref<1x128x128xf32, #tpu.memory_space<vmem>> -> memref<128x128xf32, #tpu.memory_space<vmem>>
    %dma_start3A_36 = arith.constant 0 : i32
    %dma_start3A_37 = tpu.memref_slice %arg6[%dma_start3A_30, %dma_start3A_36] : memref<40x128xi32, #tpu.memory_space<vmem>> -> memref<1x128xi32, #tpu.memory_space<vmem>>
    %dma_start3A_38 = tpu.memref_squeeze %dma_start3A_37 : memref<1x128xi32, #tpu.memory_space<vmem>> -> memref<128xi32, #tpu.memory_space<vmem>>
    %dma_start3A_39 = arith.constant 0 : i32
    %dma_start3A_40 = arith.constant 0 : i32
    %dma_start3A_41 = tpu.memref_slice %arg2[%dma_start3A_39, %dma_start3A_40] : memref<10240x128xf32, #tpu.memory_space<hbm>> -> memref<10240x128xf32, #tpu.memory_space<hbm>>
    tpu.enqueue_indirect_dma source(%dma_start3A_41 : memref<10240x128xf32, #tpu.memory_space<hbm>>) target(%dma_start3A_35 : memref<128x128xf32, #tpu.memory_space<vmem>>) offsets(%dma_start3A_38 : memref<128xi32, #tpu.memory_space<vmem>>) semaphore(%arg11 : memref<!tpu.dma_semaphore, #tpu.memory_space<semaphore_mem>>)
    %dma_wait3A = arith.constant 38 : i32
    %dma_wait3A_42 = arith.constant 0 : i32
    %dma_wait3A_43 = arith.constant 0 : i32
    %dma_wait3A_44 = arith.constant 0 : i32
    %dma_wait3A_45 = tpu.memref_slice %arg8[%dma_wait3A_42, %dma_wait3A_43, %dma_wait3A_44] : memref<2x128x128xf32, #tpu.memory_space<vmem>> -> memref<1x128x128xf32, #tpu.memory_space<vmem>>
    %dma_wait3A_46 = tpu.memref_squeeze %dma_wait3A_45 : memref<1x128x128xf32, #tpu.memory_space<vmem>> -> memref<128x128xf32, #tpu.memory_space<vmem>>
    %dma_wait3A_47 = arith.constant 0 : i32
    %dma_wait3A_48 = tpu.memref_slice %arg6[%dma_wait3A, %dma_wait3A_47] : memref<40x128xi32, #tpu.memory_space<vmem>> -> memref<1x128xi32, #tpu.memory_space<vmem>>
    %dma_wait3A_49 = tpu.memref_squeeze %dma_wait3A_48 : memref<1x128xi32, #tpu.memory_space<vmem>> -> memref<128xi32, #tpu.memory_space<vmem>>
    %dma_wait3A_50 = arith.constant 0 : i32
    %dma_wait3A_51 = arith.constant 0 : i32
    %dma_wait3A_52 = tpu.memref_slice %arg2[%dma_wait3A_50, %dma_wait3A_51] : memref<10240x128xf32, #tpu.memory_space<hbm>> -> memref<10240x128xf32, #tpu.memory_space<hbm>>
    tpu.wait_indirect_dma semaphore(%arg10 : memref<!tpu.dma_semaphore, #tpu.memory_space<semaphore_mem>>) src(%dma_wait3A_52 : memref<10240x128xf32, #tpu.memory_space<hbm>>) dst(%dma_wait3A_46 : memref<128x128xf32, #tpu.memory_space<vmem>>)
    %run_scoped3A = arith.constant 0 : i32
    %run_scoped3A_53 = arith.constant 38 : i32
    "tpu.region"() ({
      %run_scoped3A_70 = tpu.sem_alloc : memref<!tpu.dma_semaphore, #tpu.memory_space<semaphore_mem>>
      %dma_start3A_71 = arith.constant 0 : i32
      %dma_start3A_72 = arith.constant 0 : i32
      %dma_start3A_73 = tpu.memref_slice %arg8[%run_scoped3A, %dma_start3A_71, %dma_start3A_72] : memref<2x128x128xf32, #tpu.memory_space<vmem>> -> memref<1x128x128xf32, #tpu.memory_space<vmem>>
      %dma_start3A_74 = tpu.memref_squeeze %dma_start3A_73 : memref<1x128x128xf32, #tpu.memory_space<vmem>> -> memref<128x128xf32, #tpu.memory_space<vmem>>
      %dma_start3A_75 = arith.constant 0 : i32
      %dma_start3A_76 = tpu.memref_slice %arg7[%run_scoped3A_53, %dma_start3A_75] : memref<40x128xi32, #tpu.memory_space<vmem>> -> memref<1x128xi32, #tpu.memory_space<vmem>>
      %dma_start3A_77 = tpu.memref_squeeze %dma_start3A_76 : memref<1x128xi32, #tpu.memory_space<vmem>> -> memref<128xi32, #tpu.memory_space<vmem>>
      %dma_start3A_78 = arith.constant 0 : i32
      %dma_start3A_79 = arith.constant 0 : i32
      %dma_start3A_80 = tpu.memref_slice %arg9[%dma_start3A_78, %dma_start3A_79] : memref<10240x128xf32, #tpu.memory_space<vmem_shared>> -> memref<10240x128xf32, #tpu.memory_space<vmem_shared>>
      tpu.enqueue_indirect_dma source(%dma_start3A_74 : memref<128x128xf32, #tpu.memory_space<vmem>>) target(%dma_start3A_80 : memref<10240x128xf32, #tpu.memory_space<vmem_shared>>) offsets(%dma_start3A_77 : memref<128xi32, #tpu.memory_space<vmem>>) semaphore(%run_scoped3A_70 : memref<!tpu.dma_semaphore, #tpu.memory_space<semaphore_mem>>) {add = true}
      %dma_wait3A_81 = arith.constant 0 : i32
      %dma_wait3A_82 = arith.constant 0 : i32
      %dma_wait3A_83 = tpu.memref_slice %arg8[%run_scoped3A, %dma_wait3A_81, %dma_wait3A_82] : memref<2x128x128xf32, #tpu.memory_space<vmem>> -> memref<1x128x128xf32, #tpu.memory_space<vmem>>
      %dma_wait3A_84 = tpu.memref_squeeze %dma_wait3A_83 : memref<1x128x128xf32, #tpu.memory_space<vmem>> -> memref<128x128xf32, #tpu.memory_space<vmem>>
      %dma_wait3A_85 = arith.constant 0 : i32
      %dma_wait3A_86 = tpu.memref_slice %arg7[%run_scoped3A_53, %dma_wait3A_85] : memref<40x128xi32, #tpu.memory_space<vmem>> -> memref<1x128xi32, #tpu.memory_space<vmem>>
      %dma_wait3A_87 = tpu.memref_squeeze %dma_wait3A_86 : memref<1x128xi32, #tpu.memory_space<vmem>> -> memref<128xi32, #tpu.memory_space<vmem>>
      %dma_wait3A_88 = arith.constant 0 : i32
      %dma_wait3A_89 = arith.constant 0 : i32
      %dma_wait3A_90 = tpu.memref_slice %arg9[%dma_wait3A_88, %dma_wait3A_89] : memref<10240x128xf32, #tpu.memory_space<vmem_shared>> -> memref<10240x128xf32, #tpu.memory_space<vmem_shared>>
      tpu.wait_indirect_dma semaphore(%run_scoped3A_70 : memref<!tpu.dma_semaphore, #tpu.memory_space<semaphore_mem>>) src(%dma_wait3A_84 : memref<128x128xf32, #tpu.memory_space<vmem>>) dst(%dma_wait3A_90 : memref<10240x128xf32, #tpu.memory_space<vmem_shared>>)
      tpu.yield
    }) : () -> ()
    %dma_wait3A_54 = arith.constant 39 : i32
    %dma_wait3A_55 = arith.constant 1 : i32
    %dma_wait3A_56 = arith.constant 0 : i32
    %dma_wait3A_57 = arith.constant 0 : i32
    %dma_wait3A_58 = tpu.memref_slice %arg8[%dma_wait3A_55, %dma_wait3A_56, %dma_wait3A_57] : memref<2x128x128xf32, #tpu.memory_space<vmem>> -> memref<1x128x128xf32, #tpu.memory_space<vmem>>
    %dma_wait3A_59 = tpu.memref_squeeze %dma_wait3A_58 : memref<1x128x128xf32, #tpu.memory_space<vmem>> -> memref<128x128xf32, #tpu.memory_space<vmem>>
    %dma_wait3A_60 = arith.constant 0 : i32
    %dma_wait3A_61 = tpu.memref_slice %arg6[%dma_wait3A_54, %dma_wait3A_60] : memref<40x128xi32, #tpu.memory_space<vmem>> -> memref<1x128xi32, #tpu.memory_space<vmem>>
    %dma_wait3A_62 = tpu.memref_squeeze %dma_wait3A_61 : memref<1x128xi32, #tpu.memory_space<vmem>> -> memref<128xi32, #tpu.memory_space<vmem>>
    %dma_wait3A_63 = arith.constant 0 : i32
    %dma_wait3A_64 = arith.constant 0 : i32
    %dma_wait3A_65 = tpu.memref_slice %arg2[%dma_wait3A_63, %dma_wait3A_64] : memref<10240x128xf32, #tpu.memory_space<hbm>> -> memref<10240x128xf32, #tpu.memory_space<hbm>>
    tpu.wait_indirect_dma semaphore(%arg11 : memref<!tpu.dma_semaphore, #tpu.memory_space<semaphore_mem>>) src(%dma_wait3A_65 : memref<10240x128xf32, #tpu.memory_space<hbm>>) dst(%dma_wait3A_59 : memref<128x128xf32, #tpu.memory_space<vmem>>)
    %run_scoped3A_66 = arith.constant 1 : i32
    %run_scoped3A_67 = arith.constant 39 : i32
    "tpu.region"() ({
      %run_scoped3A_70 = tpu.sem_alloc : memref<!tpu.dma_semaphore, #tpu.memory_space<semaphore_mem>>
      %dma_start3A_71 = arith.constant 0 : i32
      %dma_start3A_72 = arith.constant 0 : i32
      %dma_start3A_73 = tpu.memref_slice %arg8[%run_scoped3A_66, %dma_start3A_71, %dma_start3A_72] : memref<2x128x128xf32, #tpu.memory_space<vmem>> -> memref<1x128x128xf32, #tpu.memory_space<vmem>>
      %dma_start3A_74 = tpu.memref_squeeze %dma_start3A_73 : memref<1x128x128xf32, #tpu.memory_space<vmem>> -> memref<128x128xf32, #tpu.memory_space<vmem>>
      %dma_start3A_75 = arith.constant 0 : i32
      %dma_start3A_76 = tpu.memref_slice %arg7[%run_scoped3A_67, %dma_start3A_75] : memref<40x128xi32, #tpu.memory_space<vmem>> -> memref<1x128xi32, #tpu.memory_space<vmem>>
      %dma_start3A_77 = tpu.memref_squeeze %dma_start3A_76 : memref<1x128xi32, #tpu.memory_space<vmem>> -> memref<128xi32, #tpu.memory_space<vmem>>
      %dma_start3A_78 = arith.constant 0 : i32
      %dma_start3A_79 = arith.constant 0 : i32
      %dma_start3A_80 = tpu.memref_slice %arg9[%dma_start3A_78, %dma_start3A_79] : memref<10240x128xf32, #tpu.memory_space<vmem_shared>> -> memref<10240x128xf32, #tpu.memory_space<vmem_shared>>
      tpu.enqueue_indirect_dma source(%dma_start3A_74 : memref<128x128xf32, #tpu.memory_space<vmem>>) target(%dma_start3A_80 : memref<10240x128xf32, #tpu.memory_space<vmem_shared>>) offsets(%dma_start3A_77 : memref<128xi32, #tpu.memory_space<vmem>>) semaphore(%run_scoped3A_70 : memref<!tpu.dma_semaphore, #tpu.memory_space<semaphore_mem>>) {add = true}
      %dma_wait3A_81 = arith.constant 0 : i32
      %dma_wait3A_82 = arith.constant 0 : i32
      %dma_wait3A_83 = tpu.memref_slice %arg8[%run_scoped3A_66, %dma_wait3A_81, %dma_wait3A_82] : memref<2x128x128xf32, #tpu.memory_space<vmem>> -> memref<1x128x128xf32, #tpu.memory_space<vmem>>
      %dma_wait3A_84 = tpu.memref_squeeze %dma_wait3A_83 : memref<1x128x128xf32, #tpu.memory_space<vmem>> -> memref<128x128xf32, #tpu.memory_space<vmem>>
      %dma_wait3A_85 = arith.constant 0 : i32
      %dma_wait3A_86 = tpu.memref_slice %arg7[%run_scoped3A_67, %dma_wait3A_85] : memref<40x128xi32, #tpu.memory_space<vmem>> -> memref<1x128xi32, #tpu.memory_space<vmem>>
      %dma_wait3A_87 = tpu.memref_squeeze %dma_wait3A_86 : memref<1x128xi32, #tpu.memory_space<vmem>> -> memref<128xi32, #tpu.memory_space<vmem>>
      %dma_wait3A_88 = arith.constant 0 : i32
      %dma_wait3A_89 = arith.constant 0 : i32
      %dma_wait3A_90 = tpu.memref_slice %arg9[%dma_wait3A_88, %dma_wait3A_89] : memref<10240x128xf32, #tpu.memory_space<vmem_shared>> -> memref<10240x128xf32, #tpu.memory_space<vmem_shared>>
      tpu.wait_indirect_dma semaphore(%run_scoped3A_70 : memref<!tpu.dma_semaphore, #tpu.memory_space<semaphore_mem>>) src(%dma_wait3A_84 : memref<128x128xf32, #tpu.memory_space<vmem>>) dst(%dma_wait3A_90 : memref<10240x128xf32, #tpu.memory_space<vmem_shared>>)
      tpu.yield
    }) : () -> ()
    %barrier3A_68 = arith.constant 0 : index
    tpu.barrier barrier_id(%barrier3A_68)
    "tpu.region"() ({
      %run_scoped3A_70 = tpu.sem_alloc : memref<!tpu.dma_semaphore, #tpu.memory_space<semaphore_mem>>
      %dma_start3A_71 = arith.constant 0 : i32
      %dma_start3A_72 = tpu.memref_slice %arg5[%multiple_of3A_12, %dma_start3A_71] : memref<20480x128xf32, #tpu.memory_space<hbm>> -> memref<640x128xf32, #tpu.memory_space<hbm>>
      %dma_start3A_73 = arith.constant 0 : i32
      %dma_start3A_74 = tpu.memref_slice %arg9[%multiple_of3A, %dma_start3A_73] : memref<10240x128xf32, #tpu.memory_space<vmem_shared>> -> memref<640x128xf32, #tpu.memory_space<vmem_shared>>
      tpu.enqueue_dma source(%dma_start3A_74 : memref<640x128xf32, #tpu.memory_space<vmem_shared>>) target(%dma_start3A_72 : memref<640x128xf32, #tpu.memory_space<hbm>>) target_semaphore(%run_scoped3A_70 : memref<!tpu.dma_semaphore, #tpu.memory_space<semaphore_mem>>)
      %dma_wait3A_75 = arith.constant 0 : i32
      %dma_wait3A_76 = tpu.memref_slice %arg5[%multiple_of3A_12, %dma_wait3A_75] : memref<20480x128xf32, #tpu.memory_space<hbm>> -> memref<640x128xf32, #tpu.memory_space<hbm>>
      %dma_wait3A_77 = arith.constant 0 : i32
      %dma_wait3A_78 = tpu.memref_slice %arg9[%multiple_of3A, %dma_wait3A_77] : memref<10240x128xf32, #tpu.memory_space<vmem_shared>> -> memref<640x128xf32, #tpu.memory_space<vmem_shared>>
      tpu.wait_dma2 semaphore(%run_scoped3A_70 : memref<!tpu.dma_semaphore, #tpu.memory_space<semaphore_mem>>) src(%dma_wait3A_78 : memref<640x128xf32, #tpu.memory_space<vmem_shared>>) dst(%dma_wait3A_76 : memref<640x128xf32, #tpu.memory_space<hbm>>)
      tpu.yield
    }) : () -> ()
    %barrier3A_69 = arith.constant 0 : index
    tpu.barrier barrier_id(%barrier3A_69)
    return
  }
}

#map = affine_map<(d0, d1) -> (0, 0)>
module attributes {stable_mosaic.version = 14 : i64} {
  func.func @k(%arg0: i32, %arg1: i32, %arg2: memref<1280x128xi32, #tpu.memory_space<hbm>>, %arg3: memref<2x10240xf32, #tpu.memory_space<hbm>>, %arg4: memref<40x128xi32, #tpu.memory_space<vmem>>, %arg5: memref<128xf32, #tpu.memory_space<vmem>>, %arg6: memref<640xf32, #tpu.memory_space<vmem>>, %arg7: memref<10240xf32, #tpu.memory_space<vmem_shared>>, %arg8: memref<!tpu.dma_semaphore, #tpu.memory_space<semaphore_mem>>) attributes {dimension_semantics = [#tpu.dimension_semantics<core_parallel>, #tpu.dimension_semantics<subcore_parallel>], iteration_bounds = array<i64: 2, 16>, scalar_prefetch = 0 : i64, scratch_operands = 5 : i64, tpu.core_type = #tpu.core_type<sc_vector_subcore>, window_params = [{transform_indices = #map}, {transform_indices = #map}]} {
    %mul3A = arith.constant 2 : i32
    %mul3A_0 = arith.muli %arg1, %mul3A : i32
    %add3A = arith.addi %mul3A_0, %arg0 : i32
    %broadcast_in_dim3A = arith.constant 1.000000e+00 : f32
    %broadcast_in_dim3A_1 = vector.broadcast %broadcast_in_dim3A : f32 to vector<16xf32>
    %swap3A = arith.constant 0 : index
    %swap3A_2 = tpu.vector_load %arg5[%swap3A] {strides = array<i32>} : memref<128xf32, #tpu.memory_space<vmem>>, vector<16xf32>,
    %swap3A_3 = vector.shape_cast %swap3A_2 : vector<16xf32> to vector<16xf32>
    %swap3A_4 = vector.shape_cast %broadcast_in_dim3A_1 : vector<16xf32> to vector<16xf32>
    tpu.vector_store %arg5[%swap3A], %swap3A_4 {strides = array<i32>} : memref<128xf32, #tpu.memory_space<vmem>>, vector<16xf32>,
    %broadcast_in_dim3A_5 = arith.constant 1.000000e+00 : f32
    %broadcast_in_dim3A_6 = vector.broadcast %broadcast_in_dim3A_5 : f32 to vector<16xf32>
    %swap3A_7 = arith.constant 16 : index
    %swap3A_8 = tpu.vector_load %arg5[%swap3A_7] {strides = array<i32>} : memref<128xf32, #tpu.memory_space<vmem>>, vector<16xf32>,
    %swap3A_9 = vector.shape_cast %swap3A_8 : vector<16xf32> to vector<16xf32>
    %swap3A_10 = vector.shape_cast %broadcast_in_dim3A_6 : vector<16xf32> to vector<16xf32>
    tpu.vector_store %arg5[%swap3A_7], %swap3A_10 {strides = array<i32>} : memref<128xf32, #tpu.memory_space<vmem>>, vector<16xf32>,
    %broadcast_in_dim3A_11 = arith.constant 1.000000e+00 : f32
    %broadcast_in_dim3A_12 = vector.broadcast %broadcast_in_dim3A_11 : f32 to vector<16xf32>
    %swap3A_13 = arith.constant 32 : index
    %swap3A_14 = tpu.vector_load %arg5[%swap3A_13] {strides = array<i32>} : memref<128xf32, #tpu.memory_space<vmem>>, vector<16xf32>,
    %swap3A_15 = vector.shape_cast %swap3A_14 : vector<16xf32> to vector<16xf32>
    %swap3A_16 = vector.shape_cast %broadcast_in_dim3A_12 : vector<16xf32> to vector<16xf32>
    tpu.vector_store %arg5[%swap3A_13], %swap3A_16 {strides = array<i32>} : memref<128xf32, #tpu.memory_space<vmem>>, vector<16xf32>,
    %broadcast_in_dim3A_17 = arith.constant 1.000000e+00 : f32
    %broadcast_in_dim3A_18 = vector.broadcast %broadcast_in_dim3A_17 : f32 to vector<16xf32>
    %swap3A_19 = arith.constant 48 : index
    %swap3A_20 = tpu.vector_load %arg5[%swap3A_19] {strides = array<i32>} : memref<128xf32, #tpu.memory_space<vmem>>, vector<16xf32>,
    %swap3A_21 = vector.shape_cast %swap3A_20 : vector<16xf32> to vector<16xf32>
    %swap3A_22 = vector.shape_cast %broadcast_in_dim3A_18 : vector<16xf32> to vector<16xf32>
    tpu.vector_store %arg5[%swap3A_19], %swap3A_22 {strides = array<i32>} : memref<128xf32, #tpu.memory_space<vmem>>, vector<16xf32>,
    %broadcast_in_dim3A_23 = arith.constant 1.000000e+00 : f32
    %broadcast_in_dim3A_24 = vector.broadcast %broadcast_in_dim3A_23 : f32 to vector<16xf32>
    %swap3A_25 = arith.constant 64 : index
    %swap3A_26 = tpu.vector_load %arg5[%swap3A_25] {strides = array<i32>} : memref<128xf32, #tpu.memory_space<vmem>>, vector<16xf32>,
    %swap3A_27 = vector.shape_cast %swap3A_26 : vector<16xf32> to vector<16xf32>
    %swap3A_28 = vector.shape_cast %broadcast_in_dim3A_24 : vector<16xf32> to vector<16xf32>
    tpu.vector_store %arg5[%swap3A_25], %swap3A_28 {strides = array<i32>} : memref<128xf32, #tpu.memory_space<vmem>>, vector<16xf32>,
    %broadcast_in_dim3A_29 = arith.constant 1.000000e+00 : f32
    %broadcast_in_dim3A_30 = vector.broadcast %broadcast_in_dim3A_29 : f32 to vector<16xf32>
    %swap3A_31 = arith.constant 80 : index
    %swap3A_32 = tpu.vector_load %arg5[%swap3A_31] {strides = array<i32>} : memref<128xf32, #tpu.memory_space<vmem>>, vector<16xf32>,
    %swap3A_33 = vector.shape_cast %swap3A_32 : vector<16xf32> to vector<16xf32>
    %swap3A_34 = vector.shape_cast %broadcast_in_dim3A_30 : vector<16xf32> to vector<16xf32>
    tpu.vector_store %arg5[%swap3A_31], %swap3A_34 {strides = array<i32>} : memref<128xf32, #tpu.memory_space<vmem>>, vector<16xf32>,
    %broadcast_in_dim3A_35 = arith.constant 1.000000e+00 : f32
    %broadcast_in_dim3A_36 = vector.broadcast %broadcast_in_dim3A_35 : f32 to vector<16xf32>
    %swap3A_37 = arith.constant 96 : index
    %swap3A_38 = tpu.vector_load %arg5[%swap3A_37] {strides = array<i32>} : memref<128xf32, #tpu.memory_space<vmem>>, vector<16xf32>,
    %swap3A_39 = vector.shape_cast %swap3A_38 : vector<16xf32> to vector<16xf32>
    %swap3A_40 = vector.shape_cast %broadcast_in_dim3A_36 : vector<16xf32> to vector<16xf32>
    tpu.vector_store %arg5[%swap3A_37], %swap3A_40 {strides = array<i32>} : memref<128xf32, #tpu.memory_space<vmem>>, vector<16xf32>,
    %broadcast_in_dim3A_41 = arith.constant 1.000000e+00 : f32
    %broadcast_in_dim3A_42 = vector.broadcast %broadcast_in_dim3A_41 : f32 to vector<16xf32>
    %swap3A_43 = arith.constant 112 : index
    %swap3A_44 = tpu.vector_load %arg5[%swap3A_43] {strides = array<i32>} : memref<128xf32, #tpu.memory_space<vmem>>, vector<16xf32>,
    %swap3A_45 = vector.shape_cast %swap3A_44 : vector<16xf32> to vector<16xf32>
    %swap3A_46 = vector.shape_cast %broadcast_in_dim3A_42 : vector<16xf32> to vector<16xf32>
    tpu.vector_store %arg5[%swap3A_43], %swap3A_46 {strides = array<i32>} : memref<128xf32, #tpu.memory_space<vmem>>, vector<16xf32>,
    %broadcast_in_dim3A_47 = arith.constant 0.000000e+00 : f32
    %broadcast_in_dim3A_48 = vector.broadcast %broadcast_in_dim3A_47 : f32 to vector<16xf32>
    %scan3A = arith.constant 0 : i32
    %scan3A_49 = arith.constant 0 : i32
    %scan3A_50 = arith.constant 40 : i32
    %scan3A_51 = arith.addi %scan3A_49, %scan3A_50 : i32
    %scan3A_52 = arith.constant 1 : i32
    %scan3A_53 = scf.for %scan3A_67 = %scan3A_49 to %scan3A_51 step %scan3A_52 iter_args(%scan3A_68 = %scan3A) -> (i32)  : i32 {
      %mul3A_69 = arith.constant 16 : i32
      %mul3A_70 = arith.muli %scan3A_67, %mul3A_69 : i32
      %swap3A_71 = arith.index_cast %mul3A_70 : i32 to index
      %swap3A_72 = tpu.vector_load %arg6[%swap3A_71] {strides = array<i32>} : memref<640xf32, #tpu.memory_space<vmem>>, vector<16xf32>,
      %swap3A_73 = vector.shape_cast %swap3A_72 : vector<16xf32> to vector<16xf32>
      %swap3A_74 = vector.shape_cast %broadcast_in_dim3A_48 : vector<16xf32> to vector<16xf32>
      tpu.vector_store %arg6[%swap3A_71], %swap3A_74 {strides = array<i32>} : memref<640xf32, #tpu.memory_space<vmem>>, vector<16xf32>,
      %scan3A_75 = arith.constant 0 : i32
      scf.yield %scan3A_75 : i32
    }
    %scan3A_54 = arith.constant 40 : i32
    %mul3A_55 = arith.constant 40 : i32
    %mul3A_56 = arith.muli %add3A, %mul3A_55 : i32
    "tpu.region"() ({
      %run_scoped3A = tpu.sem_alloc : memref<!tpu.dma_semaphore, #tpu.memory_space<semaphore_mem>>
      %dma_start3A = arith.constant 0 : i32
      %dma_start3A_67 = tpu.memref_slice %arg2[%mul3A_56, %dma_start3A] : memref<1280x128xi32, #tpu.memory_space<hbm>> -> memref<40x128xi32, #tpu.memory_space<hbm>>
      %dma_start3A_68 = arith.constant 0 : i32
      %dma_start3A_69 = tpu.memref_slice %arg2[%mul3A_56, %dma_start3A_68] : memref<1280x128xi32, #tpu.memory_space<hbm>> -> memref<40x128xi32, #tpu.memory_space<hbm>>
      tpu.enqueue_dma source(%dma_start3A_69 : memref<40x128xi32, #tpu.memory_space<hbm>>) target(%arg4 : memref<40x128xi32, #tpu.memory_space<vmem>>) target_semaphore(%run_scoped3A : memref<!tpu.dma_semaphore, #tpu.memory_space<semaphore_mem>>)
      %dma_wait3A = arith.constant 0 : i32
      %dma_wait3A_70 = tpu.memref_slice %arg2[%mul3A_56, %dma_wait3A] : memref<1280x128xi32, #tpu.memory_space<hbm>> -> memref<40x128xi32, #tpu.memory_space<hbm>>
      %dma_wait3A_71 = arith.constant 0 : i32
      %dma_wait3A_72 = tpu.memref_slice %arg2[%mul3A_56, %dma_wait3A_71] : memref<1280x128xi32, #tpu.memory_space<hbm>> -> memref<40x128xi32, #tpu.memory_space<hbm>>
      tpu.wait_dma2 semaphore(%run_scoped3A : memref<!tpu.dma_semaphore, #tpu.memory_space<semaphore_mem>>) src(%dma_wait3A_72 : memref<40x128xi32, #tpu.memory_space<hbm>>) dst(%arg4 : memref<40x128xi32, #tpu.memory_space<vmem>>)
      tpu.yield
    }) : () -> ()
    %mul3A_57 = arith.constant 640 : i32
    %mul3A_58 = arith.muli %arg1, %mul3A_57 : i32
    %multiple_of3A = tpu.assume_multiple %mul3A_58, 8 : i32
    "tpu.region"() ({
      %run_scoped3A = tpu.sem_alloc : memref<!tpu.dma_semaphore, #tpu.memory_space<semaphore_mem>>
      %dma_start3A = tpu.memref_slice %arg7[%multiple_of3A] : memref<10240xf32, #tpu.memory_space<vmem_shared>> -> memref<640xf32, #tpu.memory_space<vmem_shared>>
      %dma_start3A_67 = tpu.memref_slice %arg7[%multiple_of3A] : memref<10240xf32, #tpu.memory_space<vmem_shared>> -> memref<640xf32, #tpu.memory_space<vmem_shared>>
      tpu.enqueue_dma source(%arg6 : memref<640xf32, #tpu.memory_space<vmem>>) target(%dma_start3A_67 : memref<640xf32, #tpu.memory_space<vmem_shared>>) target_semaphore(%run_scoped3A : memref<!tpu.dma_semaphore, #tpu.memory_space<semaphore_mem>>)
      %dma_wait3A = tpu.memref_slice %arg7[%multiple_of3A] : memref<10240xf32, #tpu.memory_space<vmem_shared>> -> memref<640xf32, #tpu.memory_space<vmem_shared>>
      %dma_wait3A_68 = tpu.memref_slice %arg7[%multiple_of3A] : memref<10240xf32, #tpu.memory_space<vmem_shared>> -> memref<640xf32, #tpu.memory_space<vmem_shared>>
      tpu.wait_dma2 semaphore(%run_scoped3A : memref<!tpu.dma_semaphore, #tpu.memory_space<semaphore_mem>>) src(%arg6 : memref<640xf32, #tpu.memory_space<vmem>>) dst(%dma_wait3A_68 : memref<640xf32, #tpu.memory_space<vmem_shared>>)
      tpu.yield
    }) : () -> ()
    %barrier3A = arith.constant 0 : index
    tpu.barrier barrier_id(%barrier3A)
    %scan3A_59 = arith.constant 0 : i32
    %scan3A_60 = arith.constant 0 : i32
    %scan3A_61 = arith.constant 5 : i32
    %scan3A_62 = arith.addi %scan3A_60, %scan3A_61 : i32
    %scan3A_63 = arith.constant 1 : i32
    %scan3A_64 = scf.for %scan3A_67 = %scan3A_60 to %scan3A_62 step %scan3A_63 iter_args(%scan3A_68 = %scan3A_59) -> (i32)  : i32 {
      %mul3A_69 = arith.constant 8 : i32
      %mul3A_70 = arith.muli %scan3A_67, %mul3A_69 : i32
      %add3A_71 = arith.constant 0 : i32
      %add3A_72 = arith.addi %mul3A_70, %add3A_71 : i32
      %dma_start3A = arith.constant 0 : i32
      %dma_start3A_73 = tpu.memref_slice %arg4[%add3A_72, %dma_start3A] : memref<40x128xi32, #tpu.memory_space<vmem>> -> memref<1x128xi32, #tpu.memory_space<vmem>>
      %dma_start3A_74 = tpu.memref_squeeze %dma_start3A_73 : memref<1x128xi32, #tpu.memory_space<vmem>> -> memref<128xi32, #tpu.memory_space<vmem>>
      %dma_start3A_75 = arith.constant 0 : i32
      %dma_start3A_76 = tpu.memref_slice %arg7[%dma_start3A_75] : memref<10240xf32, #tpu.memory_space<vmem_shared>> -> memref<10240xf32, #tpu.memory_space<vmem_shared>>
      tpu.enqueue_indirect_dma source(%arg5 : memref<128xf32, #tpu.memory_space<vmem>>) target(%dma_start3A_76 : memref<10240xf32, #tpu.memory_space<vmem_shared>>) offsets(%dma_start3A_74 : memref<128xi32, #tpu.memory_space<vmem>>) semaphore(%arg8 : memref<!tpu.dma_semaphore, #tpu.memory_space<semaphore_mem>>) {add = true}
      %mul3A_77 = arith.constant 8 : i32
      %mul3A_78 = arith.muli %scan3A_67, %mul3A_77 : i32
      %add3A_79 = arith.constant 1 : i32
      %add3A_80 = arith.addi %mul3A_78, %add3A_79 : i32
      %dma_start3A_81 = arith.constant 0 : i32
      %dma_start3A_82 = tpu.memref_slice %arg4[%add3A_80, %dma_start3A_81] : memref<40x128xi32, #tpu.memory_space<vmem>> -> memref<1x128xi32, #tpu.memory_space<vmem>>
      %dma_start3A_83 = tpu.memref_squeeze %dma_start3A_82 : memref<1x128xi32, #tpu.memory_space<vmem>> -> memref<128xi32, #tpu.memory_space<vmem>>
      %dma_start3A_84 = arith.constant 0 : i32
      %dma_start3A_85 = tpu.memref_slice %arg7[%dma_start3A_84] : memref<10240xf32, #tpu.memory_space<vmem_shared>> -> memref<10240xf32, #tpu.memory_space<vmem_shared>>
      tpu.enqueue_indirect_dma source(%arg5 : memref<128xf32, #tpu.memory_space<vmem>>) target(%dma_start3A_85 : memref<10240xf32, #tpu.memory_space<vmem_shared>>) offsets(%dma_start3A_83 : memref<128xi32, #tpu.memory_space<vmem>>) semaphore(%arg8 : memref<!tpu.dma_semaphore, #tpu.memory_space<semaphore_mem>>) {add = true}
      %mul3A_86 = arith.constant 8 : i32
      %mul3A_87 = arith.muli %scan3A_67, %mul3A_86 : i32
      %add3A_88 = arith.constant 2 : i32
      %add3A_89 = arith.addi %mul3A_87, %add3A_88 : i32
      %dma_start3A_90 = arith.constant 0 : i32
      %dma_start3A_91 = tpu.memref_slice %arg4[%add3A_89, %dma_start3A_90] : memref<40x128xi32, #tpu.memory_space<vmem>> -> memref<1x128xi32, #tpu.memory_space<vmem>>
      %dma_start3A_92 = tpu.memref_squeeze %dma_start3A_91 : memref<1x128xi32, #tpu.memory_space<vmem>> -> memref<128xi32, #tpu.memory_space<vmem>>
      %dma_start3A_93 = arith.constant 0 : i32
      %dma_start3A_94 = tpu.memref_slice %arg7[%dma_start3A_93] : memref<10240xf32, #tpu.memory_space<vmem_shared>> -> memref<10240xf32, #tpu.memory_space<vmem_shared>>
      tpu.enqueue_indirect_dma source(%arg5 : memref<128xf32, #tpu.memory_space<vmem>>) target(%dma_start3A_94 : memref<10240xf32, #tpu.memory_space<vmem_shared>>) offsets(%dma_start3A_92 : memref<128xi32, #tpu.memory_space<vmem>>) semaphore(%arg8 : memref<!tpu.dma_semaphore, #tpu.memory_space<semaphore_mem>>) {add = true}
      %mul3A_95 = arith.constant 8 : i32
      %mul3A_96 = arith.muli %scan3A_67, %mul3A_95 : i32
      %add3A_97 = arith.constant 3 : i32
      %add3A_98 = arith.addi %mul3A_96, %add3A_97 : i32
      %dma_start3A_99 = arith.constant 0 : i32
      %dma_start3A_100 = tpu.memref_slice %arg4[%add3A_98, %dma_start3A_99] : memref<40x128xi32, #tpu.memory_space<vmem>> -> memref<1x128xi32, #tpu.memory_space<vmem>>
      %dma_start3A_101 = tpu.memref_squeeze %dma_start3A_100 : memref<1x128xi32, #tpu.memory_space<vmem>> -> memref<128xi32, #tpu.memory_space<vmem>>
      %dma_start3A_102 = arith.constant 0 : i32
      %dma_start3A_103 = tpu.memref_slice %arg7[%dma_start3A_102] : memref<10240xf32, #tpu.memory_space<vmem_shared>> -> memref<10240xf32, #tpu.memory_space<vmem_shared>>
      tpu.enqueue_indirect_dma source(%arg5 : memref<128xf32, #tpu.memory_space<vmem>>) target(%dma_start3A_103 : memref<10240xf32, #tpu.memory_space<vmem_shared>>) offsets(%dma_start3A_101 : memref<128xi32, #tpu.memory_space<vmem>>) semaphore(%arg8 : memref<!tpu.dma_semaphore, #tpu.memory_space<semaphore_mem>>) {add = true}
      %mul3A_104 = arith.constant 8 : i32
      %mul3A_105 = arith.muli %scan3A_67, %mul3A_104 : i32
      %add3A_106 = arith.constant 4 : i32
      %add3A_107 = arith.addi %mul3A_105, %add3A_106 : i32
      %dma_start3A_108 = arith.constant 0 : i32
      %dma_start3A_109 = tpu.memref_slice %arg4[%add3A_107, %dma_start3A_108] : memref<40x128xi32, #tpu.memory_space<vmem>> -> memref<1x128xi32, #tpu.memory_space<vmem>>
      %dma_start3A_110 = tpu.memref_squeeze %dma_start3A_109 : memref<1x128xi32, #tpu.memory_space<vmem>> -> memref<128xi32, #tpu.memory_space<vmem>>
      %dma_start3A_111 = arith.constant 0 : i32
      %dma_start3A_112 = tpu.memref_slice %arg7[%dma_start3A_111] : memref<10240xf32, #tpu.memory_space<vmem_shared>> -> memref<10240xf32, #tpu.memory_space<vmem_shared>>
      tpu.enqueue_indirect_dma source(%arg5 : memref<128xf32, #tpu.memory_space<vmem>>) target(%dma_start3A_112 : memref<10240xf32, #tpu.memory_space<vmem_shared>>) offsets(%dma_start3A_110 : memref<128xi32, #tpu.memory_space<vmem>>) semaphore(%arg8 : memref<!tpu.dma_semaphore, #tpu.memory_space<semaphore_mem>>) {add = true}
      %mul3A_113 = arith.constant 8 : i32
      %mul3A_114 = arith.muli %scan3A_67, %mul3A_113 : i32
      %add3A_115 = arith.constant 5 : i32
      %add3A_116 = arith.addi %mul3A_114, %add3A_115 : i32
      %dma_start3A_117 = arith.constant 0 : i32
      %dma_start3A_118 = tpu.memref_slice %arg4[%add3A_116, %dma_start3A_117] : memref<40x128xi32, #tpu.memory_space<vmem>> -> memref<1x128xi32, #tpu.memory_space<vmem>>
      %dma_start3A_119 = tpu.memref_squeeze %dma_start3A_118 : memref<1x128xi32, #tpu.memory_space<vmem>> -> memref<128xi32, #tpu.memory_space<vmem>>
      %dma_start3A_120 = arith.constant 0 : i32
      %dma_start3A_121 = tpu.memref_slice %arg7[%dma_start3A_120] : memref<10240xf32, #tpu.memory_space<vmem_shared>> -> memref<10240xf32, #tpu.memory_space<vmem_shared>>
      tpu.enqueue_indirect_dma source(%arg5 : memref<128xf32, #tpu.memory_space<vmem>>) target(%dma_start3A_121 : memref<10240xf32, #tpu.memory_space<vmem_shared>>) offsets(%dma_start3A_119 : memref<128xi32, #tpu.memory_space<vmem>>) semaphore(%arg8 : memref<!tpu.dma_semaphore, #tpu.memory_space<semaphore_mem>>) {add = true}
      %mul3A_122 = arith.constant 8 : i32
      %mul3A_123 = arith.muli %scan3A_67, %mul3A_122 : i32
      %add3A_124 = arith.constant 6 : i32
      %add3A_125 = arith.addi %mul3A_123, %add3A_124 : i32
      %dma_start3A_126 = arith.constant 0 : i32
      %dma_start3A_127 = tpu.memref_slice %arg4[%add3A_125, %dma_start3A_126] : memref<40x128xi32, #tpu.memory_space<vmem>> -> memref<1x128xi32, #tpu.memory_space<vmem>>
      %dma_start3A_128 = tpu.memref_squeeze %dma_start3A_127 : memref<1x128xi32, #tpu.memory_space<vmem>> -> memref<128xi32, #tpu.memory_space<vmem>>
      %dma_start3A_129 = arith.constant 0 : i32
      %dma_start3A_130 = tpu.memref_slice %arg7[%dma_start3A_129] : memref<10240xf32, #tpu.memory_space<vmem_shared>> -> memref<10240xf32, #tpu.memory_space<vmem_shared>>
      tpu.enqueue_indirect_dma source(%arg5 : memref<128xf32, #tpu.memory_space<vmem>>) target(%dma_start3A_130 : memref<10240xf32, #tpu.memory_space<vmem_shared>>) offsets(%dma_start3A_128 : memref<128xi32, #tpu.memory_space<vmem>>) semaphore(%arg8 : memref<!tpu.dma_semaphore, #tpu.memory_space<semaphore_mem>>) {add = true}
      %mul3A_131 = arith.constant 8 : i32
      %mul3A_132 = arith.muli %scan3A_67, %mul3A_131 : i32
      %add3A_133 = arith.constant 7 : i32
      %add3A_134 = arith.addi %mul3A_132, %add3A_133 : i32
      %dma_start3A_135 = arith.constant 0 : i32
      %dma_start3A_136 = tpu.memref_slice %arg4[%add3A_134, %dma_start3A_135] : memref<40x128xi32, #tpu.memory_space<vmem>> -> memref<1x128xi32, #tpu.memory_space<vmem>>
      %dma_start3A_137 = tpu.memref_squeeze %dma_start3A_136 : memref<1x128xi32, #tpu.memory_space<vmem>> -> memref<128xi32, #tpu.memory_space<vmem>>
      %dma_start3A_138 = arith.constant 0 : i32
      %dma_start3A_139 = tpu.memref_slice %arg7[%dma_start3A_138] : memref<10240xf32, #tpu.memory_space<vmem_shared>> -> memref<10240xf32, #tpu.memory_space<vmem_shared>>
      tpu.enqueue_indirect_dma source(%arg5 : memref<128xf32, #tpu.memory_space<vmem>>) target(%dma_start3A_139 : memref<10240xf32, #tpu.memory_space<vmem_shared>>) offsets(%dma_start3A_137 : memref<128xi32, #tpu.memory_space<vmem>>) semaphore(%arg8 : memref<!tpu.dma_semaphore, #tpu.memory_space<semaphore_mem>>) {add = true}
      %dma_wait3A = arith.constant 0 : i32
      %dma_wait3A_140 = tpu.memref_slice %arg4[%add3A_72, %dma_wait3A] : memref<40x128xi32, #tpu.memory_space<vmem>> -> memref<1x128xi32, #tpu.memory_space<vmem>>
      %dma_wait3A_141 = tpu.memref_squeeze %dma_wait3A_140 : memref<1x128xi32, #tpu.memory_space<vmem>> -> memref<128xi32, #tpu.memory_space<vmem>>
      %dma_wait3A_142 = arith.constant 0 : i32
      %dma_wait3A_143 = tpu.memref_slice %arg7[%dma_wait3A_142] : memref<10240xf32, #tpu.memory_space<vmem_shared>> -> memref<10240xf32, #tpu.memory_space<vmem_shared>>
      tpu.wait_indirect_dma semaphore(%arg8 : memref<!tpu.dma_semaphore, #tpu.memory_space<semaphore_mem>>) src(%arg5 : memref<128xf32, #tpu.memory_space<vmem>>) dst(%dma_wait3A_143 : memref<10240xf32, #tpu.memory_space<vmem_shared>>)
      %dma_wait3A_144 = arith.constant 0 : i32
      %dma_wait3A_145 = tpu.memref_slice %arg4[%add3A_80, %dma_wait3A_144] : memref<40x128xi32, #tpu.memory_space<vmem>> -> memref<1x128xi32, #tpu.memory_space<vmem>>
      %dma_wait3A_146 = tpu.memref_squeeze %dma_wait3A_145 : memref<1x128xi32, #tpu.memory_space<vmem>> -> memref<128xi32, #tpu.memory_space<vmem>>
      %dma_wait3A_147 = arith.constant 0 : i32
      %dma_wait3A_148 = tpu.memref_slice %arg7[%dma_wait3A_147] : memref<10240xf32, #tpu.memory_space<vmem_shared>> -> memref<10240xf32, #tpu.memory_space<vmem_shared>>
      tpu.wait_indirect_dma semaphore(%arg8 : memref<!tpu.dma_semaphore, #tpu.memory_space<semaphore_mem>>) src(%arg5 : memref<128xf32, #tpu.memory_space<vmem>>) dst(%dma_wait3A_148 : memref<10240xf32, #tpu.memory_space<vmem_shared>>)
      %dma_wait3A_149 = arith.constant 0 : i32
      %dma_wait3A_150 = tpu.memref_slice %arg4[%add3A_89, %dma_wait3A_149] : memref<40x128xi32, #tpu.memory_space<vmem>> -> memref<1x128xi32, #tpu.memory_space<vmem>>
      %dma_wait3A_151 = tpu.memref_squeeze %dma_wait3A_150 : memref<1x128xi32, #tpu.memory_space<vmem>> -> memref<128xi32, #tpu.memory_space<vmem>>
      %dma_wait3A_152 = arith.constant 0 : i32
      %dma_wait3A_153 = tpu.memref_slice %arg7[%dma_wait3A_152] : memref<10240xf32, #tpu.memory_space<vmem_shared>> -> memref<10240xf32, #tpu.memory_space<vmem_shared>>
      tpu.wait_indirect_dma semaphore(%arg8 : memref<!tpu.dma_semaphore, #tpu.memory_space<semaphore_mem>>) src(%arg5 : memref<128xf32, #tpu.memory_space<vmem>>) dst(%dma_wait3A_153 : memref<10240xf32, #tpu.memory_space<vmem_shared>>)
      %dma_wait3A_154 = arith.constant 0 : i32
      %dma_wait3A_155 = tpu.memref_slice %arg4[%add3A_98, %dma_wait3A_154] : memref<40x128xi32, #tpu.memory_space<vmem>> -> memref<1x128xi32, #tpu.memory_space<vmem>>
      %dma_wait3A_156 = tpu.memref_squeeze %dma_wait3A_155 : memref<1x128xi32, #tpu.memory_space<vmem>> -> memref<128xi32, #tpu.memory_space<vmem>>
      %dma_wait3A_157 = arith.constant 0 : i32
      %dma_wait3A_158 = tpu.memref_slice %arg7[%dma_wait3A_157] : memref<10240xf32, #tpu.memory_space<vmem_shared>> -> memref<10240xf32, #tpu.memory_space<vmem_shared>>
      tpu.wait_indirect_dma semaphore(%arg8 : memref<!tpu.dma_semaphore, #tpu.memory_space<semaphore_mem>>) src(%arg5 : memref<128xf32, #tpu.memory_space<vmem>>) dst(%dma_wait3A_158 : memref<10240xf32, #tpu.memory_space<vmem_shared>>)
      %dma_wait3A_159 = arith.constant 0 : i32
      %dma_wait3A_160 = tpu.memref_slice %arg4[%add3A_107, %dma_wait3A_159] : memref<40x128xi32, #tpu.memory_space<vmem>> -> memref<1x128xi32, #tpu.memory_space<vmem>>
      %dma_wait3A_161 = tpu.memref_squeeze %dma_wait3A_160 : memref<1x128xi32, #tpu.memory_space<vmem>> -> memref<128xi32, #tpu.memory_space<vmem>>
      %dma_wait3A_162 = arith.constant 0 : i32
      %dma_wait3A_163 = tpu.memref_slice %arg7[%dma_wait3A_162] : memref<10240xf32, #tpu.memory_space<vmem_shared>> -> memref<10240xf32, #tpu.memory_space<vmem_shared>>
      tpu.wait_indirect_dma semaphore(%arg8 : memref<!tpu.dma_semaphore, #tpu.memory_space<semaphore_mem>>) src(%arg5 : memref<128xf32, #tpu.memory_space<vmem>>) dst(%dma_wait3A_163 : memref<10240xf32, #tpu.memory_space<vmem_shared>>)
      %dma_wait3A_164 = arith.constant 0 : i32
      %dma_wait3A_165 = tpu.memref_slice %arg4[%add3A_116, %dma_wait3A_164] : memref<40x128xi32, #tpu.memory_space<vmem>> -> memref<1x128xi32, #tpu.memory_space<vmem>>
      %dma_wait3A_166 = tpu.memref_squeeze %dma_wait3A_165 : memref<1x128xi32, #tpu.memory_space<vmem>> -> memref<128xi32, #tpu.memory_space<vmem>>
      %dma_wait3A_167 = arith.constant 0 : i32
      %dma_wait3A_168 = tpu.memref_slice %arg7[%dma_wait3A_167] : memref<10240xf32, #tpu.memory_space<vmem_shared>> -> memref<10240xf32, #tpu.memory_space<vmem_shared>>
      tpu.wait_indirect_dma semaphore(%arg8 : memref<!tpu.dma_semaphore, #tpu.memory_space<semaphore_mem>>) src(%arg5 : memref<128xf32, #tpu.memory_space<vmem>>) dst(%dma_wait3A_168 : memref<10240xf32, #tpu.memory_space<vmem_shared>>)
      %dma_wait3A_169 = arith.constant 0 : i32
      %dma_wait3A_170 = tpu.memref_slice %arg4[%add3A_125, %dma_wait3A_169] : memref<40x128xi32, #tpu.memory_space<vmem>> -> memref<1x128xi32, #tpu.memory_space<vmem>>
      %dma_wait3A_171 = tpu.memref_squeeze %dma_wait3A_170 : memref<1x128xi32, #tpu.memory_space<vmem>> -> memref<128xi32, #tpu.memory_space<vmem>>
      %dma_wait3A_172 = arith.constant 0 : i32
      %dma_wait3A_173 = tpu.memref_slice %arg7[%dma_wait3A_172] : memref<10240xf32, #tpu.memory_space<vmem_shared>> -> memref<10240xf32, #tpu.memory_space<vmem_shared>>
      tpu.wait_indirect_dma semaphore(%arg8 : memref<!tpu.dma_semaphore, #tpu.memory_space<semaphore_mem>>) src(%arg5 : memref<128xf32, #tpu.memory_space<vmem>>) dst(%dma_wait3A_173 : memref<10240xf32, #tpu.memory_space<vmem_shared>>)
      %dma_wait3A_174 = arith.constant 0 : i32
      %dma_wait3A_175 = tpu.memref_slice %arg4[%add3A_134, %dma_wait3A_174] : memref<40x128xi32, #tpu.memory_space<vmem>> -> memref<1x128xi32, #tpu.memory_space<vmem>>
      %dma_wait3A_176 = tpu.memref_squeeze %dma_wait3A_175 : memref<1x128xi32, #tpu.memory_space<vmem>> -> memref<128xi32, #tpu.memory_space<vmem>>
      %dma_wait3A_177 = arith.constant 0 : i32
      %dma_wait3A_178 = tpu.memref_slice %arg7[%dma_wait3A_177] : memref<10240xf32, #tpu.memory_space<vmem_shared>> -> memref<10240xf32, #tpu.memory_space<vmem_shared>>
      tpu.wait_indirect_dma semaphore(%arg8 : memref<!tpu.dma_semaphore, #tpu.memory_space<semaphore_mem>>) src(%arg5 : memref<128xf32, #tpu.memory_space<vmem>>) dst(%dma_wait3A_178 : memref<10240xf32, #tpu.memory_space<vmem_shared>>)
      %scan3A_179 = arith.constant 0 : i32
      scf.yield %scan3A_179 : i32
    }
    %scan3A_65 = arith.constant 5 : i32
    %barrier3A_66 = arith.constant 0 : index
    tpu.barrier barrier_id(%barrier3A_66)
    "tpu.region"() ({
      %run_scoped3A = tpu.sem_alloc : memref<!tpu.dma_semaphore, #tpu.memory_space<semaphore_mem>>
      %dma_start3A = tpu.memref_slice %arg7[%multiple_of3A] : memref<10240xf32, #tpu.memory_space<vmem_shared>> -> memref<640xf32, #tpu.memory_space<vmem_shared>>
      %dma_start3A_67 = tpu.memref_slice %arg7[%multiple_of3A] : memref<10240xf32, #tpu.memory_space<vmem_shared>> -> memref<640xf32, #tpu.memory_space<vmem_shared>>
      tpu.enqueue_dma source(%dma_start3A_67 : memref<640xf32, #tpu.memory_space<vmem_shared>>) target(%arg6 : memref<640xf32, #tpu.memory_space<vmem>>) target_semaphore(%run_scoped3A : memref<!tpu.dma_semaphore, #tpu.memory_space<semaphore_mem>>)
      %dma_wait3A = tpu.memref_slice %arg7[%multiple_of3A] : memref<10240xf32, #tpu.memory_space<vmem_shared>> -> memref<640xf32, #tpu.memory_space<vmem_shared>>
      %dma_wait3A_68 = tpu.memref_slice %arg7[%multiple_of3A] : memref<10240xf32, #tpu.memory_space<vmem_shared>> -> memref<640xf32, #tpu.memory_space<vmem_shared>>
      tpu.wait_dma2 semaphore(%run_scoped3A : memref<!tpu.dma_semaphore, #tpu.memory_space<semaphore_mem>>) src(%dma_wait3A_68 : memref<640xf32, #tpu.memory_space<vmem_shared>>) dst(%arg6 : memref<640xf32, #tpu.memory_space<vmem>>)
      tpu.yield
    }) : () -> ()
    "tpu.region"() ({
      %run_scoped3A = tpu.sem_alloc : memref<!tpu.dma_semaphore, #tpu.memory_space<semaphore_mem>>
      %dma_start3A = tpu.memref_slice %arg3[%arg0, %multiple_of3A] : memref<2x10240xf32, #tpu.memory_space<hbm>> -> memref<1x640xf32, #tpu.memory_space<hbm>>
      %dma_start3A_67 = tpu.memref_squeeze %dma_start3A : memref<1x640xf32, #tpu.memory_space<hbm>> -> memref<640xf32, #tpu.memory_space<hbm>>
      %dma_start3A_68 = tpu.memref_slice %arg3[%arg0, %multiple_of3A] : memref<2x10240xf32, #tpu.memory_space<hbm>> -> memref<1x640xf32, #tpu.memory_space<hbm>>
      %dma_start3A_69 = tpu.memref_squeeze %dma_start3A_68 : memref<1x640xf32, #tpu.memory_space<hbm>> -> memref<640xf32, #tpu.memory_space<hbm>>
      tpu.enqueue_dma source(%arg6 : memref<640xf32, #tpu.memory_space<vmem>>) target(%dma_start3A_69 : memref<640xf32, #tpu.memory_space<hbm>>) target_semaphore(%run_scoped3A : memref<!tpu.dma_semaphore, #tpu.memory_space<semaphore_mem>>)
      %dma_wait3A = tpu.memref_slice %arg3[%arg0, %multiple_of3A] : memref<2x10240xf32, #tpu.memory_space<hbm>> -> memref<1x640xf32, #tpu.memory_space<hbm>>
      %dma_wait3A_70 = tpu.memref_squeeze %dma_wait3A : memref<1x640xf32, #tpu.memory_space<hbm>> -> memref<640xf32, #tpu.memory_space<hbm>>
      %dma_wait3A_71 = tpu.memref_slice %arg3[%arg0, %multiple_of3A] : memref<2x10240xf32, #tpu.memory_space<hbm>> -> memref<1x640xf32, #tpu.memory_space<hbm>>
      %dma_wait3A_72 = tpu.memref_squeeze %dma_wait3A_71 : memref<1x640xf32, #tpu.memory_space<hbm>> -> memref<640xf32, #tpu.memory_space<hbm>>
      tpu.wait_dma2 semaphore(%run_scoped3A : memref<!tpu.dma_semaphore, #tpu.memory_space<semaphore_mem>>) src(%arg6 : memref<640xf32, #tpu.memory_space<vmem>>) dst(%dma_wait3A_72 : memref<640xf32, #tpu.memory_space<hbm>>)
      tpu.yield
    }) : () -> ()
    return
  }
}

#map = affine_map<(d0, d1) -> (0, 0)>
module attributes {stable_mosaic.version = 14 : i64} {
  func.func @k(%arg0: i32, %arg1: i32, %arg2: memref<10240x128xf32, #tpu.memory_space<hbm>>, %arg3: memref<10240x128xf32, #tpu.memory_space<hbm>>, %arg4: memref<1280x128xi32, #tpu.memory_space<hbm>>, %arg5: memref<1280x128xi32, #tpu.memory_space<hbm>>, %arg6: memref<20480x128xf32, #tpu.memory_space<hbm>>, %arg7: memref<20480x128xf32, #tpu.memory_space<hbm>>, %arg8: memref<40x128xi32, #tpu.memory_space<vmem>>, %arg9: memref<40x128xi32, #tpu.memory_space<vmem>>, %arg10: memref<2x128x128xf32, #tpu.memory_space<vmem>>, %arg11: memref<10240x128xf32, #tpu.memory_space<vmem_shared>>, %arg12: memref<!tpu.dma_semaphore, #tpu.memory_space<semaphore_mem>>, %arg13: memref<!tpu.dma_semaphore, #tpu.memory_space<semaphore_mem>>) attributes {dimension_semantics = [#tpu.dimension_semantics<core_parallel>, #tpu.dimension_semantics<subcore_parallel>], iteration_bounds = array<i64: 2, 16>, scalar_prefetch = 0 : i64, scratch_operands = 6 : i64, tpu.core_type = #tpu.core_type<sc_vector_subcore>, window_params = [{transform_indices = #map}, {transform_indices = #map}, {transform_indices = #map}, {transform_indices = #map}, {transform_indices = #map}, {transform_indices = #map}]} {
    %mul3A = arith.constant 2 : i32
    %mul3A_0 = arith.muli %arg1, %mul3A : i32
    %add3A = arith.addi %mul3A_0, %arg0 : i32
    %mul3A_1 = arith.constant 40 : i32
    %mul3A_2 = arith.muli %add3A, %mul3A_1 : i32
    "tpu.region"() ({
      %run_scoped3A_132 = tpu.sem_alloc : memref<!tpu.dma_semaphore, #tpu.memory_space<semaphore_mem>>
      %dma_start3A_133 = arith.constant 0 : i32
      %dma_start3A_134 = tpu.memref_slice %arg4[%mul3A_2, %dma_start3A_133] : memref<1280x128xi32, #tpu.memory_space<hbm>> -> memref<40x128xi32, #tpu.memory_space<hbm>>
      %dma_start3A_135 = arith.constant 0 : i32
      %dma_start3A_136 = tpu.memref_slice %arg4[%mul3A_2, %dma_start3A_135] : memref<1280x128xi32, #tpu.memory_space<hbm>> -> memref<40x128xi32, #tpu.memory_space<hbm>>
      tpu.enqueue_dma source(%dma_start3A_136 : memref<40x128xi32, #tpu.memory_space<hbm>>) target(%arg8 : memref<40x128xi32, #tpu.memory_space<vmem>>) target_semaphore(%run_scoped3A_132 : memref<!tpu.dma_semaphore, #tpu.memory_space<semaphore_mem>>)
      %dma_wait3A_137 = arith.constant 0 : i32
      %dma_wait3A_138 = tpu.memref_slice %arg4[%mul3A_2, %dma_wait3A_137] : memref<1280x128xi32, #tpu.memory_space<hbm>> -> memref<40x128xi32, #tpu.memory_space<hbm>>
      %dma_wait3A_139 = arith.constant 0 : i32
      %dma_wait3A_140 = tpu.memref_slice %arg4[%mul3A_2, %dma_wait3A_139] : memref<1280x128xi32, #tpu.memory_space<hbm>> -> memref<40x128xi32, #tpu.memory_space<hbm>>
      tpu.wait_dma2 semaphore(%run_scoped3A_132 : memref<!tpu.dma_semaphore, #tpu.memory_space<semaphore_mem>>) src(%dma_wait3A_140 : memref<40x128xi32, #tpu.memory_space<hbm>>) dst(%arg8 : memref<40x128xi32, #tpu.memory_space<vmem>>)
      tpu.yield
    }) : () -> ()
    %mul3A_3 = arith.constant 40 : i32
    %mul3A_4 = arith.muli %add3A, %mul3A_3 : i32
    "tpu.region"() ({
      %run_scoped3A_132 = tpu.sem_alloc : memref<!tpu.dma_semaphore, #tpu.memory_space<semaphore_mem>>
      %dma_start3A_133 = arith.constant 0 : i32
      %dma_start3A_134 = tpu.memref_slice %arg5[%mul3A_4, %dma_start3A_133] : memref<1280x128xi32, #tpu.memory_space<hbm>> -> memref<40x128xi32, #tpu.memory_space<hbm>>
      %dma_start3A_135 = arith.constant 0 : i32
      %dma_start3A_136 = tpu.memref_slice %arg5[%mul3A_4, %dma_start3A_135] : memref<1280x128xi32, #tpu.memory_space<hbm>> -> memref<40x128xi32, #tpu.memory_space<hbm>>
      tpu.enqueue_dma source(%dma_start3A_136 : memref<40x128xi32, #tpu.memory_space<hbm>>) target(%arg9 : memref<40x128xi32, #tpu.memory_space<vmem>>) target_semaphore(%run_scoped3A_132 : memref<!tpu.dma_semaphore, #tpu.memory_space<semaphore_mem>>)
      %dma_wait3A_137 = arith.constant 0 : i32
      %dma_wait3A_138 = tpu.memref_slice %arg5[%mul3A_4, %dma_wait3A_137] : memref<1280x128xi32, #tpu.memory_space<hbm>> -> memref<40x128xi32, #tpu.memory_space<hbm>>
      %dma_wait3A_139 = arith.constant 0 : i32
      %dma_wait3A_140 = tpu.memref_slice %arg5[%mul3A_4, %dma_wait3A_139] : memref<1280x128xi32, #tpu.memory_space<hbm>> -> memref<40x128xi32, #tpu.memory_space<hbm>>
      tpu.wait_dma2 semaphore(%run_scoped3A_132 : memref<!tpu.dma_semaphore, #tpu.memory_space<semaphore_mem>>) src(%dma_wait3A_140 : memref<40x128xi32, #tpu.memory_space<hbm>>) dst(%arg9 : memref<40x128xi32, #tpu.memory_space<vmem>>)
      tpu.yield
    }) : () -> ()
    %mul3A_5 = arith.constant 640 : i32
    %mul3A_6 = arith.muli %arg1, %mul3A_5 : i32
    %multiple_of3A = tpu.assume_multiple %mul3A_6, 8 : i32
    %mul3A_7 = arith.constant 10240 : i32
    %mul3A_8 = arith.muli %arg0, %mul3A_7 : i32
    %mul3A_9 = arith.constant 640 : i32
    %mul3A_10 = arith.muli %arg1, %mul3A_9 : i32
    %add3A_11 = arith.addi %mul3A_8, %mul3A_10 : i32
    %multiple_of3A_12 = tpu.assume_multiple %add3A_11, 8 : i32
    "tpu.region"() ({
      %run_scoped3A_132 = tpu.sem_alloc : memref<!tpu.dma_semaphore, #tpu.memory_space<semaphore_mem>>
      %dma_start3A_133 = arith.constant 0 : i32
      %dma_start3A_134 = tpu.memref_slice %arg11[%multiple_of3A, %dma_start3A_133] : memref<10240x128xf32, #tpu.memory_space<vmem_shared>> -> memref<640x128xf32, #tpu.memory_space<vmem_shared>>
      %dma_start3A_135 = arith.constant 0 : i32
      %dma_start3A_136 = tpu.memref_slice %arg2[%multiple_of3A, %dma_start3A_135] : memref<10240x128xf32, #tpu.memory_space<hbm>> -> memref<640x128xf32, #tpu.memory_space<hbm>>
      tpu.enqueue_dma source(%dma_start3A_136 : memref<640x128xf32, #tpu.memory_space<hbm>>) target(%dma_start3A_134 : memref<640x128xf32, #tpu.memory_space<vmem_shared>>) target_semaphore(%run_scoped3A_132 : memref<!tpu.dma_semaphore, #tpu.memory_space<semaphore_mem>>)
      %dma_wait3A_137 = arith.constant 0 : i32
      %dma_wait3A_138 = tpu.memref_slice %arg11[%multiple_of3A, %dma_wait3A_137] : memref<10240x128xf32, #tpu.memory_space<vmem_shared>> -> memref<640x128xf32, #tpu.memory_space<vmem_shared>>
      %dma_wait3A_139 = arith.constant 0 : i32
      %dma_wait3A_140 = tpu.memref_slice %arg2[%multiple_of3A, %dma_wait3A_139] : memref<10240x128xf32, #tpu.memory_space<hbm>> -> memref<640x128xf32, #tpu.memory_space<hbm>>
      tpu.wait_dma2 semaphore(%run_scoped3A_132 : memref<!tpu.dma_semaphore, #tpu.memory_space<semaphore_mem>>) src(%dma_wait3A_140 : memref<640x128xf32, #tpu.memory_space<hbm>>) dst(%dma_wait3A_138 : memref<640x128xf32, #tpu.memory_space<vmem_shared>>)
      tpu.yield
    }) : () -> ()
    %barrier3A = arith.constant 0 : index
    tpu.barrier barrier_id(%barrier3A)
    %dma_start3A = arith.constant 0 : i32
    %dma_start3A_13 = arith.constant 0 : i32
    %dma_start3A_14 = arith.constant 0 : i32
    %dma_start3A_15 = arith.constant 0 : i32
    %dma_start3A_16 = tpu.memref_slice %arg10[%dma_start3A_13, %dma_start3A_14, %dma_start3A_15] : memref<2x128x128xf32, #tpu.memory_space<vmem>> -> memref<1x128x128xf32, #tpu.memory_space<vmem>>
    %dma_start3A_17 = tpu.memref_squeeze %dma_start3A_16 : memref<1x128x128xf32, #tpu.memory_space<vmem>> -> memref<128x128xf32, #tpu.memory_space<vmem>>
    %dma_start3A_18 = arith.constant 0 : i32
    %dma_start3A_19 = tpu.memref_slice %arg8[%dma_start3A, %dma_start3A_18] : memref<40x128xi32, #tpu.memory_space<vmem>> -> memref<1x128xi32, #tpu.memory_space<vmem>>
    %dma_start3A_20 = tpu.memref_squeeze %dma_start3A_19 : memref<1x128xi32, #tpu.memory_space<vmem>> -> memref<128xi32, #tpu.memory_space<vmem>>
    %dma_start3A_21 = arith.constant 0 : i32
    %dma_start3A_22 = arith.constant 0 : i32
    %dma_start3A_23 = tpu.memref_slice %arg2[%dma_start3A_21, %dma_start3A_22] : memref<10240x128xf32, #tpu.memory_space<hbm>> -> memref<10240x128xf32, #tpu.memory_space<hbm>>
    tpu.enqueue_indirect_dma source(%dma_start3A_23 : memref<10240x128xf32, #tpu.memory_space<hbm>>) target(%dma_start3A_17 : memref<128x128xf32, #tpu.memory_space<vmem>>) offsets(%dma_start3A_20 : memref<128xi32, #tpu.memory_space<vmem>>) semaphore(%arg12 : memref<!tpu.dma_semaphore, #tpu.memory_space<semaphore_mem>>)
    %scan3A = arith.constant 0 : i32
    %scan3A_24 = arith.constant 0 : i32
    %scan3A_25 = arith.constant 19 : i32
    %scan3A_26 = arith.addi %scan3A_24, %scan3A_25 : i32
    %scan3A_27 = arith.constant 1 : i32
    %scan3A_28 = scf.for %scan3A_132 = %scan3A_24 to %scan3A_26 step %scan3A_27 iter_args(%scan3A_133 = %scan3A) -> (i32)  : i32 {
      %mul3A_134 = arith.constant 2 : i32
      %mul3A_135 = arith.muli %mul3A_134, %scan3A_132 : i32
      %add3A_136 = arith.constant 1 : i32
      %add3A_137 = arith.addi %mul3A_135, %add3A_136 : i32
      %dma_start3A_138 = arith.constant 1 : i32
      %dma_start3A_139 = arith.constant 0 : i32
      %dma_start3A_140 = arith.constant 0 : i32
      %dma_start3A_141 = tpu.memref_slice %arg10[%dma_start3A_138, %dma_start3A_139, %dma_start3A_140] : memref<2x128x128xf32, #tpu.memory_space<vmem>> -> memref<1x128x128xf32, #tpu.memory_space<vmem>>
      %dma_start3A_142 = tpu.memref_squeeze %dma_start3A_141 : memref<1x128x128xf32, #tpu.memory_space<vmem>> -> memref<128x128xf32, #tpu.memory_space<vmem>>
      %dma_start3A_143 = arith.constant 0 : i32
      %dma_start3A_144 = tpu.memref_slice %arg8[%add3A_137, %dma_start3A_143] : memref<40x128xi32, #tpu.memory_space<vmem>> -> memref<1x128xi32, #tpu.memory_space<vmem>>
      %dma_start3A_145 = tpu.memref_squeeze %dma_start3A_144 : memref<1x128xi32, #tpu.memory_space<vmem>> -> memref<128xi32, #tpu.memory_space<vmem>>
      %dma_start3A_146 = arith.constant 0 : i32
      %dma_start3A_147 = arith.constant 0 : i32
      %dma_start3A_148 = tpu.memref_slice %arg2[%dma_start3A_146, %dma_start3A_147] : memref<10240x128xf32, #tpu.memory_space<hbm>> -> memref<10240x128xf32, #tpu.memory_space<hbm>>
      tpu.enqueue_indirect_dma source(%dma_start3A_148 : memref<10240x128xf32, #tpu.memory_space<hbm>>) target(%dma_start3A_142 : memref<128x128xf32, #tpu.memory_space<vmem>>) offsets(%dma_start3A_145 : memref<128xi32, #tpu.memory_space<vmem>>) semaphore(%arg13 : memref<!tpu.dma_semaphore, #tpu.memory_space<semaphore_mem>>)
      %dma_wait3A_149 = arith.constant 0 : i32
      %dma_wait3A_150 = arith.constant 0 : i32
      %dma_wait3A_151 = arith.constant 0 : i32
      %dma_wait3A_152 = tpu.memref_slice %arg10[%dma_wait3A_149, %dma_wait3A_150, %dma_wait3A_151] : memref<2x128x128xf32, #tpu.memory_space<vmem>> -> memref<1x128x128xf32, #tpu.memory_space<vmem>>
      %dma_wait3A_153 = tpu.memref_squeeze %dma_wait3A_152 : memref<1x128x128xf32, #tpu.memory_space<vmem>> -> memref<128x128xf32, #tpu.memory_space<vmem>>
      %dma_wait3A_154 = arith.constant 0 : i32
      %dma_wait3A_155 = tpu.memref_slice %arg8[%mul3A_135, %dma_wait3A_154] : memref<40x128xi32, #tpu.memory_space<vmem>> -> memref<1x128xi32, #tpu.memory_space<vmem>>
      %dma_wait3A_156 = tpu.memref_squeeze %dma_wait3A_155 : memref<1x128xi32, #tpu.memory_space<vmem>> -> memref<128xi32, #tpu.memory_space<vmem>>
      %dma_wait3A_157 = arith.constant 0 : i32
      %dma_wait3A_158 = arith.constant 0 : i32
      %dma_wait3A_159 = tpu.memref_slice %arg2[%dma_wait3A_157, %dma_wait3A_158] : memref<10240x128xf32, #tpu.memory_space<hbm>> -> memref<10240x128xf32, #tpu.memory_space<hbm>>
      tpu.wait_indirect_dma semaphore(%arg12 : memref<!tpu.dma_semaphore, #tpu.memory_space<semaphore_mem>>) src(%dma_wait3A_159 : memref<10240x128xf32, #tpu.memory_space<hbm>>) dst(%dma_wait3A_153 : memref<128x128xf32, #tpu.memory_space<vmem>>)
      %run_scoped3A_160 = arith.constant 0 : i32
      "tpu.region"() ({
        %run_scoped3A_191 = tpu.sem_alloc : memref<!tpu.dma_semaphore, #tpu.memory_space<semaphore_mem>>
        %dma_start3A_192 = arith.constant 0 : i32
        %dma_start3A_193 = arith.constant 0 : i32
        %dma_start3A_194 = tpu.memref_slice %arg10[%run_scoped3A_160, %dma_start3A_192, %dma_start3A_193] : memref<2x128x128xf32, #tpu.memory_space<vmem>> -> memref<1x128x128xf32, #tpu.memory_space<vmem>>
        %dma_start3A_195 = tpu.memref_squeeze %dma_start3A_194 : memref<1x128x128xf32, #tpu.memory_space<vmem>> -> memref<128x128xf32, #tpu.memory_space<vmem>>
        %dma_start3A_196 = arith.constant 0 : i32
        %dma_start3A_197 = tpu.memref_slice %arg9[%mul3A_135, %dma_start3A_196] : memref<40x128xi32, #tpu.memory_space<vmem>> -> memref<1x128xi32, #tpu.memory_space<vmem>>
        %dma_start3A_198 = tpu.memref_squeeze %dma_start3A_197 : memref<1x128xi32, #tpu.memory_space<vmem>> -> memref<128xi32, #tpu.memory_space<vmem>>
        %dma_start3A_199 = arith.constant 0 : i32
        %dma_start3A_200 = arith.constant 0 : i32
        %dma_start3A_201 = tpu.memref_slice %arg11[%dma_start3A_199, %dma_start3A_200] : memref<10240x128xf32, #tpu.memory_space<vmem_shared>> -> memref<10240x128xf32, #tpu.memory_space<vmem_shared>>
        tpu.enqueue_indirect_dma source(%dma_start3A_195 : memref<128x128xf32, #tpu.memory_space<vmem>>) target(%dma_start3A_201 : memref<10240x128xf32, #tpu.memory_space<vmem_shared>>) offsets(%dma_start3A_198 : memref<128xi32, #tpu.memory_space<vmem>>) semaphore(%run_scoped3A_191 : memref<!tpu.dma_semaphore, #tpu.memory_space<semaphore_mem>>) {add = true}
        %dma_wait3A_202 = arith.constant 0 : i32
        %dma_wait3A_203 = arith.constant 0 : i32
        %dma_wait3A_204 = tpu.memref_slice %arg10[%run_scoped3A_160, %dma_wait3A_202, %dma_wait3A_203] : memref<2x128x128xf32, #tpu.memory_space<vmem>> -> memref<1x128x128xf32, #tpu.memory_space<vmem>>
        %dma_wait3A_205 = tpu.memref_squeeze %dma_wait3A_204 : memref<1x128x128xf32, #tpu.memory_space<vmem>> -> memref<128x128xf32, #tpu.memory_space<vmem>>
        %dma_wait3A_206 = arith.constant 0 : i32
        %dma_wait3A_207 = tpu.memref_slice %arg9[%mul3A_135, %dma_wait3A_206] : memref<40x128xi32, #tpu.memory_space<vmem>> -> memref<1x128xi32, #tpu.memory_space<vmem>>
        %dma_wait3A_208 = tpu.memref_squeeze %dma_wait3A_207 : memref<1x128xi32, #tpu.memory_space<vmem>> -> memref<128xi32, #tpu.memory_space<vmem>>
        %dma_wait3A_209 = arith.constant 0 : i32
        %dma_wait3A_210 = arith.constant 0 : i32
        %dma_wait3A_211 = tpu.memref_slice %arg11[%dma_wait3A_209, %dma_wait3A_210] : memref<10240x128xf32, #tpu.memory_space<vmem_shared>> -> memref<10240x128xf32, #tpu.memory_space<vmem_shared>>
        tpu.wait_indirect_dma semaphore(%run_scoped3A_191 : memref<!tpu.dma_semaphore, #tpu.memory_space<semaphore_mem>>) src(%dma_wait3A_205 : memref<128x128xf32, #tpu.memory_space<vmem>>) dst(%dma_wait3A_211 : memref<10240x128xf32, #tpu.memory_space<vmem_shared>>)
        tpu.yield
      }) : () -> ()
      %add3A_161 = arith.constant 2 : i32
      %add3A_162 = arith.addi %mul3A_135, %add3A_161 : i32
      %dma_start3A_163 = arith.constant 0 : i32
      %dma_start3A_164 = arith.constant 0 : i32
      %dma_start3A_165 = arith.constant 0 : i32
      %dma_start3A_166 = tpu.memref_slice %arg10[%dma_start3A_163, %dma_start3A_164, %dma_start3A_165] : memref<2x128x128xf32, #tpu.memory_space<vmem>> -> memref<1x128x128xf32, #tpu.memory_space<vmem>>
      %dma_start3A_167 = tpu.memref_squeeze %dma_start3A_166 : memref<1x128x128xf32, #tpu.memory_space<vmem>> -> memref<128x128xf32, #tpu.memory_space<vmem>>
      %dma_start3A_168 = arith.constant 0 : i32
      %dma_start3A_169 = tpu.memref_slice %arg8[%add3A_162, %dma_start3A_168] : memref<40x128xi32, #tpu.memory_space<vmem>> -> memref<1x128xi32, #tpu.memory_space<vmem>>
      %dma_start3A_170 = tpu.memref_squeeze %dma_start3A_169 : memref<1x128xi32, #tpu.memory_space<vmem>> -> memref<128xi32, #tpu.memory_space<vmem>>
      %dma_start3A_171 = arith.constant 0 : i32
      %dma_start3A_172 = arith.constant 0 : i32
      %dma_start3A_173 = tpu.memref_slice %arg2[%dma_start3A_171, %dma_start3A_172] : memref<10240x128xf32, #tpu.memory_space<hbm>> -> memref<10240x128xf32, #tpu.memory_space<hbm>>
      tpu.enqueue_indirect_dma source(%dma_start3A_173 : memref<10240x128xf32, #tpu.memory_space<hbm>>) target(%dma_start3A_167 : memref<128x128xf32, #tpu.memory_space<vmem>>) offsets(%dma_start3A_170 : memref<128xi32, #tpu.memory_space<vmem>>) semaphore(%arg12 : memref<!tpu.dma_semaphore, #tpu.memory_space<semaphore_mem>>)
      %add3A_174 = arith.constant 1 : i32
      %add3A_175 = arith.addi %mul3A_135, %add3A_174 : i32
      %dma_wait3A_176 = arith.constant 1 : i32
      %dma_wait3A_177 = arith.constant 0 : i32
      %dma_wait3A_178 = arith.constant 0 : i32
      %dma_wait3A_179 = tpu.memref_slice %arg10[%dma_wait3A_176, %dma_wait3A_177, %dma_wait3A_178] : memref<2x128x128xf32, #tpu.memory_space<vmem>> -> memref<1x128x128xf32, #tpu.memory_space<vmem>>
      %dma_wait3A_180 = tpu.memref_squeeze %dma_wait3A_179 : memref<1x128x128xf32, #tpu.memory_space<vmem>> -> memref<128x128xf32, #tpu.memory_space<vmem>>
      %dma_wait3A_181 = arith.constant 0 : i32
      %dma_wait3A_182 = tpu.memref_slice %arg8[%add3A_175, %dma_wait3A_181] : memref<40x128xi32, #tpu.memory_space<vmem>> -> memref<1x128xi32, #tpu.memory_space<vmem>>
      %dma_wait3A_183 = tpu.memref_squeeze %dma_wait3A_182 : memref<1x128xi32, #tpu.memory_space<vmem>> -> memref<128xi32, #tpu.memory_space<vmem>>
      %dma_wait3A_184 = arith.constant 0 : i32
      %dma_wait3A_185 = arith.constant 0 : i32
      %dma_wait3A_186 = tpu.memref_slice %arg2[%dma_wait3A_184, %dma_wait3A_185] : memref<10240x128xf32, #tpu.memory_space<hbm>> -> memref<10240x128xf32, #tpu.memory_space<hbm>>
      tpu.wait_indirect_dma semaphore(%arg13 : memref<!tpu.dma_semaphore, #tpu.memory_space<semaphore_mem>>) src(%dma_wait3A_186 : memref<10240x128xf32, #tpu.memory_space<hbm>>) dst(%dma_wait3A_180 : memref<128x128xf32, #tpu.memory_space<vmem>>)
      %add3A_187 = arith.constant 1 : i32
      %add3A_188 = arith.addi %mul3A_135, %add3A_187 : i32
      %run_scoped3A_189 = arith.constant 1 : i32
      "tpu.region"() ({
        %run_scoped3A_191 = tpu.sem_alloc : memref<!tpu.dma_semaphore, #tpu.memory_space<semaphore_mem>>
        %dma_start3A_192 = arith.constant 0 : i32
        %dma_start3A_193 = arith.constant 0 : i32
        %dma_start3A_194 = tpu.memref_slice %arg10[%run_scoped3A_189, %dma_start3A_192, %dma_start3A_193] : memref<2x128x128xf32, #tpu.memory_space<vmem>> -> memref<1x128x128xf32, #tpu.memory_space<vmem>>
        %dma_start3A_195 = tpu.memref_squeeze %dma_start3A_194 : memref<1x128x128xf32, #tpu.memory_space<vmem>> -> memref<128x128xf32, #tpu.memory_space<vmem>>
        %dma_start3A_196 = arith.constant 0 : i32
        %dma_start3A_197 = tpu.memref_slice %arg9[%add3A_188, %dma_start3A_196] : memref<40x128xi32, #tpu.memory_space<vmem>> -> memref<1x128xi32, #tpu.memory_space<vmem>>
        %dma_start3A_198 = tpu.memref_squeeze %dma_start3A_197 : memref<1x128xi32, #tpu.memory_space<vmem>> -> memref<128xi32, #tpu.memory_space<vmem>>
        %dma_start3A_199 = arith.constant 0 : i32
        %dma_start3A_200 = arith.constant 0 : i32
        %dma_start3A_201 = tpu.memref_slice %arg11[%dma_start3A_199, %dma_start3A_200] : memref<10240x128xf32, #tpu.memory_space<vmem_shared>> -> memref<10240x128xf32, #tpu.memory_space<vmem_shared>>
        tpu.enqueue_indirect_dma source(%dma_start3A_195 : memref<128x128xf32, #tpu.memory_space<vmem>>) target(%dma_start3A_201 : memref<10240x128xf32, #tpu.memory_space<vmem_shared>>) offsets(%dma_start3A_198 : memref<128xi32, #tpu.memory_space<vmem>>) semaphore(%run_scoped3A_191 : memref<!tpu.dma_semaphore, #tpu.memory_space<semaphore_mem>>) {add = true}
        %dma_wait3A_202 = arith.constant 0 : i32
        %dma_wait3A_203 = arith.constant 0 : i32
        %dma_wait3A_204 = tpu.memref_slice %arg10[%run_scoped3A_189, %dma_wait3A_202, %dma_wait3A_203] : memref<2x128x128xf32, #tpu.memory_space<vmem>> -> memref<1x128x128xf32, #tpu.memory_space<vmem>>
        %dma_wait3A_205 = tpu.memref_squeeze %dma_wait3A_204 : memref<1x128x128xf32, #tpu.memory_space<vmem>> -> memref<128x128xf32, #tpu.memory_space<vmem>>
        %dma_wait3A_206 = arith.constant 0 : i32
        %dma_wait3A_207 = tpu.memref_slice %arg9[%add3A_188, %dma_wait3A_206] : memref<40x128xi32, #tpu.memory_space<vmem>> -> memref<1x128xi32, #tpu.memory_space<vmem>>
        %dma_wait3A_208 = tpu.memref_squeeze %dma_wait3A_207 : memref<1x128xi32, #tpu.memory_space<vmem>> -> memref<128xi32, #tpu.memory_space<vmem>>
        %dma_wait3A_209 = arith.constant 0 : i32
        %dma_wait3A_210 = arith.constant 0 : i32
        %dma_wait3A_211 = tpu.memref_slice %arg11[%dma_wait3A_209, %dma_wait3A_210] : memref<10240x128xf32, #tpu.memory_space<vmem_shared>> -> memref<10240x128xf32, #tpu.memory_space<vmem_shared>>
        tpu.wait_indirect_dma semaphore(%run_scoped3A_191 : memref<!tpu.dma_semaphore, #tpu.memory_space<semaphore_mem>>) src(%dma_wait3A_205 : memref<128x128xf32, #tpu.memory_space<vmem>>) dst(%dma_wait3A_211 : memref<10240x128xf32, #tpu.memory_space<vmem_shared>>)
        tpu.yield
      }) : () -> ()
      %scan3A_190 = arith.constant 0 : i32
      scf.yield %scan3A_190 : i32
    }
    %scan3A_29 = arith.constant 19 : i32
    %dma_start3A_30 = arith.constant 39 : i32
    %dma_start3A_31 = arith.constant 1 : i32
    %dma_start3A_32 = arith.constant 0 : i32
    %dma_start3A_33 = arith.constant 0 : i32
    %dma_start3A_34 = tpu.memref_slice %arg10[%dma_start3A_31, %dma_start3A_32, %dma_start3A_33] : memref<2x128x128xf32, #tpu.memory_space<vmem>> -> memref<1x128x128xf32, #tpu.memory_space<vmem>>
    %dma_start3A_35 = tpu.memref_squeeze %dma_start3A_34 : memref<1x128x128xf32, #tpu.memory_space<vmem>> -> memref<128x128xf32, #tpu.memory_space<vmem>>
    %dma_start3A_36 = arith.constant 0 : i32
    %dma_start3A_37 = tpu.memref_slice %arg8[%dma_start3A_30, %dma_start3A_36] : memref<40x128xi32, #tpu.memory_space<vmem>> -> memref<1x128xi32, #tpu.memory_space<vmem>>
    %dma_start3A_38 = tpu.memref_squeeze %dma_start3A_37 : memref<1x128xi32, #tpu.memory_space<vmem>> -> memref<128xi32, #tpu.memory_space<vmem>>
    %dma_start3A_39 = arith.constant 0 : i32
    %dma_start3A_40 = arith.constant 0 : i32
    %dma_start3A_41 = tpu.memref_slice %arg2[%dma_start3A_39, %dma_start3A_40] : memref<10240x128xf32, #tpu.memory_space<hbm>> -> memref<10240x128xf32, #tpu.memory_space<hbm>>
    tpu.enqueue_indirect_dma source(%dma_start3A_41 : memref<10240x128xf32, #tpu.memory_space<hbm>>) target(%dma_start3A_35 : memref<128x128xf32, #tpu.memory_space<vmem>>) offsets(%dma_start3A_38 : memref<128xi32, #tpu.memory_space<vmem>>) semaphore(%arg13 : memref<!tpu.dma_semaphore, #tpu.memory_space<semaphore_mem>>)
    %dma_wait3A = arith.constant 38 : i32
    %dma_wait3A_42 = arith.constant 0 : i32
    %dma_wait3A_43 = arith.constant 0 : i32
    %dma_wait3A_44 = arith.constant 0 : i32
    %dma_wait3A_45 = tpu.memref_slice %arg10[%dma_wait3A_42, %dma_wait3A_43, %dma_wait3A_44] : memref<2x128x128xf32, #tpu.memory_space<vmem>> -> memref<1x128x128xf32, #tpu.memory_space<vmem>>
    %dma_wait3A_46 = tpu.memref_squeeze %dma_wait3A_45 : memref<1x128x128xf32, #tpu.memory_space<vmem>> -> memref<128x128xf32, #tpu.memory_space<vmem>>
    %dma_wait3A_47 = arith.constant 0 : i32
    %dma_wait3A_48 = tpu.memref_slice %arg8[%dma_wait3A, %dma_wait3A_47] : memref<40x128xi32, #tpu.memory_space<vmem>> -> memref<1x128xi32, #tpu.memory_space<vmem>>
    %dma_wait3A_49 = tpu.memref_squeeze %dma_wait3A_48 : memref<1x128xi32, #tpu.memory_space<vmem>> -> memref<128xi32, #tpu.memory_space<vmem>>
    %dma_wait3A_50 = arith.constant 0 : i32
    %dma_wait3A_51 = arith.constant 0 : i32
    %dma_wait3A_52 = tpu.memref_slice %arg2[%dma_wait3A_50, %dma_wait3A_51] : memref<10240x128xf32, #tpu.memory_space<hbm>> -> memref<10240x128xf32, #tpu.memory_space<hbm>>
    tpu.wait_indirect_dma semaphore(%arg12 : memref<!tpu.dma_semaphore, #tpu.memory_space<semaphore_mem>>) src(%dma_wait3A_52 : memref<10240x128xf32, #tpu.memory_space<hbm>>) dst(%dma_wait3A_46 : memref<128x128xf32, #tpu.memory_space<vmem>>)
    %run_scoped3A = arith.constant 0 : i32
    %run_scoped3A_53 = arith.constant 38 : i32
    "tpu.region"() ({
      %run_scoped3A_132 = tpu.sem_alloc : memref<!tpu.dma_semaphore, #tpu.memory_space<semaphore_mem>>
      %dma_start3A_133 = arith.constant 0 : i32
      %dma_start3A_134 = arith.constant 0 : i32
      %dma_start3A_135 = tpu.memref_slice %arg10[%run_scoped3A, %dma_start3A_133, %dma_start3A_134] : memref<2x128x128xf32, #tpu.memory_space<vmem>> -> memref<1x128x128xf32, #tpu.memory_space<vmem>>
      %dma_start3A_136 = tpu.memref_squeeze %dma_start3A_135 : memref<1x128x128xf32, #tpu.memory_space<vmem>> -> memref<128x128xf32, #tpu.memory_space<vmem>>
      %dma_start3A_137 = arith.constant 0 : i32
      %dma_start3A_138 = tpu.memref_slice %arg9[%run_scoped3A_53, %dma_start3A_137] : memref<40x128xi32, #tpu.memory_space<vmem>> -> memref<1x128xi32, #tpu.memory_space<vmem>>
      %dma_start3A_139 = tpu.memref_squeeze %dma_start3A_138 : memref<1x128xi32, #tpu.memory_space<vmem>> -> memref<128xi32, #tpu.memory_space<vmem>>
      %dma_start3A_140 = arith.constant 0 : i32
      %dma_start3A_141 = arith.constant 0 : i32
      %dma_start3A_142 = tpu.memref_slice %arg11[%dma_start3A_140, %dma_start3A_141] : memref<10240x128xf32, #tpu.memory_space<vmem_shared>> -> memref<10240x128xf32, #tpu.memory_space<vmem_shared>>
      tpu.enqueue_indirect_dma source(%dma_start3A_136 : memref<128x128xf32, #tpu.memory_space<vmem>>) target(%dma_start3A_142 : memref<10240x128xf32, #tpu.memory_space<vmem_shared>>) offsets(%dma_start3A_139 : memref<128xi32, #tpu.memory_space<vmem>>) semaphore(%run_scoped3A_132 : memref<!tpu.dma_semaphore, #tpu.memory_space<semaphore_mem>>) {add = true}
      %dma_wait3A_143 = arith.constant 0 : i32
      %dma_wait3A_144 = arith.constant 0 : i32
      %dma_wait3A_145 = tpu.memref_slice %arg10[%run_scoped3A, %dma_wait3A_143, %dma_wait3A_144] : memref<2x128x128xf32, #tpu.memory_space<vmem>> -> memref<1x128x128xf32, #tpu.memory_space<vmem>>
      %dma_wait3A_146 = tpu.memref_squeeze %dma_wait3A_145 : memref<1x128x128xf32, #tpu.memory_space<vmem>> -> memref<128x128xf32, #tpu.memory_space<vmem>>
      %dma_wait3A_147 = arith.constant 0 : i32
      %dma_wait3A_148 = tpu.memref_slice %arg9[%run_scoped3A_53, %dma_wait3A_147] : memref<40x128xi32, #tpu.memory_space<vmem>> -> memref<1x128xi32, #tpu.memory_space<vmem>>
      %dma_wait3A_149 = tpu.memref_squeeze %dma_wait3A_148 : memref<1x128xi32, #tpu.memory_space<vmem>> -> memref<128xi32, #tpu.memory_space<vmem>>
      %dma_wait3A_150 = arith.constant 0 : i32
      %dma_wait3A_151 = arith.constant 0 : i32
      %dma_wait3A_152 = tpu.memref_slice %arg11[%dma_wait3A_150, %dma_wait3A_151] : memref<10240x128xf32, #tpu.memory_space<vmem_shared>> -> memref<10240x128xf32, #tpu.memory_space<vmem_shared>>
      tpu.wait_indirect_dma semaphore(%run_scoped3A_132 : memref<!tpu.dma_semaphore, #tpu.memory_space<semaphore_mem>>) src(%dma_wait3A_146 : memref<128x128xf32, #tpu.memory_space<vmem>>) dst(%dma_wait3A_152 : memref<10240x128xf32, #tpu.memory_space<vmem_shared>>)
      tpu.yield
    }) : () -> ()
    %dma_wait3A_54 = arith.constant 39 : i32
    %dma_wait3A_55 = arith.constant 1 : i32
    %dma_wait3A_56 = arith.constant 0 : i32
    %dma_wait3A_57 = arith.constant 0 : i32
    %dma_wait3A_58 = tpu.memref_slice %arg10[%dma_wait3A_55, %dma_wait3A_56, %dma_wait3A_57] : memref<2x128x128xf32, #tpu.memory_space<vmem>> -> memref<1x128x128xf32, #tpu.memory_space<vmem>>
    %dma_wait3A_59 = tpu.memref_squeeze %dma_wait3A_58 : memref<1x128x128xf32, #tpu.memory_space<vmem>> -> memref<128x128xf32, #tpu.memory_space<vmem>>
    %dma_wait3A_60 = arith.constant 0 : i32
    %dma_wait3A_61 = tpu.memref_slice %arg8[%dma_wait3A_54, %dma_wait3A_60] : memref<40x128xi32, #tpu.memory_space<vmem>> -> memref<1x128xi32, #tpu.memory_space<vmem>>
    %dma_wait3A_62 = tpu.memref_squeeze %dma_wait3A_61 : memref<1x128xi32, #tpu.memory_space<vmem>> -> memref<128xi32, #tpu.memory_space<vmem>>
    %dma_wait3A_63 = arith.constant 0 : i32
    %dma_wait3A_64 = arith.constant 0 : i32
    %dma_wait3A_65 = tpu.memref_slice %arg2[%dma_wait3A_63, %dma_wait3A_64] : memref<10240x128xf32, #tpu.memory_space<hbm>> -> memref<10240x128xf32, #tpu.memory_space<hbm>>
    tpu.wait_indirect_dma semaphore(%arg13 : memref<!tpu.dma_semaphore, #tpu.memory_space<semaphore_mem>>) src(%dma_wait3A_65 : memref<10240x128xf32, #tpu.memory_space<hbm>>) dst(%dma_wait3A_59 : memref<128x128xf32, #tpu.memory_space<vmem>>)
    %run_scoped3A_66 = arith.constant 1 : i32
    %run_scoped3A_67 = arith.constant 39 : i32
    "tpu.region"() ({
      %run_scoped3A_132 = tpu.sem_alloc : memref<!tpu.dma_semaphore, #tpu.memory_space<semaphore_mem>>
      %dma_start3A_133 = arith.constant 0 : i32
      %dma_start3A_134 = arith.constant 0 : i32
      %dma_start3A_135 = tpu.memref_slice %arg10[%run_scoped3A_66, %dma_start3A_133, %dma_start3A_134] : memref<2x128x128xf32, #tpu.memory_space<vmem>> -> memref<1x128x128xf32, #tpu.memory_space<vmem>>
      %dma_start3A_136 = tpu.memref_squeeze %dma_start3A_135 : memref<1x128x128xf32, #tpu.memory_space<vmem>> -> memref<128x128xf32, #tpu.memory_space<vmem>>
      %dma_start3A_137 = arith.constant 0 : i32
      %dma_start3A_138 = tpu.memref_slice %arg9[%run_scoped3A_67, %dma_start3A_137] : memref<40x128xi32, #tpu.memory_space<vmem>> -> memref<1x128xi32, #tpu.memory_space<vmem>>
      %dma_start3A_139 = tpu.memref_squeeze %dma_start3A_138 : memref<1x128xi32, #tpu.memory_space<vmem>> -> memref<128xi32, #tpu.memory_space<vmem>>
      %dma_start3A_140 = arith.constant 0 : i32
      %dma_start3A_141 = arith.constant 0 : i32
      %dma_start3A_142 = tpu.memref_slice %arg11[%dma_start3A_140, %dma_start3A_141] : memref<10240x128xf32, #tpu.memory_space<vmem_shared>> -> memref<10240x128xf32, #tpu.memory_space<vmem_shared>>
      tpu.enqueue_indirect_dma source(%dma_start3A_136 : memref<128x128xf32, #tpu.memory_space<vmem>>) target(%dma_start3A_142 : memref<10240x128xf32, #tpu.memory_space<vmem_shared>>) offsets(%dma_start3A_139 : memref<128xi32, #tpu.memory_space<vmem>>) semaphore(%run_scoped3A_132 : memref<!tpu.dma_semaphore, #tpu.memory_space<semaphore_mem>>) {add = true}
      %dma_wait3A_143 = arith.constant 0 : i32
      %dma_wait3A_144 = arith.constant 0 : i32
      %dma_wait3A_145 = tpu.memref_slice %arg10[%run_scoped3A_66, %dma_wait3A_143, %dma_wait3A_144] : memref<2x128x128xf32, #tpu.memory_space<vmem>> -> memref<1x128x128xf32, #tpu.memory_space<vmem>>
      %dma_wait3A_146 = tpu.memref_squeeze %dma_wait3A_145 : memref<1x128x128xf32, #tpu.memory_space<vmem>> -> memref<128x128xf32, #tpu.memory_space<vmem>>
      %dma_wait3A_147 = arith.constant 0 : i32
      %dma_wait3A_148 = tpu.memref_slice %arg9[%run_scoped3A_67, %dma_wait3A_147] : memref<40x128xi32, #tpu.memory_space<vmem>> -> memref<1x128xi32, #tpu.memory_space<vmem>>
      %dma_wait3A_149 = tpu.memref_squeeze %dma_wait3A_148 : memref<1x128xi32, #tpu.memory_space<vmem>> -> memref<128xi32, #tpu.memory_space<vmem>>
      %dma_wait3A_150 = arith.constant 0 : i32
      %dma_wait3A_151 = arith.constant 0 : i32
      %dma_wait3A_152 = tpu.memref_slice %arg11[%dma_wait3A_150, %dma_wait3A_151] : memref<10240x128xf32, #tpu.memory_space<vmem_shared>> -> memref<10240x128xf32, #tpu.memory_space<vmem_shared>>
      tpu.wait_indirect_dma semaphore(%run_scoped3A_132 : memref<!tpu.dma_semaphore, #tpu.memory_space<semaphore_mem>>) src(%dma_wait3A_146 : memref<128x128xf32, #tpu.memory_space<vmem>>) dst(%dma_wait3A_152 : memref<10240x128xf32, #tpu.memory_space<vmem_shared>>)
      tpu.yield
    }) : () -> ()
    %barrier3A_68 = arith.constant 0 : index
    tpu.barrier barrier_id(%barrier3A_68)
    "tpu.region"() ({
      %run_scoped3A_132 = tpu.sem_alloc : memref<!tpu.dma_semaphore, #tpu.memory_space<semaphore_mem>>
      %dma_start3A_133 = arith.constant 0 : i32
      %dma_start3A_134 = tpu.memref_slice %arg6[%multiple_of3A_12, %dma_start3A_133] : memref<20480x128xf32, #tpu.memory_space<hbm>> -> memref<640x128xf32, #tpu.memory_space<hbm>>
      %dma_start3A_135 = arith.constant 0 : i32
      %dma_start3A_136 = tpu.memref_slice %arg11[%multiple_of3A, %dma_start3A_135] : memref<10240x128xf32, #tpu.memory_space<vmem_shared>> -> memref<640x128xf32, #tpu.memory_space<vmem_shared>>
      tpu.enqueue_dma source(%dma_start3A_136 : memref<640x128xf32, #tpu.memory_space<vmem_shared>>) target(%dma_start3A_134 : memref<640x128xf32, #tpu.memory_space<hbm>>) target_semaphore(%run_scoped3A_132 : memref<!tpu.dma_semaphore, #tpu.memory_space<semaphore_mem>>)
      %dma_wait3A_137 = arith.constant 0 : i32
      %dma_wait3A_138 = tpu.memref_slice %arg6[%multiple_of3A_12, %dma_wait3A_137] : memref<20480x128xf32, #tpu.memory_space<hbm>> -> memref<640x128xf32, #tpu.memory_space<hbm>>
      %dma_wait3A_139 = arith.constant 0 : i32
      %dma_wait3A_140 = tpu.memref_slice %arg11[%multiple_of3A, %dma_wait3A_139] : memref<10240x128xf32, #tpu.memory_space<vmem_shared>> -> memref<640x128xf32, #tpu.memory_space<vmem_shared>>
      tpu.wait_dma2 semaphore(%run_scoped3A_132 : memref<!tpu.dma_semaphore, #tpu.memory_space<semaphore_mem>>) src(%dma_wait3A_140 : memref<640x128xf32, #tpu.memory_space<vmem_shared>>) dst(%dma_wait3A_138 : memref<640x128xf32, #tpu.memory_space<hbm>>)
      tpu.yield
    }) : () -> ()
    %barrier3A_69 = arith.constant 0 : index
    tpu.barrier barrier_id(%barrier3A_69)
    "tpu.region"() ({
      %run_scoped3A_132 = tpu.sem_alloc : memref<!tpu.dma_semaphore, #tpu.memory_space<semaphore_mem>>
      %dma_start3A_133 = arith.constant 0 : i32
      %dma_start3A_134 = tpu.memref_slice %arg11[%multiple_of3A, %dma_start3A_133] : memref<10240x128xf32, #tpu.memory_space<vmem_shared>> -> memref<640x128xf32, #tpu.memory_space<vmem_shared>>
      %dma_start3A_135 = arith.constant 0 : i32
      %dma_start3A_136 = tpu.memref_slice %arg3[%multiple_of3A, %dma_start3A_135] : memref<10240x128xf32, #tpu.memory_space<hbm>> -> memref<640x128xf32, #tpu.memory_space<hbm>>
      tpu.enqueue_dma source(%dma_start3A_136 : memref<640x128xf32, #tpu.memory_space<hbm>>) target(%dma_start3A_134 : memref<640x128xf32, #tpu.memory_space<vmem_shared>>) target_semaphore(%run_scoped3A_132 : memref<!tpu.dma_semaphore, #tpu.memory_space<semaphore_mem>>)
      %dma_wait3A_137 = arith.constant 0 : i32
      %dma_wait3A_138 = tpu.memref_slice %arg11[%multiple_of3A, %dma_wait3A_137] : memref<10240x128xf32, #tpu.memory_space<vmem_shared>> -> memref<640x128xf32, #tpu.memory_space<vmem_shared>>
      %dma_wait3A_139 = arith.constant 0 : i32
      %dma_wait3A_140 = tpu.memref_slice %arg3[%multiple_of3A, %dma_wait3A_139] : memref<10240x128xf32, #tpu.memory_space<hbm>> -> memref<640x128xf32, #tpu.memory_space<hbm>>
      tpu.wait_dma2 semaphore(%run_scoped3A_132 : memref<!tpu.dma_semaphore, #tpu.memory_space<semaphore_mem>>) src(%dma_wait3A_140 : memref<640x128xf32, #tpu.memory_space<hbm>>) dst(%dma_wait3A_138 : memref<640x128xf32, #tpu.memory_space<vmem_shared>>)
      tpu.yield
    }) : () -> ()
    %barrier3A_70 = arith.constant 0 : index
    tpu.barrier barrier_id(%barrier3A_70)
    %dma_start3A_71 = arith.constant 0 : i32
    %dma_start3A_72 = arith.constant 0 : i32
    %dma_start3A_73 = arith.constant 0 : i32
    %dma_start3A_74 = arith.constant 0 : i32
    %dma_start3A_75 = tpu.memref_slice %arg10[%dma_start3A_72, %dma_start3A_73, %dma_start3A_74] : memref<2x128x128xf32, #tpu.memory_space<vmem>> -> memref<1x128x128xf32, #tpu.memory_space<vmem>>
    %dma_start3A_76 = tpu.memref_squeeze %dma_start3A_75 : memref<1x128x128xf32, #tpu.memory_space<vmem>> -> memref<128x128xf32, #tpu.memory_space<vmem>>
    %dma_start3A_77 = arith.constant 0 : i32
    %dma_start3A_78 = tpu.memref_slice %arg8[%dma_start3A_71, %dma_start3A_77] : memref<40x128xi32, #tpu.memory_space<vmem>> -> memref<1x128xi32, #tpu.memory_space<vmem>>
    %dma_start3A_79 = tpu.memref_squeeze %dma_start3A_78 : memref<1x128xi32, #tpu.memory_space<vmem>> -> memref<128xi32, #tpu.memory_space<vmem>>
    %dma_start3A_80 = arith.constant 0 : i32
    %dma_start3A_81 = arith.constant 0 : i32
    %dma_start3A_82 = tpu.memref_slice %arg3[%dma_start3A_80, %dma_start3A_81] : memref<10240x128xf32, #tpu.memory_space<hbm>> -> memref<10240x128xf32, #tpu.memory_space<hbm>>
    tpu.enqueue_indirect_dma source(%dma_start3A_82 : memref<10240x128xf32, #tpu.memory_space<hbm>>) target(%dma_start3A_76 : memref<128x128xf32, #tpu.memory_space<vmem>>) offsets(%dma_start3A_79 : memref<128xi32, #tpu.memory_space<vmem>>) semaphore(%arg12 : memref<!tpu.dma_semaphore, #tpu.memory_space<semaphore_mem>>)
    %scan3A_83 = arith.constant 0 : i32
    %scan3A_84 = arith.constant 0 : i32
    %scan3A_85 = arith.constant 19 : i32
    %scan3A_86 = arith.addi %scan3A_84, %scan3A_85 : i32
    %scan3A_87 = arith.constant 1 : i32
    %scan3A_88 = scf.for %scan3A_132 = %scan3A_84 to %scan3A_86 step %scan3A_87 iter_args(%scan3A_133 = %scan3A_83) -> (i32)  : i32 {
      %mul3A_134 = arith.constant 2 : i32
      %mul3A_135 = arith.muli %mul3A_134, %scan3A_132 : i32
      %add3A_136 = arith.constant 1 : i32
      %add3A_137 = arith.addi %mul3A_135, %add3A_136 : i32
      %dma_start3A_138 = arith.constant 1 : i32
      %dma_start3A_139 = arith.constant 0 : i32
      %dma_start3A_140 = arith.constant 0 : i32
      %dma_start3A_141 = tpu.memref_slice %arg10[%dma_start3A_138, %dma_start3A_139, %dma_start3A_140] : memref<2x128x128xf32, #tpu.memory_space<vmem>> -> memref<1x128x128xf32, #tpu.memory_space<vmem>>
      %dma_start3A_142 = tpu.memref_squeeze %dma_start3A_141 : memref<1x128x128xf32, #tpu.memory_space<vmem>> -> memref<128x128xf32, #tpu.memory_space<vmem>>
      %dma_start3A_143 = arith.constant 0 : i32
      %dma_start3A_144 = tpu.memref_slice %arg8[%add3A_137, %dma_start3A_143] : memref<40x128xi32, #tpu.memory_space<vmem>> -> memref<1x128xi32, #tpu.memory_space<vmem>>
      %dma_start3A_145 = tpu.memref_squeeze %dma_start3A_144 : memref<1x128xi32, #tpu.memory_space<vmem>> -> memref<128xi32, #tpu.memory_space<vmem>>
      %dma_start3A_146 = arith.constant 0 : i32
      %dma_start3A_147 = arith.constant 0 : i32
      %dma_start3A_148 = tpu.memref_slice %arg3[%dma_start3A_146, %dma_start3A_147] : memref<10240x128xf32, #tpu.memory_space<hbm>> -> memref<10240x128xf32, #tpu.memory_space<hbm>>
      tpu.enqueue_indirect_dma source(%dma_start3A_148 : memref<10240x128xf32, #tpu.memory_space<hbm>>) target(%dma_start3A_142 : memref<128x128xf32, #tpu.memory_space<vmem>>) offsets(%dma_start3A_145 : memref<128xi32, #tpu.memory_space<vmem>>) semaphore(%arg13 : memref<!tpu.dma_semaphore, #tpu.memory_space<semaphore_mem>>)
      %dma_wait3A_149 = arith.constant 0 : i32
      %dma_wait3A_150 = arith.constant 0 : i32
      %dma_wait3A_151 = arith.constant 0 : i32
      %dma_wait3A_152 = tpu.memref_slice %arg10[%dma_wait3A_149, %dma_wait3A_150, %dma_wait3A_151] : memref<2x128x128xf32, #tpu.memory_space<vmem>> -> memref<1x128x128xf32, #tpu.memory_space<vmem>>
      %dma_wait3A_153 = tpu.memref_squeeze %dma_wait3A_152 : memref<1x128x128xf32, #tpu.memory_space<vmem>> -> memref<128x128xf32, #tpu.memory_space<vmem>>
      %dma_wait3A_154 = arith.constant 0 : i32
      %dma_wait3A_155 = tpu.memref_slice %arg8[%mul3A_135, %dma_wait3A_154] : memref<40x128xi32, #tpu.memory_space<vmem>> -> memref<1x128xi32, #tpu.memory_space<vmem>>
      %dma_wait3A_156 = tpu.memref_squeeze %dma_wait3A_155 : memref<1x128xi32, #tpu.memory_space<vmem>> -> memref<128xi32, #tpu.memory_space<vmem>>
      %dma_wait3A_157 = arith.constant 0 : i32
      %dma_wait3A_158 = arith.constant 0 : i32
      %dma_wait3A_159 = tpu.memref_slice %arg3[%dma_wait3A_157, %dma_wait3A_158] : memref<10240x128xf32, #tpu.memory_space<hbm>> -> memref<10240x128xf32, #tpu.memory_space<hbm>>
      tpu.wait_indirect_dma semaphore(%arg12 : memref<!tpu.dma_semaphore, #tpu.memory_space<semaphore_mem>>) src(%dma_wait3A_159 : memref<10240x128xf32, #tpu.memory_space<hbm>>) dst(%dma_wait3A_153 : memref<128x128xf32, #tpu.memory_space<vmem>>)
      %run_scoped3A_160 = arith.constant 0 : i32
      "tpu.region"() ({
        %run_scoped3A_191 = tpu.sem_alloc : memref<!tpu.dma_semaphore, #tpu.memory_space<semaphore_mem>>
        %dma_start3A_192 = arith.constant 0 : i32
        %dma_start3A_193 = arith.constant 0 : i32
        %dma_start3A_194 = tpu.memref_slice %arg10[%run_scoped3A_160, %dma_start3A_192, %dma_start3A_193] : memref<2x128x128xf32, #tpu.memory_space<vmem>> -> memref<1x128x128xf32, #tpu.memory_space<vmem>>
        %dma_start3A_195 = tpu.memref_squeeze %dma_start3A_194 : memref<1x128x128xf32, #tpu.memory_space<vmem>> -> memref<128x128xf32, #tpu.memory_space<vmem>>
        %dma_start3A_196 = arith.constant 0 : i32
        %dma_start3A_197 = tpu.memref_slice %arg9[%mul3A_135, %dma_start3A_196] : memref<40x128xi32, #tpu.memory_space<vmem>> -> memref<1x128xi32, #tpu.memory_space<vmem>>
        %dma_start3A_198 = tpu.memref_squeeze %dma_start3A_197 : memref<1x128xi32, #tpu.memory_space<vmem>> -> memref<128xi32, #tpu.memory_space<vmem>>
        %dma_start3A_199 = arith.constant 0 : i32
        %dma_start3A_200 = arith.constant 0 : i32
        %dma_start3A_201 = tpu.memref_slice %arg11[%dma_start3A_199, %dma_start3A_200] : memref<10240x128xf32, #tpu.memory_space<vmem_shared>> -> memref<10240x128xf32, #tpu.memory_space<vmem_shared>>
        tpu.enqueue_indirect_dma source(%dma_start3A_195 : memref<128x128xf32, #tpu.memory_space<vmem>>) target(%dma_start3A_201 : memref<10240x128xf32, #tpu.memory_space<vmem_shared>>) offsets(%dma_start3A_198 : memref<128xi32, #tpu.memory_space<vmem>>) semaphore(%run_scoped3A_191 : memref<!tpu.dma_semaphore, #tpu.memory_space<semaphore_mem>>) {add = true}
        %dma_wait3A_202 = arith.constant 0 : i32
        %dma_wait3A_203 = arith.constant 0 : i32
        %dma_wait3A_204 = tpu.memref_slice %arg10[%run_scoped3A_160, %dma_wait3A_202, %dma_wait3A_203] : memref<2x128x128xf32, #tpu.memory_space<vmem>> -> memref<1x128x128xf32, #tpu.memory_space<vmem>>
        %dma_wait3A_205 = tpu.memref_squeeze %dma_wait3A_204 : memref<1x128x128xf32, #tpu.memory_space<vmem>> -> memref<128x128xf32, #tpu.memory_space<vmem>>
        %dma_wait3A_206 = arith.constant 0 : i32
        %dma_wait3A_207 = tpu.memref_slice %arg9[%mul3A_135, %dma_wait3A_206] : memref<40x128xi32, #tpu.memory_space<vmem>> -> memref<1x128xi32, #tpu.memory_space<vmem>>
        %dma_wait3A_208 = tpu.memref_squeeze %dma_wait3A_207 : memref<1x128xi32, #tpu.memory_space<vmem>> -> memref<128xi32, #tpu.memory_space<vmem>>
        %dma_wait3A_209 = arith.constant 0 : i32
        %dma_wait3A_210 = arith.constant 0 : i32
        %dma_wait3A_211 = tpu.memref_slice %arg11[%dma_wait3A_209, %dma_wait3A_210] : memref<10240x128xf32, #tpu.memory_space<vmem_shared>> -> memref<10240x128xf32, #tpu.memory_space<vmem_shared>>
        tpu.wait_indirect_dma semaphore(%run_scoped3A_191 : memref<!tpu.dma_semaphore, #tpu.memory_space<semaphore_mem>>) src(%dma_wait3A_205 : memref<128x128xf32, #tpu.memory_space<vmem>>) dst(%dma_wait3A_211 : memref<10240x128xf32, #tpu.memory_space<vmem_shared>>)
        tpu.yield
      }) : () -> ()
      %add3A_161 = arith.constant 2 : i32
      %add3A_162 = arith.addi %mul3A_135, %add3A_161 : i32
      %dma_start3A_163 = arith.constant 0 : i32
      %dma_start3A_164 = arith.constant 0 : i32
      %dma_start3A_165 = arith.constant 0 : i32
      %dma_start3A_166 = tpu.memref_slice %arg10[%dma_start3A_163, %dma_start3A_164, %dma_start3A_165] : memref<2x128x128xf32, #tpu.memory_space<vmem>> -> memref<1x128x128xf32, #tpu.memory_space<vmem>>
      %dma_start3A_167 = tpu.memref_squeeze %dma_start3A_166 : memref<1x128x128xf32, #tpu.memory_space<vmem>> -> memref<128x128xf32, #tpu.memory_space<vmem>>
      %dma_start3A_168 = arith.constant 0 : i32
      %dma_start3A_169 = tpu.memref_slice %arg8[%add3A_162, %dma_start3A_168] : memref<40x128xi32, #tpu.memory_space<vmem>> -> memref<1x128xi32, #tpu.memory_space<vmem>>
      %dma_start3A_170 = tpu.memref_squeeze %dma_start3A_169 : memref<1x128xi32, #tpu.memory_space<vmem>> -> memref<128xi32, #tpu.memory_space<vmem>>
      %dma_start3A_171 = arith.constant 0 : i32
      %dma_start3A_172 = arith.constant 0 : i32
      %dma_start3A_173 = tpu.memref_slice %arg3[%dma_start3A_171, %dma_start3A_172] : memref<10240x128xf32, #tpu.memory_space<hbm>> -> memref<10240x128xf32, #tpu.memory_space<hbm>>
      tpu.enqueue_indirect_dma source(%dma_start3A_173 : memref<10240x128xf32, #tpu.memory_space<hbm>>) target(%dma_start3A_167 : memref<128x128xf32, #tpu.memory_space<vmem>>) offsets(%dma_start3A_170 : memref<128xi32, #tpu.memory_space<vmem>>) semaphore(%arg12 : memref<!tpu.dma_semaphore, #tpu.memory_space<semaphore_mem>>)
      %add3A_174 = arith.constant 1 : i32
      %add3A_175 = arith.addi %mul3A_135, %add3A_174 : i32
      %dma_wait3A_176 = arith.constant 1 : i32
      %dma_wait3A_177 = arith.constant 0 : i32
      %dma_wait3A_178 = arith.constant 0 : i32
      %dma_wait3A_179 = tpu.memref_slice %arg10[%dma_wait3A_176, %dma_wait3A_177, %dma_wait3A_178] : memref<2x128x128xf32, #tpu.memory_space<vmem>> -> memref<1x128x128xf32, #tpu.memory_space<vmem>>
      %dma_wait3A_180 = tpu.memref_squeeze %dma_wait3A_179 : memref<1x128x128xf32, #tpu.memory_space<vmem>> -> memref<128x128xf32, #tpu.memory_space<vmem>>
      %dma_wait3A_181 = arith.constant 0 : i32
      %dma_wait3A_182 = tpu.memref_slice %arg8[%add3A_175, %dma_wait3A_181] : memref<40x128xi32, #tpu.memory_space<vmem>> -> memref<1x128xi32, #tpu.memory_space<vmem>>
      %dma_wait3A_183 = tpu.memref_squeeze %dma_wait3A_182 : memref<1x128xi32, #tpu.memory_space<vmem>> -> memref<128xi32, #tpu.memory_space<vmem>>
      %dma_wait3A_184 = arith.constant 0 : i32
      %dma_wait3A_185 = arith.constant 0 : i32
      %dma_wait3A_186 = tpu.memref_slice %arg3[%dma_wait3A_184, %dma_wait3A_185] : memref<10240x128xf32, #tpu.memory_space<hbm>> -> memref<10240x128xf32, #tpu.memory_space<hbm>>
      tpu.wait_indirect_dma semaphore(%arg13 : memref<!tpu.dma_semaphore, #tpu.memory_space<semaphore_mem>>) src(%dma_wait3A_186 : memref<10240x128xf32, #tpu.memory_space<hbm>>) dst(%dma_wait3A_180 : memref<128x128xf32, #tpu.memory_space<vmem>>)
      %add3A_187 = arith.constant 1 : i32
      %add3A_188 = arith.addi %mul3A_135, %add3A_187 : i32
      %run_scoped3A_189 = arith.constant 1 : i32
      "tpu.region"() ({
        %run_scoped3A_191 = tpu.sem_alloc : memref<!tpu.dma_semaphore, #tpu.memory_space<semaphore_mem>>
        %dma_start3A_192 = arith.constant 0 : i32
        %dma_start3A_193 = arith.constant 0 : i32
        %dma_start3A_194 = tpu.memref_slice %arg10[%run_scoped3A_189, %dma_start3A_192, %dma_start3A_193] : memref<2x128x128xf32, #tpu.memory_space<vmem>> -> memref<1x128x128xf32, #tpu.memory_space<vmem>>
        %dma_start3A_195 = tpu.memref_squeeze %dma_start3A_194 : memref<1x128x128xf32, #tpu.memory_space<vmem>> -> memref<128x128xf32, #tpu.memory_space<vmem>>
        %dma_start3A_196 = arith.constant 0 : i32
        %dma_start3A_197 = tpu.memref_slice %arg9[%add3A_188, %dma_start3A_196] : memref<40x128xi32, #tpu.memory_space<vmem>> -> memref<1x128xi32, #tpu.memory_space<vmem>>
        %dma_start3A_198 = tpu.memref_squeeze %dma_start3A_197 : memref<1x128xi32, #tpu.memory_space<vmem>> -> memref<128xi32, #tpu.memory_space<vmem>>
        %dma_start3A_199 = arith.constant 0 : i32
        %dma_start3A_200 = arith.constant 0 : i32
        %dma_start3A_201 = tpu.memref_slice %arg11[%dma_start3A_199, %dma_start3A_200] : memref<10240x128xf32, #tpu.memory_space<vmem_shared>> -> memref<10240x128xf32, #tpu.memory_space<vmem_shared>>
        tpu.enqueue_indirect_dma source(%dma_start3A_195 : memref<128x128xf32, #tpu.memory_space<vmem>>) target(%dma_start3A_201 : memref<10240x128xf32, #tpu.memory_space<vmem_shared>>) offsets(%dma_start3A_198 : memref<128xi32, #tpu.memory_space<vmem>>) semaphore(%run_scoped3A_191 : memref<!tpu.dma_semaphore, #tpu.memory_space<semaphore_mem>>) {add = true}
        %dma_wait3A_202 = arith.constant 0 : i32
        %dma_wait3A_203 = arith.constant 0 : i32
        %dma_wait3A_204 = tpu.memref_slice %arg10[%run_scoped3A_189, %dma_wait3A_202, %dma_wait3A_203] : memref<2x128x128xf32, #tpu.memory_space<vmem>> -> memref<1x128x128xf32, #tpu.memory_space<vmem>>
        %dma_wait3A_205 = tpu.memref_squeeze %dma_wait3A_204 : memref<1x128x128xf32, #tpu.memory_space<vmem>> -> memref<128x128xf32, #tpu.memory_space<vmem>>
        %dma_wait3A_206 = arith.constant 0 : i32
        %dma_wait3A_207 = tpu.memref_slice %arg9[%add3A_188, %dma_wait3A_206] : memref<40x128xi32, #tpu.memory_space<vmem>> -> memref<1x128xi32, #tpu.memory_space<vmem>>
        %dma_wait3A_208 = tpu.memref_squeeze %dma_wait3A_207 : memref<1x128xi32, #tpu.memory_space<vmem>> -> memref<128xi32, #tpu.memory_space<vmem>>
        %dma_wait3A_209 = arith.constant 0 : i32
        %dma_wait3A_210 = arith.constant 0 : i32
        %dma_wait3A_211 = tpu.memref_slice %arg11[%dma_wait3A_209, %dma_wait3A_210] : memref<10240x128xf32, #tpu.memory_space<vmem_shared>> -> memref<10240x128xf32, #tpu.memory_space<vmem_shared>>
        tpu.wait_indirect_dma semaphore(%run_scoped3A_191 : memref<!tpu.dma_semaphore, #tpu.memory_space<semaphore_mem>>) src(%dma_wait3A_205 : memref<128x128xf32, #tpu.memory_space<vmem>>) dst(%dma_wait3A_211 : memref<10240x128xf32, #tpu.memory_space<vmem_shared>>)
        tpu.yield
      }) : () -> ()
      %scan3A_190 = arith.constant 0 : i32
      scf.yield %scan3A_190 : i32
    }
    %scan3A_89 = arith.constant 19 : i32
    %dma_start3A_90 = arith.constant 39 : i32
    %dma_start3A_91 = arith.constant 1 : i32
    %dma_start3A_92 = arith.constant 0 : i32
    %dma_start3A_93 = arith.constant 0 : i32
    %dma_start3A_94 = tpu.memref_slice %arg10[%dma_start3A_91, %dma_start3A_92, %dma_start3A_93] : memref<2x128x128xf32, #tpu.memory_space<vmem>> -> memref<1x128x128xf32, #tpu.memory_space<vmem>>
    %dma_start3A_95 = tpu.memref_squeeze %dma_start3A_94 : memref<1x128x128xf32, #tpu.memory_space<vmem>> -> memref<128x128xf32, #tpu.memory_space<vmem>>
    %dma_start3A_96 = arith.constant 0 : i32
    %dma_start3A_97 = tpu.memref_slice %arg8[%dma_start3A_90, %dma_start3A_96] : memref<40x128xi32, #tpu.memory_space<vmem>> -> memref<1x128xi32, #tpu.memory_space<vmem>>
    %dma_start3A_98 = tpu.memref_squeeze %dma_start3A_97 : memref<1x128xi32, #tpu.memory_space<vmem>> -> memref<128xi32, #tpu.memory_space<vmem>>
    %dma_start3A_99 = arith.constant 0 : i32
    %dma_start3A_100 = arith.constant 0 : i32
    %dma_start3A_101 = tpu.memref_slice %arg3[%dma_start3A_99, %dma_start3A_100] : memref<10240x128xf32, #tpu.memory_space<hbm>> -> memref<10240x128xf32, #tpu.memory_space<hbm>>
    tpu.enqueue_indirect_dma source(%dma_start3A_101 : memref<10240x128xf32, #tpu.memory_space<hbm>>) target(%dma_start3A_95 : memref<128x128xf32, #tpu.memory_space<vmem>>) offsets(%dma_start3A_98 : memref<128xi32, #tpu.memory_space<vmem>>) semaphore(%arg13 : memref<!tpu.dma_semaphore, #tpu.memory_space<semaphore_mem>>)
    %dma_wait3A_102 = arith.constant 38 : i32
    %dma_wait3A_103 = arith.constant 0 : i32
    %dma_wait3A_104 = arith.constant 0 : i32
    %dma_wait3A_105 = arith.constant 0 : i32
    %dma_wait3A_106 = tpu.memref_slice %arg10[%dma_wait3A_103, %dma_wait3A_104, %dma_wait3A_105] : memref<2x128x128xf32, #tpu.memory_space<vmem>> -> memref<1x128x128xf32, #tpu.memory_space<vmem>>
    %dma_wait3A_107 = tpu.memref_squeeze %dma_wait3A_106 : memref<1x128x128xf32, #tpu.memory_space<vmem>> -> memref<128x128xf32, #tpu.memory_space<vmem>>
    %dma_wait3A_108 = arith.constant 0 : i32
    %dma_wait3A_109 = tpu.memref_slice %arg8[%dma_wait3A_102, %dma_wait3A_108] : memref<40x128xi32, #tpu.memory_space<vmem>> -> memref<1x128xi32, #tpu.memory_space<vmem>>
    %dma_wait3A_110 = tpu.memref_squeeze %dma_wait3A_109 : memref<1x128xi32, #tpu.memory_space<vmem>> -> memref<128xi32, #tpu.memory_space<vmem>>
    %dma_wait3A_111 = arith.constant 0 : i32
    %dma_wait3A_112 = arith.constant 0 : i32
    %dma_wait3A_113 = tpu.memref_slice %arg3[%dma_wait3A_111, %dma_wait3A_112] : memref<10240x128xf32, #tpu.memory_space<hbm>> -> memref<10240x128xf32, #tpu.memory_space<hbm>>
    tpu.wait_indirect_dma semaphore(%arg12 : memref<!tpu.dma_semaphore, #tpu.memory_space<semaphore_mem>>) src(%dma_wait3A_113 : memref<10240x128xf32, #tpu.memory_space<hbm>>) dst(%dma_wait3A_107 : memref<128x128xf32, #tpu.memory_space<vmem>>)
    %run_scoped3A_114 = arith.constant 0 : i32
    %run_scoped3A_115 = arith.constant 38 : i32
    "tpu.region"() ({
      %run_scoped3A_132 = tpu.sem_alloc : memref<!tpu.dma_semaphore, #tpu.memory_space<semaphore_mem>>
      %dma_start3A_133 = arith.constant 0 : i32
      %dma_start3A_134 = arith.constant 0 : i32
      %dma_start3A_135 = tpu.memref_slice %arg10[%run_scoped3A_114, %dma_start3A_133, %dma_start3A_134] : memref<2x128x128xf32, #tpu.memory_space<vmem>> -> memref<1x128x128xf32, #tpu.memory_space<vmem>>
      %dma_start3A_136 = tpu.memref_squeeze %dma_start3A_135 : memref<1x128x128xf32, #tpu.memory_space<vmem>> -> memref<128x128xf32, #tpu.memory_space<vmem>>
      %dma_start3A_137 = arith.constant 0 : i32
      %dma_start3A_138 = tpu.memref_slice %arg9[%run_scoped3A_115, %dma_start3A_137] : memref<40x128xi32, #tpu.memory_space<vmem>> -> memref<1x128xi32, #tpu.memory_space<vmem>>
      %dma_start3A_139 = tpu.memref_squeeze %dma_start3A_138 : memref<1x128xi32, #tpu.memory_space<vmem>> -> memref<128xi32, #tpu.memory_space<vmem>>
      %dma_start3A_140 = arith.constant 0 : i32
      %dma_start3A_141 = arith.constant 0 : i32
      %dma_start3A_142 = tpu.memref_slice %arg11[%dma_start3A_140, %dma_start3A_141] : memref<10240x128xf32, #tpu.memory_space<vmem_shared>> -> memref<10240x128xf32, #tpu.memory_space<vmem_shared>>
      tpu.enqueue_indirect_dma source(%dma_start3A_136 : memref<128x128xf32, #tpu.memory_space<vmem>>) target(%dma_start3A_142 : memref<10240x128xf32, #tpu.memory_space<vmem_shared>>) offsets(%dma_start3A_139 : memref<128xi32, #tpu.memory_space<vmem>>) semaphore(%run_scoped3A_132 : memref<!tpu.dma_semaphore, #tpu.memory_space<semaphore_mem>>) {add = true}
      %dma_wait3A_143 = arith.constant 0 : i32
      %dma_wait3A_144 = arith.constant 0 : i32
      %dma_wait3A_145 = tpu.memref_slice %arg10[%run_scoped3A_114, %dma_wait3A_143, %dma_wait3A_144] : memref<2x128x128xf32, #tpu.memory_space<vmem>> -> memref<1x128x128xf32, #tpu.memory_space<vmem>>
      %dma_wait3A_146 = tpu.memref_squeeze %dma_wait3A_145 : memref<1x128x128xf32, #tpu.memory_space<vmem>> -> memref<128x128xf32, #tpu.memory_space<vmem>>
      %dma_wait3A_147 = arith.constant 0 : i32
      %dma_wait3A_148 = tpu.memref_slice %arg9[%run_scoped3A_115, %dma_wait3A_147] : memref<40x128xi32, #tpu.memory_space<vmem>> -> memref<1x128xi32, #tpu.memory_space<vmem>>
      %dma_wait3A_149 = tpu.memref_squeeze %dma_wait3A_148 : memref<1x128xi32, #tpu.memory_space<vmem>> -> memref<128xi32, #tpu.memory_space<vmem>>
      %dma_wait3A_150 = arith.constant 0 : i32
      %dma_wait3A_151 = arith.constant 0 : i32
      %dma_wait3A_152 = tpu.memref_slice %arg11[%dma_wait3A_150, %dma_wait3A_151] : memref<10240x128xf32, #tpu.memory_space<vmem_shared>> -> memref<10240x128xf32, #tpu.memory_space<vmem_shared>>
      tpu.wait_indirect_dma semaphore(%run_scoped3A_132 : memref<!tpu.dma_semaphore, #tpu.memory_space<semaphore_mem>>) src(%dma_wait3A_146 : memref<128x128xf32, #tpu.memory_space<vmem>>) dst(%dma_wait3A_152 : memref<10240x128xf32, #tpu.memory_space<vmem_shared>>)
      tpu.yield
    }) : () -> ()
    %dma_wait3A_116 = arith.constant 39 : i32
    %dma_wait3A_117 = arith.constant 1 : i32
    %dma_wait3A_118 = arith.constant 0 : i32
    %dma_wait3A_119 = arith.constant 0 : i32
    %dma_wait3A_120 = tpu.memref_slice %arg10[%dma_wait3A_117, %dma_wait3A_118, %dma_wait3A_119] : memref<2x128x128xf32, #tpu.memory_space<vmem>> -> memref<1x128x128xf32, #tpu.memory_space<vmem>>
    %dma_wait3A_121 = tpu.memref_squeeze %dma_wait3A_120 : memref<1x128x128xf32, #tpu.memory_space<vmem>> -> memref<128x128xf32, #tpu.memory_space<vmem>>
    %dma_wait3A_122 = arith.constant 0 : i32
    %dma_wait3A_123 = tpu.memref_slice %arg8[%dma_wait3A_116, %dma_wait3A_122] : memref<40x128xi32, #tpu.memory_space<vmem>> -> memref<1x128xi32, #tpu.memory_space<vmem>>
    %dma_wait3A_124 = tpu.memref_squeeze %dma_wait3A_123 : memref<1x128xi32, #tpu.memory_space<vmem>> -> memref<128xi32, #tpu.memory_space<vmem>>
    %dma_wait3A_125 = arith.constant 0 : i32
    %dma_wait3A_126 = arith.constant 0 : i32
    %dma_wait3A_127 = tpu.memref_slice %arg3[%dma_wait3A_125, %dma_wait3A_126] : memref<10240x128xf32, #tpu.memory_space<hbm>> -> memref<10240x128xf32, #tpu.memory_space<hbm>>
    tpu.wait_indirect_dma semaphore(%arg13 : memref<!tpu.dma_semaphore, #tpu.memory_space<semaphore_mem>>) src(%dma_wait3A_127 : memref<10240x128xf32, #tpu.memory_space<hbm>>) dst(%dma_wait3A_121 : memref<128x128xf32, #tpu.memory_space<vmem>>)
    %run_scoped3A_128 = arith.constant 1 : i32
    %run_scoped3A_129 = arith.constant 39 : i32
    "tpu.region"() ({
      %run_scoped3A_132 = tpu.sem_alloc : memref<!tpu.dma_semaphore, #tpu.memory_space<semaphore_mem>>
      %dma_start3A_133 = arith.constant 0 : i32
      %dma_start3A_134 = arith.constant 0 : i32
      %dma_start3A_135 = tpu.memref_slice %arg10[%run_scoped3A_128, %dma_start3A_133, %dma_start3A_134] : memref<2x128x128xf32, #tpu.memory_space<vmem>> -> memref<1x128x128xf32, #tpu.memory_space<vmem>>
      %dma_start3A_136 = tpu.memref_squeeze %dma_start3A_135 : memref<1x128x128xf32, #tpu.memory_space<vmem>> -> memref<128x128xf32, #tpu.memory_space<vmem>>
      %dma_start3A_137 = arith.constant 0 : i32
      %dma_start3A_138 = tpu.memref_slice %arg9[%run_scoped3A_129, %dma_start3A_137] : memref<40x128xi32, #tpu.memory_space<vmem>> -> memref<1x128xi32, #tpu.memory_space<vmem>>
      %dma_start3A_139 = tpu.memref_squeeze %dma_start3A_138 : memref<1x128xi32, #tpu.memory_space<vmem>> -> memref<128xi32, #tpu.memory_space<vmem>>
      %dma_start3A_140 = arith.constant 0 : i32
      %dma_start3A_141 = arith.constant 0 : i32
      %dma_start3A_142 = tpu.memref_slice %arg11[%dma_start3A_140, %dma_start3A_141] : memref<10240x128xf32, #tpu.memory_space<vmem_shared>> -> memref<10240x128xf32, #tpu.memory_space<vmem_shared>>
      tpu.enqueue_indirect_dma source(%dma_start3A_136 : memref<128x128xf32, #tpu.memory_space<vmem>>) target(%dma_start3A_142 : memref<10240x128xf32, #tpu.memory_space<vmem_shared>>) offsets(%dma_start3A_139 : memref<128xi32, #tpu.memory_space<vmem>>) semaphore(%run_scoped3A_132 : memref<!tpu.dma_semaphore, #tpu.memory_space<semaphore_mem>>) {add = true}
      %dma_wait3A_143 = arith.constant 0 : i32
      %dma_wait3A_144 = arith.constant 0 : i32
      %dma_wait3A_145 = tpu.memref_slice %arg10[%run_scoped3A_128, %dma_wait3A_143, %dma_wait3A_144] : memref<2x128x128xf32, #tpu.memory_space<vmem>> -> memref<1x128x128xf32, #tpu.memory_space<vmem>>
      %dma_wait3A_146 = tpu.memref_squeeze %dma_wait3A_145 : memref<1x128x128xf32, #tpu.memory_space<vmem>> -> memref<128x128xf32, #tpu.memory_space<vmem>>
      %dma_wait3A_147 = arith.constant 0 : i32
      %dma_wait3A_148 = tpu.memref_slice %arg9[%run_scoped3A_129, %dma_wait3A_147] : memref<40x128xi32, #tpu.memory_space<vmem>> -> memref<1x128xi32, #tpu.memory_space<vmem>>
      %dma_wait3A_149 = tpu.memref_squeeze %dma_wait3A_148 : memref<1x128xi32, #tpu.memory_space<vmem>> -> memref<128xi32, #tpu.memory_space<vmem>>
      %dma_wait3A_150 = arith.constant 0 : i32
      %dma_wait3A_151 = arith.constant 0 : i32
      %dma_wait3A_152 = tpu.memref_slice %arg11[%dma_wait3A_150, %dma_wait3A_151] : memref<10240x128xf32, #tpu.memory_space<vmem_shared>> -> memref<10240x128xf32, #tpu.memory_space<vmem_shared>>
      tpu.wait_indirect_dma semaphore(%run_scoped3A_132 : memref<!tpu.dma_semaphore, #tpu.memory_space<semaphore_mem>>) src(%dma_wait3A_146 : memref<128x128xf32, #tpu.memory_space<vmem>>) dst(%dma_wait3A_152 : memref<10240x128xf32, #tpu.memory_space<vmem_shared>>)
      tpu.yield
    }) : () -> ()
    %barrier3A_130 = arith.constant 0 : index
    tpu.barrier barrier_id(%barrier3A_130)
    "tpu.region"() ({
      %run_scoped3A_132 = tpu.sem_alloc : memref<!tpu.dma_semaphore, #tpu.memory_space<semaphore_mem>>
      %dma_start3A_133 = arith.constant 0 : i32
      %dma_start3A_134 = tpu.memref_slice %arg7[%multiple_of3A_12, %dma_start3A_133] : memref<20480x128xf32, #tpu.memory_space<hbm>> -> memref<640x128xf32, #tpu.memory_space<hbm>>
      %dma_start3A_135 = arith.constant 0 : i32
      %dma_start3A_136 = tpu.memref_slice %arg11[%multiple_of3A, %dma_start3A_135] : memref<10240x128xf32, #tpu.memory_space<vmem_shared>> -> memref<640x128xf32, #tpu.memory_space<vmem_shared>>
      tpu.enqueue_dma source(%dma_start3A_136 : memref<640x128xf32, #tpu.memory_space<vmem_shared>>) target(%dma_start3A_134 : memref<640x128xf32, #tpu.memory_space<hbm>>) target_semaphore(%run_scoped3A_132 : memref<!tpu.dma_semaphore, #tpu.memory_space<semaphore_mem>>)
      %dma_wait3A_137 = arith.constant 0 : i32
      %dma_wait3A_138 = tpu.memref_slice %arg7[%multiple_of3A_12, %dma_wait3A_137] : memref<20480x128xf32, #tpu.memory_space<hbm>> -> memref<640x128xf32, #tpu.memory_space<hbm>>
      %dma_wait3A_139 = arith.constant 0 : i32
      %dma_wait3A_140 = tpu.memref_slice %arg11[%multiple_of3A, %dma_wait3A_139] : memref<10240x128xf32, #tpu.memory_space<vmem_shared>> -> memref<640x128xf32, #tpu.memory_space<vmem_shared>>
      tpu.wait_dma2 semaphore(%run_scoped3A_132 : memref<!tpu.dma_semaphore, #tpu.memory_space<semaphore_mem>>) src(%dma_wait3A_140 : memref<640x128xf32, #tpu.memory_space<vmem_shared>>) dst(%dma_wait3A_138 : memref<640x128xf32, #tpu.memory_space<hbm>>)
      tpu.yield
    }) : () -> ()
    %barrier3A_131 = arith.constant 0 : index
    tpu.barrier barrier_id(%barrier3A_131)
    return
  }
}

module attributes {stable_mosaic.version = 14 : i64} {
  func.func @body(%arg0: i32, %arg1: memref<2048x2xf32, #tpu.memory_space<vmem>>, %arg2: memref<2048x256xf32, #tpu.memory_space<vmem>>, %arg3: memref<2048x1xf32, #tpu.memory_space<vmem>>, %arg4: memref<2048x128xf32, #tpu.memory_space<vmem>>, %arg5: memref<2048x128xf32, #tpu.memory_space<vmem>>) attributes {dimension_semantics = [#tpu.dimension_semantics<arbitrary>], iteration_bounds = array<i64: 5>, scalar_prefetch = 0 : i64, scratch_operands = 0 : i64, tpu.core_type = #tpu.core_type<tc>, window_params = [{transform_indices = @transform_0, window_bounds = array<i64: 2048, 2>}, {transform_indices = @transform_1, window_bounds = array<i64: 2048, 256>}, {transform_indices = @transform_2, window_bounds = array<i64: 2048, 1>}, {transform_indices = @transform_3, window_bounds = array<i64: 2048, 128>}, {transform_indices = @transform_4, window_bounds = array<i64: 2048, 128>}]} {
    %get3A = arith.constant 0 : index
    %get3A_0 = arith.constant 0 : index
    %get3A_1 = vector.load %arg1[%get3A, %get3A_0] : memref<2048x2xf32, #tpu.memory_space<vmem>>, vector<2048x2xf32>
    %slice3A = vector.extract_strided_slice %get3A_1 {offsets = [0, 0], sizes = [2048, 1], strides = [1, 1]} : vector<2048x2xf32> to vector<2048x1xf32>
    %add3A = arith.constant 1.000000e+00 : f32
    %add3A_2 = vector.broadcast %add3A : f32 to vector<2048x1xf32>
    %add3A_3 = arith.addf %add3A_2, %slice3A : vector<2048x1xf32>
    %slice3A_4 = vector.extract_strided_slice %get3A_1 {offsets = [0, 1], sizes = [2048, 1], strides = [1, 1]} : vector<2048x2xf32> to vector<2048x1xf32>
    %add3A_5 = arith.addf %add3A_3, %slice3A_4 : vector<2048x1xf32>
    %rsqrt3A = math.rsqrt %add3A_5 : vector<2048x1xf32>
    %swap3A = arith.constant 0 : index
    %swap3A_6 = arith.constant 0 : index
    %swap3A_7 = vector.load %arg3[%swap3A, %swap3A_6] : memref<2048x1xf32, #tpu.memory_space<vmem>>, vector<2048x1xf32>
    tpu.vector_store %arg3[%swap3A, %swap3A_6], %rsqrt3A {strides = array<i32>} : memref<2048x1xf32, #tpu.memory_space<vmem>>, vector<2048x1xf32>,
    %get3A_8 = arith.constant 0 : index
    %get3A_9 = arith.constant 0 : index
    %get3A_10 = vector.load %arg2[%get3A_8, %get3A_9] : memref<2048x256xf32, #tpu.memory_space<vmem>>, vector<2048x128xf32>
    %mul3A = vector.broadcast %rsqrt3A : vector<2048x1xf32> to vector<2048x128xf32>
    %mul3A_11 = arith.mulf %get3A_10, %mul3A : vector<2048x128xf32>
    %swap3A_12 = arith.constant 0 : index
    %swap3A_13 = arith.constant 0 : index
    %swap3A_14 = vector.load %arg4[%swap3A_12, %swap3A_13] : memref<2048x128xf32, #tpu.memory_space<vmem>>, vector<2048x128xf32>
    tpu.vector_store %arg4[%swap3A_12, %swap3A_13], %mul3A_11 {strides = array<i32>} : memref<2048x128xf32, #tpu.memory_space<vmem>>, vector<2048x128xf32>,
    %get3A_15 = arith.constant 0 : index
    %get3A_16 = arith.constant 128 : index
    %get3A_17 = vector.load %arg2[%get3A_15, %get3A_16] : memref<2048x256xf32, #tpu.memory_space<vmem>>, vector<2048x128xf32>
    %mul3A_18 = vector.broadcast %rsqrt3A : vector<2048x1xf32> to vector<2048x128xf32>
    %mul3A_19 = arith.mulf %get3A_17, %mul3A_18 : vector<2048x128xf32>
    %swap3A_20 = arith.constant 0 : index
    %swap3A_21 = arith.constant 0 : index
    %swap3A_22 = vector.load %arg5[%swap3A_20, %swap3A_21] : memref<2048x128xf32, #tpu.memory_space<vmem>>, vector<2048x128xf32>
    tpu.vector_store %arg5[%swap3A_20, %swap3A_21], %mul3A_19 {strides = array<i32>} : memref<2048x128xf32, #tpu.memory_space<vmem>>, vector<2048x128xf32>,
    return
  }
  func.func @transform_0(%arg0: i32) -> (i32, i32) {
    %c0_i32 = arith.constant 0 : i32
    %c0_i32_0 = arith.constant 0 : i32
    return %arg0, %c0_i32 : i32, i32
  }
  func.func @transform_1(%arg0: i32) -> (i32, i32) {
    %c0_i32 = arith.constant 0 : i32
    %c0_i32_0 = arith.constant 0 : i32
    return %arg0, %c0_i32 : i32, i32
  }
  func.func @transform_2(%arg0: i32) -> (i32, i32) {
    %c0_i32 = arith.constant 0 : i32
    %c0_i32_0 = arith.constant 0 : i32
    return %arg0, %c0_i32 : i32, i32
  }
  func.func @transform_3(%arg0: i32) -> (i32, i32) {
    %c0_i32 = arith.constant 0 : i32
    %c0_i32_0 = arith.constant 0 : i32
    return %arg0, %c0_i32 : i32, i32
  }
  func.func @transform_4(%arg0: i32) -> (i32, i32) {
    %c0_i32 = arith.constant 0 : i32
    %c0_i32_0 = arith.constant 0 : i32
    return %arg0, %c0_i32 : i32, i32
  }
}

module attributes {stable_mosaic.version = 14 : i64} {
  func.func @body(%arg0: i32, %arg1: memref<2048x128xf32, #tpu.memory_space<vmem>>, %arg2: memref<2048x128xf32, #tpu.memory_space<vmem>>, %arg3: memref<2048x128xf32, #tpu.memory_space<vmem>>, %arg4: memref<2048x128xf32, #tpu.memory_space<vmem>>, %arg5: memref<2048x128xf32, #tpu.memory_space<vmem>>, %arg6: memref<2048x128xf32, #tpu.memory_space<vmem>>, %arg7: memref<2048x1xf32, #tpu.memory_space<vmem>>, %arg8: memref<256x1024xf32, #tpu.memory_space<vmem>>, %arg9: memref<1x1024xf32, #tpu.memory_space<vmem>>, %arg10: memref<1024x128xf32, #tpu.memory_space<vmem>>, %arg11: memref<2048x128xf32, #tpu.memory_space<vmem>>) attributes {dimension_semantics = [#tpu.dimension_semantics<arbitrary>], iteration_bounds = array<i64: 5>, scalar_prefetch = 0 : i64, scratch_operands = 0 : i64, tpu.core_type = #tpu.core_type<tc>, window_params = [{transform_indices = @transform_0, window_bounds = array<i64: 2048, 128>}, {transform_indices = @transform_1, window_bounds = array<i64: 2048, 128>}, {transform_indices = @transform_2, window_bounds = array<i64: 2048, 128>}, {transform_indices = @transform_3, window_bounds = array<i64: 2048, 128>}, {transform_indices = @transform_4, window_bounds = array<i64: 2048, 128>}, {transform_indices = @transform_5, window_bounds = array<i64: 2048, 128>}, {transform_indices = @transform_6, window_bounds = array<i64: 2048, 1>}, {pipeline_mode = #tpu.pipeline_mode<synchronous>, transform_indices = @transform_7, window_bounds = array<i64: 256, 1024>}, {pipeline_mode = #tpu.pipeline_mode<synchronous>, transform_indices = @transform_8, window_bounds = array<i64: 1, 1024>}, {pipeline_mode = #tpu.pipeline_mode<synchronous>, transform_indices = @transform_9, window_bounds = array<i64: 1024, 128>}, {transform_indices = @transform_10, window_bounds = array<i64: 2048, 128>}]} {
    %get3A = arith.constant 0 : index
    %get3A_0 = arith.constant 0 : index
    %get3A_1 = vector.load %arg7[%get3A, %get3A_0] : memref<2048x1xf32, #tpu.memory_space<vmem>>, vector<2048x1xf32>
    %get3A_2 = arith.constant 0 : index
    %get3A_3 = arith.constant 0 : index
    %get3A_4 = vector.load %arg1[%get3A_2, %get3A_3] : memref<2048x128xf32, #tpu.memory_space<vmem>>, vector<2048x128xf32>
    %get3A_5 = arith.constant 0 : index
    %get3A_6 = arith.constant 0 : index
    %get3A_7 = vector.load %arg2[%get3A_5, %get3A_6] : memref<2048x128xf32, #tpu.memory_space<vmem>>, vector<2048x128xf32>
    %add3A = arith.addf %get3A_4, %get3A_7 : vector<2048x128xf32>
    %get3A_8 = arith.constant 0 : index
    %get3A_9 = arith.constant 0 : index
    %get3A_10 = vector.load %arg3[%get3A_8, %get3A_9] : memref<2048x128xf32, #tpu.memory_space<vmem>>, vector<2048x128xf32>
    %sub3A = arith.subf %add3A, %get3A_10 : vector<2048x128xf32>
    %mul3A = vector.broadcast %get3A_1 : vector<2048x1xf32> to vector<2048x128xf32>
    %mul3A_11 = arith.mulf %sub3A, %mul3A : vector<2048x128xf32>
    %get3A_12 = arith.constant 0 : index
    %get3A_13 = arith.constant 0 : index
    %get3A_14 = vector.load %arg4[%get3A_12, %get3A_13] : memref<2048x128xf32, #tpu.memory_space<vmem>>, vector<2048x128xf32>
    %get3A_15 = arith.constant 0 : index
    %get3A_16 = arith.constant 0 : index
    %get3A_17 = vector.load %arg5[%get3A_15, %get3A_16] : memref<2048x128xf32, #tpu.memory_space<vmem>>, vector<2048x128xf32>
    %add3A_18 = arith.addf %get3A_14, %get3A_17 : vector<2048x128xf32>
    %get3A_19 = arith.constant 0 : index
    %get3A_20 = arith.constant 0 : index
    %get3A_21 = vector.load %arg6[%get3A_19, %get3A_20] : memref<2048x128xf32, #tpu.memory_space<vmem>>, vector<2048x128xf32>
    %sub3A_22 = arith.subf %add3A_18, %get3A_21 : vector<2048x128xf32>
    %mul3A_23 = vector.broadcast %get3A_1 : vector<2048x1xf32> to vector<2048x128xf32>
    %mul3A_24 = arith.mulf %sub3A_22, %mul3A_23 : vector<2048x128xf32>
    %get3A_25 = arith.constant 0 : index
    %get3A_26 = arith.constant 0 : index
    %get3A_27 = vector.load %arg8[%get3A_25, %get3A_26] : memref<256x1024xf32, #tpu.memory_space<vmem>>, vector<128x1024xf32>
    %dot_general3A = arith.constant dense<0.000000e+00> : vector<2048x1024xf32>
    %dot_general3A_28 = tpu.matmul %mul3A_11, %get3A_27, %dot_general3A {dimension_numbers = #tpu.dot_dimension_numbers<[1], [0], [0], [1], [0, 0, 1, 1], [], []>, transpose_lhs_hint = false} : vector<2048x128xf32>, vector<128x1024xf32>, vector<2048x1024xf32> -> vector<2048x1024xf32>
    %get3A_29 = arith.constant 128 : index
    %get3A_30 = arith.constant 0 : index
    %get3A_31 = vector.load %arg8[%get3A_29, %get3A_30] : memref<256x1024xf32, #tpu.memory_space<vmem>>, vector<128x1024xf32>
    %dot_general3A_32 = arith.constant dense<0.000000e+00> : vector<2048x1024xf32>
    %dot_general3A_33 = tpu.matmul %mul3A_24, %get3A_31, %dot_general3A_32 {dimension_numbers = #tpu.dot_dimension_numbers<[1], [0], [0], [1], [0, 0, 1, 1], [], []>, transpose_lhs_hint = false} : vector<2048x128xf32>, vector<128x1024xf32>, vector<2048x1024xf32> -> vector<2048x1024xf32>
    %add3A_34 = arith.addf %dot_general3A_28, %dot_general3A_33 : vector<2048x1024xf32>
    %get3A_35 = arith.constant 0 : index
    %get3A_36 = arith.constant 0 : index
    %get3A_37 = vector.load %arg9[%get3A_35, %get3A_36] : memref<1x1024xf32, #tpu.memory_space<vmem>>, vector<1x1024xf32>
    %add3A_38 = vector.broadcast %get3A_37 : vector<1x1024xf32> to vector<2048x1024xf32>
    %add3A_39 = arith.addf %add3A_34, %add3A_38 : vector<2048x1024xf32>
    %max3A = arith.constant 0.000000e+00 : f32
    %max3A_40 = vector.broadcast %max3A : f32 to vector<2048x1024xf32>
    %max3A_41 = arith.maximumf %add3A_39, %max3A_40 : vector<2048x1024xf32>
    %get3A_42 = arith.constant 0 : index
    %get3A_43 = arith.constant 0 : index
    %get3A_44 = vector.load %arg10[%get3A_42, %get3A_43] : memref<1024x128xf32, #tpu.memory_space<vmem>>, vector<1024x128xf32>
    %dot_general3A_45 = arith.constant dense<0.000000e+00> : vector<2048x128xf32>
    %dot_general3A_46 = tpu.matmul %max3A_41, %get3A_44, %dot_general3A_45 {dimension_numbers = #tpu.dot_dimension_numbers<[1], [0], [0], [1], [0, 0, 1, 1], [], []>, transpose_lhs_hint = false} : vector<2048x1024xf32>, vector<1024x128xf32>, vector<2048x128xf32> -> vector<2048x128xf32>
    %mul3A_47 = vector.broadcast %get3A_1 : vector<2048x1xf32> to vector<2048x128xf32>
    %mul3A_48 = arith.mulf %dot_general3A_46, %mul3A_47 : vector<2048x128xf32>
    %swap3A = arith.constant 0 : index
    %swap3A_49 = arith.constant 0 : index
    %swap3A_50 = vector.load %arg11[%swap3A, %swap3A_49] : memref<2048x128xf32, #tpu.memory_space<vmem>>, vector<2048x128xf32>
    tpu.vector_store %arg11[%swap3A, %swap3A_49], %mul3A_48 {strides = array<i32>} : memref<2048x128xf32, #tpu.memory_space<vmem>>, vector<2048x128xf32>,
    return
  }
  func.func @transform_0(%arg0: i32) -> (i32, i32) {
    %c0_i32 = arith.constant 0 : i32
    %c0_i32_0 = arith.constant 0 : i32
    return %arg0, %c0_i32 : i32, i32
  }
  func.func @transform_1(%arg0: i32) -> (i32, i32) {
    %add3A = arith.constant 5 : i32
    %add3A_0 = arith.addi %arg0, %add3A : i32
    %c0_i32 = arith.constant 0 : i32
    %c0_i32_1 = arith.constant 0 : i32
    return %add3A_0, %c0_i32 : i32, i32
  }
  func.func @transform_2(%arg0: i32) -> (i32, i32) {
    %c0_i32 = arith.constant 0 : i32
    %c0_i32_0 = arith.constant 0 : i32
    return %arg0, %c0_i32 : i32, i32
  }
  func.func @transform_3(%arg0: i32) -> (i32, i32) {
    %c0_i32 = arith.constant 0 : i32
    %c0_i32_0 = arith.constant 0 : i32
    return %arg0, %c0_i32 : i32, i32
  }
  func.func @transform_4(%arg0: i32) -> (i32, i32) {
    %add3A = arith.constant 5 : i32
    %add3A_0 = arith.addi %arg0, %add3A : i32
    %c0_i32 = arith.constant 0 : i32
    %c0_i32_1 = arith.constant 0 : i32
    return %add3A_0, %c0_i32 : i32, i32
  }
  func.func @transform_5(%arg0: i32) -> (i32, i32) {
    %c0_i32 = arith.constant 0 : i32
    %c0_i32_0 = arith.constant 0 : i32
    return %arg0, %c0_i32 : i32, i32
  }
  func.func @transform_6(%arg0: i32) -> (i32, i32) {
    %c0_i32 = arith.constant 0 : i32
    %c0_i32_0 = arith.constant 0 : i32
    return %arg0, %c0_i32 : i32, i32
  }
  func.func @transform_7(%arg0: i32) -> (i32, i32) {
    %c0_i32 = arith.constant 0 : i32
    %c0_i32_0 = arith.constant 0 : i32
    %c0_i32_1 = arith.constant 0 : i32
    return %c0_i32, %c0_i32_0 : i32, i32
  }
  func.func @transform_8(%arg0: i32) -> (i32, i32) {
    %c0_i32 = arith.constant 0 : i32
    %c0_i32_0 = arith.constant 0 : i32
    %c0_i32_1 = arith.constant 0 : i32
    return %c0_i32, %c0_i32_0 : i32, i32
  }
  func.func @transform_9(%arg0: i32) -> (i32, i32) {
    %c0_i32 = arith.constant 0 : i32
    %c0_i32_0 = arith.constant 0 : i32
    %c0_i32_1 = arith.constant 0 : i32
    return %c0_i32, %c0_i32_0 : i32, i32
  }
  func.func @transform_10(%arg0: i32) -> (i32, i32) {
    %c0_i32 = arith.constant 0 : i32
    %c0_i32_0 = arith.constant 0 : i32
    return %arg0, %c0_i32 : i32, i32
  }
}

module attributes {stable_mosaic.version = 14 : i64} {
  func.func @body(%arg0: i32, %arg1: memref<2048x128xf32, #tpu.memory_space<vmem>>, %arg2: memref<2048x128xf32, #tpu.memory_space<vmem>>, %arg3: memref<2048x128xf32, #tpu.memory_space<vmem>>, %arg4: memref<2048x1xf32, #tpu.memory_space<vmem>>, %arg5: memref<1x128xf32, #tpu.memory_space<vmem>>, %arg6: memref<2048x128xf32, #tpu.memory_space<vmem>>) attributes {dimension_semantics = [#tpu.dimension_semantics<arbitrary>], iteration_bounds = array<i64: 5>, scalar_prefetch = 0 : i64, scratch_operands = 0 : i64, tpu.core_type = #tpu.core_type<tc>, window_params = [{transform_indices = @transform_0, window_bounds = array<i64: 2048, 128>}, {transform_indices = @transform_1, window_bounds = array<i64: 2048, 128>}, {transform_indices = @transform_2, window_bounds = array<i64: 2048, 128>}, {transform_indices = @transform_3, window_bounds = array<i64: 2048, 1>}, {pipeline_mode = #tpu.pipeline_mode<synchronous>, transform_indices = @transform_4, window_bounds = array<i64: 1, 128>}, {transform_indices = @transform_5, window_bounds = array<i64: 2048, 128>}]} {
    %get3A = arith.constant 0 : index
    %get3A_0 = arith.constant 0 : index
    %get3A_1 = vector.load %arg1[%get3A, %get3A_0] : memref<2048x128xf32, #tpu.memory_space<vmem>>, vector<2048x128xf32>
    %get3A_2 = arith.constant 0 : index
    %get3A_3 = arith.constant 0 : index
    %get3A_4 = vector.load %arg2[%get3A_2, %get3A_3] : memref<2048x128xf32, #tpu.memory_space<vmem>>, vector<2048x128xf32>
    %add3A = arith.addf %get3A_1, %get3A_4 : vector<2048x128xf32>
    %get3A_5 = arith.constant 0 : index
    %get3A_6 = arith.constant 0 : index
    %get3A_7 = vector.load %arg3[%get3A_5, %get3A_6] : memref<2048x128xf32, #tpu.memory_space<vmem>>, vector<2048x128xf32>
    %sub3A = arith.subf %add3A, %get3A_7 : vector<2048x128xf32>
    %get3A_8 = arith.constant 0 : index
    %get3A_9 = arith.constant 0 : index
    %get3A_10 = vector.load %arg4[%get3A_8, %get3A_9] : memref<2048x1xf32, #tpu.memory_space<vmem>>, vector<2048x1xf32>
    %mul3A = vector.broadcast %get3A_10 : vector<2048x1xf32> to vector<2048x128xf32>
    %mul3A_11 = arith.mulf %sub3A, %mul3A : vector<2048x128xf32>
    %get3A_12 = arith.constant 0 : index
    %get3A_13 = arith.constant 0 : index
    %get3A_14 = vector.load %arg5[%get3A_12, %get3A_13] : memref<1x128xf32, #tpu.memory_space<vmem>>, vector<1x128xf32>
    %add3A_15 = vector.broadcast %get3A_14 : vector<1x128xf32> to vector<2048x128xf32>
    %add3A_16 = arith.addf %mul3A_11, %add3A_15 : vector<2048x128xf32>
    %max3A = arith.constant 0.000000e+00 : f32
    %max3A_17 = vector.broadcast %max3A : f32 to vector<2048x128xf32>
    %max3A_18 = arith.maximumf %add3A_16, %max3A_17 : vector<2048x128xf32>
    %swap3A = arith.constant 0 : index
    %swap3A_19 = arith.constant 0 : index
    %swap3A_20 = vector.load %arg6[%swap3A, %swap3A_19] : memref<2048x128xf32, #tpu.memory_space<vmem>>, vector<2048x128xf32>
    tpu.vector_store %arg6[%swap3A, %swap3A_19], %max3A_18 {strides = array<i32>} : memref<2048x128xf32, #tpu.memory_space<vmem>>, vector<2048x128xf32>,
    return
  }
  func.func @transform_0(%arg0: i32) -> (i32, i32) {
    %c0_i32 = arith.constant 0 : i32
    %c0_i32_0 = arith.constant 0 : i32
    return %arg0, %c0_i32 : i32, i32
  }
  func.func @transform_1(%arg0: i32) -> (i32, i32) {
    %add3A = arith.constant 5 : i32
    %add3A_0 = arith.addi %arg0, %add3A : i32
    %c0_i32 = arith.constant 0 : i32
    %c0_i32_1 = arith.constant 0 : i32
    return %add3A_0, %c0_i32 : i32, i32
  }
  func.func @transform_2(%arg0: i32) -> (i32, i32) {
    %c0_i32 = arith.constant 0 : i32
    %c0_i32_0 = arith.constant 0 : i32
    return %arg0, %c0_i32 : i32, i32
  }
  func.func @transform_3(%arg0: i32) -> (i32, i32) {
    %c0_i32 = arith.constant 0 : i32
    %c0_i32_0 = arith.constant 0 : i32
    return %arg0, %c0_i32 : i32, i32
  }
  func.func @transform_4(%arg0: i32) -> (i32, i32) {
    %c0_i32 = arith.constant 0 : i32
    %c0_i32_0 = arith.constant 0 : i32
    %c0_i32_1 = arith.constant 0 : i32
    return %c0_i32, %c0_i32_0 : i32, i32
  }
  func.func @transform_5(%arg0: i32) -> (i32, i32) {
    %c0_i32 = arith.constant 0 : i32
    %c0_i32_0 = arith.constant 0 : i32
    return %arg0, %c0_i32 : i32, i32
  }
}

</mosaic_0001>

<sc_bundles>
// kernel: kernel.11.cloned.1.call-start
scs
__scs_entry_jumppad:
0x0: {  	(pc) =	sbr.rel $0x88, $3  }
0x1: {  	(tag) =	ssettag $0x0;
	lr =	simm.s32 $0x1  }
0x2: {  	[smem:$0x3F9B] =	sst lr;
	_ =	strace $0xD0000000  }
0x3: {  	_ = 	snop  }
0x4: {  	_ = 	snop  }
0x5: {  	_ = 	snop  }
0x6: {  	_ = 	snop  }
0x7: {  	_ = 	snop  }
__scs_overlays_trampoline_lowered:
0x8: {  	[smem:$0x3FAA] =	sst s0  }
0x9: {  	[smem:$0x3FAB] =	sst s1  }
0xa: {  	[smem:$0x3FAC] =	sst s2  }
0xb: {  	[smem:$0x3FAD] =	sst s3  }
0xc: {  	[smem:$0x3FAE] =	sst s4  }
0xd: {  	[smem:$0x3FAF] =	sst s5  }
0xe: {  	[smem:$0x3FB0] =	sst s6  }
0xf: {  	[smem:$0x3FB1] =	sst s7  }
0x10: {  	[smem:$0x3FB2] =	sst s8  }
0x11: {  	[smem:$0x3FB3] =	sst s9;
	s0 =	simm.s32 @!p0 $0x0  }
0x12: {  	s1 =	sld [smem:$0x3F99];
	s0 =	simm.s32 @p0 $0x1  }
0x13: {  	[smem:$0x3FB4] =	sst s0;
	s0 =	simm.s32 @!p1 $0x0  }
0x14: {  	s2 =	sld [smem:$0x3F98];
	s0 =	simm.s32 @p1 $0x1  }
0x15: {  	[smem:$0x3FB5] =	sst s0;
	s0 =	simm.s32 @!p2 $0x0  }
0x16: {  	s3 =	sld [smem:$0x3FDB];
	s0 =	simm.s32 @p2 $0x1  }
0x17: {  	s4 =	simm.s32 $0x1BF5;
	[smem:$0x3FB7] =	sst s0  }
0x18: {  	s0 =	sld [smem:$0x3F9A];
	_ =	swait.ge [sflag:s4], $0x0  }
0x19: {  	s7 =	sld [smem:$0x3F9B]  }
0x1a: {  	s8 =	sadd.s32 $0xFFFFE003, lr  }
0x1b: {  	s9 =	sadd.s32 $0xFFFFFEF7, lr;
	s5 =	simm.s32 $0xFFFFFFFF;
	p2 =	slt.u32 s8, $0xFFFFF086  }
0x1c: {  	p1 =	slt.u32 s9, $0xF7A;
	s5 =	simm.s32 @!p2 $0x0  }
0x1d: {  	s5 =	simm.s32 @p1 $0x1;
	p0 =	seq.s32 s7, s2  }
0x1e: {  	s7 =	smul.u32 @!p0 $0xF7A, s2;
	p2 =	seq.s32 @!p0 s5, $0x0  }
0x1f: {  	s9 =	smul.u32 $0xF7A, s1;
	s8 =	simm.s32 @!p0 $0x1BF5;
	p2 =	por !p2, p0  }
0x20: {  	[sflag:s8] =	ssyncset.s32 @!p0 $0xFFFFF086;
	s6 =	sadd.s32 @!p0 s3, s7;
	s7 =	simm.s32 @!p0 $0x108  }
0x21: {  	s3 =	sadd.s32 s3, s9;
	s6 =	sadd.s32 @!p0 $0x88, s6;
	s7 =	simm.s32 @p2 $0x1082  }
0x22: {  	[simem:s7], [sflag:s8] =	dma.local @!p0 [hbm:s6], $0xF7A  }
0x23: {  	s9 =	sor.u32 $0xD0000000, s2;
	s6 =	simm.s32 $0x108;
	_ =	swait.ge @!p0 [sflag:s8], $0x0  }
0x24: {  	s3 =	sadd.s32 $0x88, s3;
	s6 =	simm.s32 @!p1 $0x1082;
	[sflag:s4] =	ssyncset.s32 $0xFFFFF086  }
0x25: {  	[simem:s6], [sflag:s4] =	dma.local [hbm:s3], $0xF7A  }
0x26: {  	[smem:$0x3F9B] =	sst s1;
	(tag) =	ssettag s2;
	_ =	strace s9  }
0x27: {  	s1 =	sld [smem:$0x3FAB]  }
0x28: {  	s2 =	sld [smem:$0x3FAC]  }
0x29: {  	s4 =	sld [smem:$0x3FAE]  }
0x2a: {  	p0 =	seq.s32 s5, $0x0;
	s5 =	sld [smem:$0x3FAF]  }
0x2b: {  	s6 =	sld [smem:$0x3FB0]  }
0x2c: {  	s7 =	sld [smem:$0x3FB1]  }
0x2d: {  	s3 =	simm.s32 $0x108;
	s8 =	sld [smem:$0x3FB2]  }
0x2e: {  	s3 =	simm.s32 @!p0 $0x1082;
	s9 =	sld [smem:$0x3FB3]  }
0x2f: {  	lr =	sadd.s32 s0, s3;
	s0 =	sld [smem:$0x3FAA]  }
0x30: {  	s3 =	sld [smem:$0x3FAD]  }
0x31: {  	[smem:$0x3FB6] =	sst s10  }
0x32: {  	s10 =	sld [smem:$0x3FB4];
	_ =	sdelay $0x3  }
0x33: {  	p0 =	seq.s32 s10, $0x1;
	s10 =	sld [smem:$0x3FB6];
	_ =	sdelay $0x3  }
0x34: {  	[smem:$0x3FB6] =	sst s10  }
0x35: {  	s10 =	sld [smem:$0x3FB5];
	_ =	sdelay $0x3  }
0x36: {  	p1 =	seq.s32 s10, $0x1;
	s10 =	sld [smem:$0x3FB6];
	_ =	sdelay $0x3  }
0x37: {  	[smem:$0x3FB6] =	sst s10  }
0x38: {  	s10 =	sld [smem:$0x3FB7]  }
0x39: {  	_ = 	snop;
	(pc) =	sbr.ind lr, $3  }
0x3a: {  	_ = 	snop  }
0x3b: {  	_ = 	snop  }
0x3c: {  	p2 =	seq.s32 s10, $0x1;
	s10 =	sld [smem:$0x3FB6]  }
0x3d: {  	_ =	shalt  }
0x3e: {  	_ =	shalt  }
0x3f: {  	_ =	shalt  }
0x40: {  	_ =	shalt  }
0x41: {  	_ =	shalt  }
0x42: {  	_ =	shalt  }
0x43: {  	_ =	shalt  }
0x44: {  	_ =	shalt  }
0x45: {  	_ =	shalt  }
0x46: {  	_ =	shalt  }
0x47: {  	_ =	shalt  }
0x48: {  	_ =	shalt  }
0x49: {  	_ =	shalt  }
0x4a: {  	_ =	shalt  }
0x4b: {  	_ =	shalt  }
0x4c: {  	_ =	shalt  }
0x4d: {  	_ =	shalt  }
0x4e: {  	_ =	shalt  }
0x4f: {  	_ =	shalt  }
0x50: {  	_ =	shalt  }
0x51: {  	_ =	shalt  }
0x52: {  	_ =	shalt  }
0x53: {  	_ =	shalt  }
0x54: {  	_ =	shalt  }
0x55: {  	_ =	shalt  }
0x56: {  	_ =	shalt  }
0x57: {  	_ =	shalt  }
0x58: {  	_ =	shalt  }
0x59: {  	_ =	shalt  }
0x5a: {  	_ =	shalt  }
0x5b: {  	_ =	shalt  }
0x5c: {  	_ =	shalt  }
0x5d: {  	_ =	shalt  }
0x5e: {  	_ =	shalt  }
0x5f: {  	_ =	shalt  }
0x60: {  	_ =	shalt  }
0x61: {  	_ =	shalt  }
0x62: {  	_ =	shalt  }
0x63: {  	_ =	shalt  }
0x64: {  	_ =	shalt  }
0x65: {  	_ =	shalt  }
0x66: {  	_ =	shalt  }
0x67: {  	_ =	shalt  }
0x68: {  	_ =	shalt  }
0x69: {  	_ =	shalt  }
0x6a: {  	_ =	shalt  }
0x6b: {  	_ =	shalt  }
0x6c: {  	_ =	shalt  }
0x6d: {  	_ =	shalt  }
0x6e: {  	_ =	shalt  }
0x6f: {  	_ =	shalt  }
0x70: {  	_ =	shalt  }
0x71: {  	_ =	shalt  }
0x72: {  	_ =	shalt  }
0x73: {  	_ =	shalt  }
0x74: {  	_ =	shalt  }
0x75: {  	_ =	shalt  }
0x76: {  	_ =	shalt  }
0x77: {  	_ =	shalt  }
0x78: {  	_ =	shalt  }
0x79: {  	_ =	shalt  }
0x7a: {  	_ =	shalt  }
0x7b: {  	_ =	shalt  }
0x7c: {  	_ =	shalt  }
0x7d: {  	_ =	shalt  }
0x7e: {  	_ =	shalt  }
0x7f: {  	_ =	shalt  }
0x80: {  	_ =	shalt  }
0x81: {  	_ =	shalt  }
0x82: {  	_ =	shalt  }
0x83: {  	_ =	shalt  }
0x84: {  	_ =	shalt  }
0x85: {  	_ =	shalt  }
0x86: {  	_ =	shalt  }
0x87: {  	_ =	shalt  }
.Lfunc_end0:
.L_simem_size_0:
called_computation.1_lowered:
.L_overlay_start_0:
0x88: {  	s2 =	sld [smem:$0x3FD9]  }
0x89: {  	s3 =	sld [smem:$0x3FFE];
	_ =	sdelay $0x1  }
0x8a: {  	s1 =	srdreg.scid  }
0x8b: {  	s0 =	sand.u32 $0x1, s1  }
0x8c: {  	s17 =	sshll.u32 s0, $0xA;
	s2 =	sadd.s32 s3, s2  }
0x8d: {  	s2 =	sadd.s32 s2, s17  }
0x8e: {  	[smem:$0x3FC2] =	sst s2  }
0x8f: {  	_ = 	snop  }
0x90: {  	s2 =	sld [smem:$0x3FD0];
	(tm) =	ssettm $0x1  }
0x91: {  	s18 =	sld [smem:$0x3FFB];
	_ =	sdelay $0x3  }
0x92: {  	_ =	strace s18  }
0x93: {  	s3 =	sld [smem:$0x3FFC];
	_ =	sdelay $0x3  }
0x94: {  	_ =	strace s3  }
0x95: {  	s3 =	sld [smem:$0x3FFD];
	_ =	sdelay $0x3  }
0x96: {  	_ =	strace s3  }
0x97: {  	_ =	strace $0x8FFFFFFF  }
0x98: {  	s19 =	sld [smem:$0x3FDB];
	_ =	sdelay $0x1  }
0x99: {  	s4 =	simm.s32 $_scs_section_size  }
0x9a: {  	s5 =	simm.s32 $_size__tile_overlayer_lowered;
	s6 =	simm.s32 $_tile_overlayer_lowered  }
0x9b: {  	s22 =	simm.s32 $0x1BFF;
	s21 =	sshll.u32 s6, $0x1;
	s3 =	sadd.s32 s4, s19  }
0x9c: {  	s7 =	simm.s32 $0x0;
	s20 =	sshll.u32 s5, $0x1;
	s5 =	sadd.s32 s21, s3  }
0x9d: {  	[timem:s7], [sflag:s22] =	dma.local [hbm:s5], s20  }
0x9e: {  	_ =	swait.ge [sflag:s22], s20  }
0x9f: {  	s4 =	ssub.s32 $0x0, s20;
	[sflag:s22] =	ssyncset.done $0x0  }
0xa0: {  	[sflag:s22] =	ssyncadd.s32 s4;
	_ =	sdelay $0x1  }
0xa1: {  	s23 =	simm.s32 $0x1B8B  }
0xa2: {  	_ =	swait.ge [sflag:s23], $0x1  }
0xa3: {  	[sflag:s23] =	ssyncset.done $0x0  }
0xa4: {  	s25 =	simm.s32 $0x1B8E;
	s24 =	sld [smem:$0x3FFE];
	[sflag:s23] =	ssyncadd.s32 $0xFFFFFFFF  }
0xa5: {  	s26 =	simm.s32 $execute0_lowered;
	[smem:$0x3FD2] =	sst s25  }
0xa6: {  	s5 =	sshll.u32 s26, $0x1;
	_ =	strace $0x80000049;
	[dreg:$0x1] =	wrdreg $0xFFFFFFFF  }
0xa7: {  	s28 =	simm.s32 $_size_execute0_lowered;
	s3 =	sadd.s32 s3, s5;
	[dreg:$0x0] =	wrdreg $0x0  }
0xa8: {  	s5 =	sshll.u32 s28, $0x1;
	[dreg:$0x2] =	wrdreg s3  }
0xa9: {  	[dreg:$0x3] =	wrdreg s5  }
0xaa: {  	[dreg:$0x4] =	wrdreg $0xC0  }
0xab: {  	_ =	task [dreg:s7], $0x5FFFF  }
0xac: {  	[dreg:$0x1] =	wrdreg $0xFFFFFFFF  }
0xad: {  	[dreg:$0x0] =	wrdreg $0x60  }
0xae: {  	[dreg:$0x2] =	wrdreg s24  }
0xaf: {  	[dreg:$0x3] =	wrdreg s2  }
0xb0: {  	[dreg:$0x4] =	wrdreg $0xA8000  }
0xb1: {  	[dreg:$0x5] =	wrdreg $0x9  }
0xb2: {  	_ =	task.clear_ibuf [dreg:s7], $0x6FFFF;
	_ =	strace $0x90000049  }
0xb3: {  	s29 =	simm.s32 $0x9;
	_ =	strace $0x8000004B  }
0xb4: {  	_ =	swait.ge [sflag:s29], $0x1  }
0xb5: {  	[sflag:s29] =	ssyncadd.s32 $0xFFFFFFFF  }
0xb6: {  	_ =	strace $0x9000004B  }
0xb7: {  	_ =	sfence  }
0xb8: {  	s30 =	sld [smem:$0x0];
	_ =	sdelay $0x2  }
0xb9: {  	s31 =	sshll.u32 s1, $0xD;
	s1 =	sshrl.u32 s1, $0x2  }
0xba: {  	s3 =	sand.u32 $0x4000, s31;
	s1 =	sadd.s32 s1, s30  }
0xbb: {  	s0 =	sor.u32 s3, s0;
	s1 =	sshll.u32 s1, $0x11  }
0xbc: {  	s0 =	sor.u32 s1, s0  }
0xbd: {  	s0 =	sadd.s32 $0x8F2B, s0  }
0xbe: {  	[sflag:s0] =	ssyncadd.remote.s32 $0x1  }
0xbf: {  	_ =	sfence.sel $0xFFFF  }
0xc0: {  	[dreg:$0x0] =	wrdreg $0xFFFFFFFF;
	(pc) =	sbr.abs _section_cstart, $3  }
0xc1: {  	[dreg:$0x1] =	wrdreg $0xFFFFFFFF  }
0xc2: {  	_ =	task.clear_ibuf [dreg:s7], $0x2FFFF;
	_ =	strace $0x9FFFFFFF  }
0xc3: {  	(tm) =	ssettm $0x7FFFFFFF  }
tec
execute0_lowered:
.L_overlay_start_1:
0x0: {  	(tag) =	ssettag $0x1  }
0x1: {  	s1 =	srdreg.scid;
	s6 =	rddreg [dreg:$0x0]  }
0x2: {  	s0 =	stileid.u32;
	s8 =	rddreg [dreg:$0x1]  }
0x3: {  	s2 =	rddreg [dreg:$0x2];
	s3 =	simm.s32 $0x0;
	s17 =	simm.s32 $0x80  }
0x4: {  	s18 =	simm.s32 $0x2800;
	s19 =	simm.s32 $0x6800;
	s20 =	simm.s32 $0x1  }
0x5: {  	s21 =	simm.s32 $0x2;
	s22 =	simm.s32 $0x1380;
	s23 =	simm.s32 $0x2700  }
0x6: {  	s24 =	simm.s32 $0x2780;
	s25 =	simm.s32 $0x0;
	s7 =	sand.u32 $0x1, s1  }
0x7: {  	s28 =	sshll.u32 s0, $0x1;
	s10 =	smul.u32 $0x280, s0;
	[smem:$0x7FF] =	sst s3  }
0x8: {  	s4 =	sadd.s32 $0x7000, s6;
	s5 =	sadd.s32 $0x2F000, s6;
	s29 =	smul.u32 $0x50000, s0  }
0x9: {  	s31 =	smul.u32 $0x2800, s0;
	s15 =	sshll.u32 s0, $0x6;
	s1 =	sor.u32 s7, s28  }
0xa: {  	s11 =	smul.u32 $0x2800, s7;
	s7 =	ssub.s32 $0x2, s7;
	s15 =	sor.u32 $0x1C03, s15  }
0xb: {  	s9 =	smul.u32 $0x280, s1;
	s1 =	rddreg [dreg:$0x3];
	s30 =	sshrl.u32 s7, $0x1  }
0xc: {  	_ =	strace $0x8000004A;
	s10 =	sadd.s32 s10, s11;
	s14 =	ssub.s32 s7, s30  }
0xd: {  	s11 =	sshrl.u32 s29, $0x2;
	s12 =	sadd.s32 s9, s6;
	s10 =	sshll.u32 s10, $0x4  }
0xe: {  	s7 =	sadd.s32 s8, s9;
	s16 =	sadd.s32 s11, s2;
	s8 =	sadd.s32 s4, s31  }
0xf: {  	s13 =	sadd.s32 s10, s6;
	s6 =	sadd.s32 $0x2000, s12;
	s10 =	sadd.s32 s5, s31  }
0x10: {  	s12 =	smax.u32 s14, $0x1;
	s14 =	simm.s32 $0x1400;
	s16 =	sshrl.u32 s16, $0x3  }
0x11: {  	s9 =	sadd.s32 $0x57000, s13;
	s11 =	sadd.s32 $0xA7000, s13;
	s13 =	simm.s32 $0x3  }
.LBB2_1:
0x12: {  	[tilespmem:s3], [sflag:$0x3] =	stream.linear.gather [hbm4b:s6+s3], $0x1400, $0x38;
	[tilespmem:$0x1E800] =	vst v63  }
0x13: {  	_ =	swait.ge [sflag:s13], $0x1400  }
0x14: {  	[sflag:s13] =	ssyncset.done $0x0  }
0x15: {  	[sflag:s13] =	ssyncadd.s32 $0xFFFFEC00  }
0x16: {  	[tilespmem:s14], [sflag:$0x3] =	stream.linear.gather [hbm4b:s7+s3], $0x1400, $0x38;
	[tilespmem:$0x1E800] =	vst v63  }
0x17: {  	_ =	swait.ge [sflag:s13], $0x1400  }
0x18: {  	[sflag:s13] =	ssyncset.done $0x0  }
0x19: {  	[sflag:s13] =	ssyncadd.s32 $0xFFFFEC00  }
0x1a: {  	[spmem:s16], [sflag:s15] =	dma.local [hbm:s8], $0x2800  }
0x1b: {  	_ =	swait.ge [sflag:s13], $0x2800  }
0x1c: {  	[sflag:s13] =	ssyncset.done $0x0  }
0x1d: {  	[sflag:s13] =	ssyncadd.s32 $0xFFFFD800  }
0x1e: {  	[bflag:$0x0] =	sbarrier.arrive $0xFFFF  }
0x1f: {  	[tilespmem:s18], [sflag:$0x1] =	stream.indirect.gather [hbm4b:s4+s17], $0x80, s3, s17, $0xb8;
	[tilespmem:$0x1E800] =	vst v63  }
0x20: {  	s26 =	simm.s32 $0x80  }
0x21: {  	[tilespmem:s19], [sflag:$0x2] =	stream.indirect.gather [hbm4b:s4+s17], $0x80, s26, s17, $0xb8;
	[tilespmem:$0x1E800] =	vst v63  }
0x22: {  	_ =	swait.ge [sflag:s20], $0x4000  }
0x23: {  	[sflag:s20] =	ssyncset.done $0x0  }
0x24: {  	s29 =	simm.s32 $0x1400;
	[sflag:s20] =	ssyncadd.s32 $0xFFFFC000  }
0x25: {  	[spmem:s2] =	stream.indirect.scatter.add.f32 [tilespmem:s18], [sflag:$0x3], $0x80, s29, s17, $0xb8;
	[tilespmem:$0x1E800] =	vst v63  }
0x26: {  	_ =	swait.ge [sflag:s13], $0x4000  }
0x27: {  	[sflag:s13] =	ssyncset.done $0x0  }
0x28: {  	s30 =	simm.s32 $0x100;
	[sflag:s13] =	ssyncadd.s32 $0xFFFFC000  }
0x29: {  	[tilespmem:s18], [sflag:$0x1] =	stream.indirect.gather [hbm4b:s4+s17], $0x80, s30, s17, $0xb8;
	[tilespmem:$0x1E800] =	vst v63  }
0x2a: {  	_ =	swait.ge [sflag:s21], $0x4000  }
0x2b: {  	[sflag:s21] =	ssyncset.done $0x0  }
0x2c: {  	s31 =	simm.s32 $0x1480;
	[sflag:s21] =	ssyncadd.s32 $0xFFFFC000  }
0x2d: {  	[spmem:s2] =	stream.indirect.scatter.add.f32 [tilespmem:s19], [sflag:$0x3], $0x80, s31, s17, $0xb8;
	[tilespmem:$0x1E800] =	vst v63  }
0x2e: {  	_ =	swait.ge [sflag:s13], $0x4000  }
0x2f: {  	s28 =	simm.s32 $0x800;
	s26 =	simm.s32 $0x100;
	[sflag:s13] =	ssyncset.done $0x0  }
.LBB2_2:
0x30: {  	s29 =	sadd.s32 $0x80, s26  }
0x31: {  	[sflag:s13] =	ssyncadd.s32 $0xFFFFC000;
	s30 =	smov.u32 s28;
	s31 =	sadd.s32 $0x400, s28  }
0x32: {  	[tilespmem:s19], [sflag:$0x2] =	stream.indirect.gather [hbm4b:s4+s17], $0x80, s29, s17, $0xb8;
	[tilespmem:$0x1E800] =	vst v63  }
0x33: {  	p0 =	sne.s32 s28, $0x4800;
	_ =	swait.ge [sflag:s20], $0x4000  }
0x34: {  	[sflag:s20] =	ssyncset.done $0x0  }
0x35: {  	s28 =	sadd.s32 $0x1400, s26;
	[sflag:s20] =	ssyncadd.s32 $0xFFFFC000  }
0x36: {  	[spmem:s2] =	stream.indirect.scatter.add.f32 [tilespmem:s18], [sflag:$0x3], $0x80, s28, s17, $0xb8;
	[tilespmem:$0x1E800] =	vst v63  }
0x37: {  	_ =	swait.ge [sflag:s13], $0x4000  }
0x38: {  	[sflag:s13] =	ssyncset.done $0x0  }
0x39: {  	s28 =	sadd.s32 $0x100, s26;
	[sflag:s13] =	ssyncadd.s32 $0xFFFFC000  }
0x3a: {  	[tilespmem:s18], [sflag:$0x1] =	stream.indirect.gather [hbm4b:s4+s17], $0x80, s28, s17, $0xb8;
	[tilespmem:$0x1E800] =	vst v63  }
0x3b: {  	_ =	swait.ge [sflag:s21], $0x4000  }
.Ltmp0:
0x3c: {  	[sflag:s21] =	ssyncset.done $0x0;
	(pc) =	sbr.rel @p0 .LBB2_2-.Ltmp0, $4  }
0x3d: {  	s26 =	sadd.s32 $0x1480, s26;
	[sflag:s21] =	ssyncadd.s32 $0xFFFFC000  }
0x3e: {  	[spmem:s2] =	stream.indirect.scatter.add.f32 [tilespmem:s19], [sflag:$0x3], $0x80, s26, s17, $0xb8;
	[tilespmem:$0x1E800] =	vst v63  }
0x3f: {  	_ =	swait.ge [sflag:s13], $0x4000  }
0x40: {  	s28 =	smov.u32 s31;
	s26 =	sshra.s32 s30, $0x2;
	[sflag:s13] =	ssyncset.done $0x0  }
0x41: {  	s28 =	sadd.s32 $0x80, s26;
	[sflag:s13] =	ssyncadd.s32 $0xFFFFC000  }
0x42: {  	[tilespmem:s19], [sflag:$0x2] =	stream.indirect.gather [hbm4b:s4+s17], $0x80, s28, s17, $0xb8;
	[tilespmem:$0x1E800] =	vst v63  }
0x43: {  	_ =	swait.ge [sflag:s20], $0x4000  }
0x44: {  	[sflag:s20] =	ssyncset.done $0x0  }
0x45: {  	s28 =	sadd.s32 $0x1400, s26;
	[sflag:s20] =	ssyncadd.s32 $0xFFFFC000  }
0x46: {  	[spmem:s2] =	stream.indirect.scatter.add.f32 [tilespmem:s18], [sflag:$0x3], $0x80, s28, s17, $0xb8;
	[tilespmem:$0x1E800] =	vst v63  }
0x47: {  	_ =	swait.ge [sflag:s13], $0x4000  }
0x48: {  	[sflag:s13] =	ssyncset.done $0x0  }
0x49: {  	s28 =	sadd.s32 $0x100, s26;
	[sflag:s13] =	ssyncadd.s32 $0xFFFFC000  }
0x4a: {  	[tilespmem:s18], [sflag:$0x1] =	stream.indirect.gather [hbm4b:s4+s17], $0x80, s28, s17, $0xb8;
	[tilespmem:$0x1E800] =	vst v63  }
0x4b: {  	_ =	swait.ge [sflag:s21], $0x4000  }
0x4c: {  	[sflag:s21] =	ssyncset.done $0x0  }
0x4d: {  	s29 =	sadd.s32 $0x1480, s26;
	[sflag:s21] =	ssyncadd.s32 $0xFFFFC000  }
0x4e: {  	[spmem:s2] =	stream.indirect.scatter.add.f32 [tilespmem:s19], [sflag:$0x3], $0x80, s29, s17, $0xb8;
	[tilespmem:$0x1E800] =	vst v63  }
0x4f: {  	_ =	swait.ge [sflag:s13], $0x4000  }
0x50: {  	[sflag:s13] =	ssyncset.done $0x0  }
0x51: {  	[sflag:s13] =	ssyncadd.s32 $0xFFFFC000  }
0x52: {  	[tilespmem:s19], [sflag:$0x2] =	stream.indirect.gather [hbm4b:s4+s17], $0x80, s22, s17, $0xb8;
	[tilespmem:$0x1E800] =	vst v63  }
0x53: {  	_ =	swait.ge [sflag:s20], $0x4000  }
0x54: {  	[sflag:s20] =	ssyncset.done $0x0  }
0x55: {  	[sflag:s20] =	ssyncadd.s32 $0xFFFFC000  }
0x56: {  	[spmem:s2] =	stream.indirect.scatter.add.f32 [tilespmem:s18], [sflag:$0x3], $0x80, s23, s17, $0xb8;
	[tilespmem:$0x1E800] =	vst v63  }
0x57: {  	_ =	swait.ge [sflag:s13], $0x4000  }
0x58: {  	[sflag:s13] =	ssyncset.done $0x0  }
0x59: {  	[sflag:s13] =	ssyncadd.s32 $0xFFFFC000  }
0x5a: {  	_ =	swait.ge [sflag:s21], $0x4000  }
0x5b: {  	[sflag:s21] =	ssyncset.done $0x0  }
0x5c: {  	[sflag:s21] =	ssyncadd.s32 $0xFFFFC000  }
0x5d: {  	[spmem:s2] =	stream.indirect.scatter.add.f32 [tilespmem:s19], [sflag:$0x3], $0x80, s24, s17, $0xb8;
	[tilespmem:$0x1E800] =	vst v63  }
0x5e: {  	_ =	swait.ge [sflag:s13], $0x4000  }
0x5f: {  	[sflag:s13] =	ssyncset.done $0x0  }
0x60: {  	[sflag:s13] =	ssyncadd.s32 $0xFFFFC000  }
0x61: {  	[bflag:$0x0] =	sbarrier.arrive $0xFFFF  }
0x62: {  	[hbm:s9], [sflag:s15] =	dma.local [spmem:s16], $0x2800  }
0x63: {  	_ =	swait.ge [sflag:s13], $0x2800  }
0x64: {  	[sflag:s13] =	ssyncset.done $0x0  }
0x65: {  	[sflag:s13] =	ssyncadd.s32 $0xFFFFD800  }
0x66: {  	[bflag:$0x0] =	sbarrier.arrive $0xFFFF  }
0x67: {  	[spmem:s16], [sflag:s15] =	dma.local [hbm:s10], $0x2800  }
0x68: {  	_ =	swait.ge [sflag:s13], $0x2800  }
0x69: {  	[sflag:s13] =	ssyncset.done $0x0  }
0x6a: {  	[sflag:s13] =	ssyncadd.s32 $0xFFFFD800  }
0x6b: {  	s30 =	simm.s32 $0x0;
	[bflag:$0x0] =	sbarrier.arrive $0xFFFF  }
0x6c: {  	[tilespmem:s18], [sflag:$0x1] =	stream.indirect.gather [hbm4b:s5+s17], $0x80, s30, s17, $0xb8;
	[tilespmem:$0x1E800] =	vst v63  }
0x6d: {  	s31 =	simm.s32 $0x80  }
0x6e: {  	[tilespmem:s19], [sflag:$0x2] =	stream.indirect.gather [hbm4b:s5+s17], $0x80, s31, s17, $0xb8;
	[tilespmem:$0x1E800] =	vst v63  }
0x6f: {  	_ =	swait.ge [sflag:s20], $0x4000  }
0x70: {  	[sflag:s20] =	ssyncset.done $0x0  }
0x71: {  	s29 =	simm.s32 $0x1400;
	[sflag:s20] =	ssyncadd.s32 $0xFFFFC000  }
0x72: {  	[spmem:s2] =	stream.indirect.scatter.add.f32 [tilespmem:s18], [sflag:$0x3], $0x80, s29, s17, $0xb8;
	[tilespmem:$0x1E800] =	vst v63  }
0x73: {  	_ =	swait.ge [sflag:s13], $0x4000  }
0x74: {  	[sflag:s13] =	ssyncset.done $0x0  }
0x75: {  	s30 =	simm.s32 $0x100;
	[sflag:s13] =	ssyncadd.s32 $0xFFFFC000  }
0x76: {  	[tilespmem:s18], [sflag:$0x1] =	stream.indirect.gather [hbm4b:s5+s17], $0x80, s30, s17, $0xb8;
	[tilespmem:$0x1E800] =	vst v63  }
0x77: {  	_ =	swait.ge [sflag:s21], $0x4000  }
0x78: {  	[sflag:s21] =	ssyncset.done $0x0  }
0x79: {  	s31 =	simm.s32 $0x1480;
	[sflag:s21] =	ssyncadd.s32 $0xFFFFC000  }
0x7a: {  	[spmem:s2] =	stream.indirect.scatter.add.f32 [tilespmem:s19], [sflag:$0x3], $0x80, s31, s17, $0xb8;
	[tilespmem:$0x1E800] =	vst v63  }
0x7b: {  	_ =	swait.ge [sflag:s13], $0x4000  }
0x7c: {  	s26 =	simm.s32 $0x100;
	s28 =	simm.s32 $0x800;
	[sflag:s13] =	ssyncset.done $0x0  }
.LBB2_4:
0x7d: {  	s29 =	sadd.s32 $0x80, s26  }
0x7e: {  	[sflag:s13] =	ssyncadd.s32 $0xFFFFC000;
	s30 =	smov.u32 s28;
	s31 =	sadd.s32 $0x400, s28  }
0x7f: {  	[tilespmem:s19], [sflag:$0x2] =	stream.indirect.gather [hbm4b:s5+s17], $0x80, s29, s17, $0xb8;
	[tilespmem:$0x1E800] =	vst v63  }
0x80: {  	p0 =	sne.s32 s28, $0x4800;
	_ =	swait.ge [sflag:s20], $0x4000  }
0x81: {  	[sflag:s20] =	ssyncset.done $0x0  }
0x82: {  	s28 =	sadd.s32 $0x1400, s26;
	[sflag:s20] =	ssyncadd.s32 $0xFFFFC000  }
0x83: {  	[spmem:s2] =	stream.indirect.scatter.add.f32 [tilespmem:s18], [sflag:$0x3], $0x80, s28, s17, $0xb8;
	[tilespmem:$0x1E800] =	vst v63  }
0x84: {  	_ =	swait.ge [sflag:s13], $0x4000  }
0x85: {  	[sflag:s13] =	ssyncset.done $0x0  }
0x86: {  	s28 =	sadd.s32 $0x100, s26;
	[sflag:s13] =	ssyncadd.s32 $0xFFFFC000  }
0x87: {  	[tilespmem:s18], [sflag:$0x1] =	stream.indirect.gather [hbm4b:s5+s17], $0x80, s28, s17, $0xb8;
	[tilespmem:$0x1E800] =	vst v63  }
0x88: {  	_ =	swait.ge [sflag:s21], $0x4000  }
.Ltmp1:
0x89: {  	[sflag:s21] =	ssyncset.done $0x0;
	(pc) =	sbr.rel @p0 .LBB2_4-.Ltmp1, $4  }
0x8a: {  	s26 =	sadd.s32 $0x1480, s26;
	[sflag:s21] =	ssyncadd.s32 $0xFFFFC000  }
0x8b: {  	[spmem:s2] =	stream.indirect.scatter.add.f32 [tilespmem:s19], [sflag:$0x3], $0x80, s26, s17, $0xb8;
	[tilespmem:$0x1E800] =	vst v63  }
0x8c: {  	_ =	swait.ge [sflag:s13], $0x4000  }
0x8d: {  	s28 =	smov.u32 s31;
	s26 =	sshra.s32 s30, $0x2;
	[sflag:s13] =	ssyncset.done $0x0  }
0x8e: {  	s28 =	sadd.s32 $0x80, s26;
	[sflag:s13] =	ssyncadd.s32 $0xFFFFC000  }
0x8f: {  	[tilespmem:s19], [sflag:$0x2] =	stream.indirect.gather [hbm4b:s5+s17], $0x80, s28, s17, $0xb8;
	[tilespmem:$0x1E800] =	vst v63  }
0x90: {  	_ =	swait.ge [sflag:s20], $0x4000  }
0x91: {  	[sflag:s20] =	ssyncset.done $0x0  }
0x92: {  	s29 =	sadd.s32 $0x1400, s26;
	[sflag:s20] =	ssyncadd.s32 $0xFFFFC000  }
0x93: {  	[spmem:s2] =	stream.indirect.scatter.add.f32 [tilespmem:s18], [sflag:$0x3], $0x80, s29, s17, $0xb8;
	[tilespmem:$0x1E800] =	vst v63  }
0x94: {  	_ =	swait.ge [sflag:s13], $0x4000  }
0x95: {  	[sflag:s13] =	ssyncset.done $0x0  }
0x96: {  	s30 =	sadd.s32 $0x100, s26;
	[sflag:s13] =	ssyncadd.s32 $0xFFFFC000  }
0x97: {  	[tilespmem:s18], [sflag:$0x1] =	stream.indirect.gather [hbm4b:s5+s17], $0x80, s30, s17, $0xb8;
	[tilespmem:$0x1E800] =	vst v63  }
0x98: {  	_ =	swait.ge [sflag:s21], $0x4000  }
0x99: {  	[sflag:s21] =	ssyncset.done $0x0  }
0x9a: {  	s31 =	sadd.s32 $0x1480, s26;
	[sflag:s21] =	ssyncadd.s32 $0xFFFFC000  }
0x9b: {  	[spmem:s2] =	stream.indirect.scatter.add.f32 [tilespmem:s19], [sflag:$0x3], $0x80, s31, s17, $0xb8;
	[tilespmem:$0x1E800] =	vst v63  }
0x9c: {  	_ =	swait.ge [sflag:s13], $0x4000  }
0x9d: {  	[sflag:s13] =	ssyncset.done $0x0  }
0x9e: {  	[sflag:s13] =	ssyncadd.s32 $0xFFFFC000  }
0x9f: {  	[tilespmem:s19], [sflag:$0x2] =	stream.indirect.gather [hbm4b:s5+s17], $0x80, s22, s17, $0xb8;
	[tilespmem:$0x1E800] =	vst v63  }
0xa0: {  	_ =	swait.ge [sflag:s20], $0x4000  }
0xa1: {  	[sflag:s20] =	ssyncset.done $0x0  }
0xa2: {  	[sflag:s20] =	ssyncadd.s32 $0xFFFFC000  }
0xa3: {  	[spmem:s2] =	stream.indirect.scatter.add.f32 [tilespmem:s18], [sflag:$0x3], $0x80, s23, s17, $0xb8;
	[tilespmem:$0x1E800] =	vst v63  }
0xa4: {  	_ =	swait.ge [sflag:s13], $0x4000  }
0xa5: {  	[sflag:s13] =	ssyncset.done $0x0  }
0xa6: {  	[sflag:s13] =	ssyncadd.s32 $0xFFFFC000  }
0xa7: {  	_ =	swait.ge [sflag:s21], $0x4000  }
0xa8: {  	[sflag:s21] =	ssyncset.done $0x0  }
0xa9: {  	[sflag:s21] =	ssyncadd.s32 $0xFFFFC000  }
0xaa: {  	[spmem:s2] =	stream.indirect.scatter.add.f32 [tilespmem:s19], [sflag:$0x3], $0x80, s24, s17, $0xb8;
	[tilespmem:$0x1E800] =	vst v63  }
0xab: {  	_ =	swait.ge [sflag:s13], $0x4000  }
0xac: {  	[sflag:s13] =	ssyncset.done $0x0  }
0xad: {  	s25 =	sadd.s32 $0x1, s25;
	[sflag:s13] =	ssyncadd.s32 $0xFFFFC000  }
0xae: {  	p0 =	sne.s32 s25, s12;
	[bflag:$0x0] =	sbarrier.arrive $0xFFFF  }
0xaf: {  	[hbm:s11], [sflag:s15] =	dma.local [spmem:s16], $0x2800  }
.Ltmp2:
0xb0: {  	_ =	swait.ge [sflag:s13], $0x2800;
	(pc) =	sbr.rel @p0 .LBB2_1-.Ltmp2, $3  }
0xb1: {  	[sflag:s13] =	ssyncset.done $0x0  }
0xb2: {  	[sflag:s13] =	ssyncadd.s32 $0xFFFFD800  }
0xb3: {  	[bflag:$0x0] =	sbarrier.arrive $0xFFFF;
	_ =	sdelay $0x1  }
0xb4: {  	_ =	sfence.sel $0x180000  }
0xb5: {  	[bflag:$0x0] =	sbarrier.arrive $0xFFFF  }
0xb6: {  	p0 =	sne.s32 s0, $0x0;
	_ =	strace $0x9000004A  }
0xb7: {  	s0 =	sadd.s32 @!p0 $0x100000, s1;
	[bflag:$0x2] =	sbarrier.arrive $0xFFFF  }
0xb8: {  	[sflag:s0] =	ssyncadd.tile.s32 @!p0 $0x1;
	_ =	shalt  }
.Lfunc_end2:
_tile_overlayer_lowered:
.L_overlay_start_2:
0xb9: {  	(tag) =	ssettag $0x2  }
0xba: {  	s0 =	rddreg [dreg:$0x0];
	s2 =	stileid.u32  }
0xbb: {  	s1 =	rddreg [dreg:$0x1];
	p0 =	sne.s32 s2, $0x0  }
0xbc: {  	s3 =	rddreg [dreg:$0x2];
	[bflag:$0x3] =	sbarrier.arrive $0xFFFF;
	s2 =	simm.s32 @!p0 $0x1C03  }
0xbd: {  	[timem:s3], [sflag:s2] =	dma.local @!p0 [hbm:s0], s1  }
0xbe: {  	s0 =	simm.s32 @!p0 $0x3  }
0xbf: {  	_ =	swait.ge @!p0 [sflag:s0], s1  }
0xc0: {  	s1 =	ssub.s32 @!p0 $0x0, s1;
	[sflag:s0] =	ssyncset.done @!p0 $0x0  }
0xc1: {  	[sflag:s0] =	ssyncadd.s32 @!p0 s1  }
0xc2: {  	[bflag:$0x3] =	sbarrier.arrive $0xFFFF  }
0xc3: {  	_ =	shalt  }

// kernel: kernel.14.cloned.1.call-start
scs
__scs_entry_jumppad:
0x0: {  	(pc) =	sbr.rel $0x88, $3  }
0x1: {  	(tag) =	ssettag $0x0;
	lr =	simm.s32 $0x1  }
0x2: {  	[smem:$0x3F9B] =	sst lr;
	_ =	strace $0xD0000000  }
0x3: {  	_ = 	snop  }
0x4: {  	_ = 	snop  }
0x5: {  	_ = 	snop  }
0x6: {  	_ = 	snop  }
0x7: {  	_ = 	snop  }
__scs_overlays_trampoline_lowered:
0x8: {  	[smem:$0x3FAA] =	sst s0  }
0x9: {  	[smem:$0x3FAB] =	sst s1  }
0xa: {  	[smem:$0x3FAC] =	sst s2  }
0xb: {  	[smem:$0x3FAD] =	sst s3  }
0xc: {  	[smem:$0x3FAE] =	sst s4  }
0xd: {  	[smem:$0x3FAF] =	sst s5  }
0xe: {  	[smem:$0x3FB0] =	sst s6  }
0xf: {  	[smem:$0x3FB1] =	sst s7  }
0x10: {  	[smem:$0x3FB2] =	sst s8  }
0x11: {  	[smem:$0x3FB3] =	sst s9;
	s0 =	simm.s32 @!p0 $0x0  }
0x12: {  	s1 =	sld [smem:$0x3F99];
	s0 =	simm.s32 @p0 $0x1  }
0x13: {  	[smem:$0x3FB4] =	sst s0;
	s0 =	simm.s32 @!p1 $0x0  }
0x14: {  	s2 =	sld [smem:$0x3F98];
	s0 =	simm.s32 @p1 $0x1  }
0x15: {  	[smem:$0x3FB5] =	sst s0;
	s0 =	simm.s32 @!p2 $0x0  }
0x16: {  	s3 =	sld [smem:$0x3FDB];
	s0 =	simm.s32 @p2 $0x1  }
0x17: {  	s4 =	simm.s32 $0x1BF5;
	[smem:$0x3FB7] =	sst s0  }
0x18: {  	s0 =	sld [smem:$0x3F9A];
	_ =	swait.ge [sflag:s4], $0x0  }
0x19: {  	s7 =	sld [smem:$0x3F9B]  }
0x1a: {  	s8 =	sadd.s32 $0xFFFFE003, lr  }
0x1b: {  	s9 =	sadd.s32 $0xFFFFFEF7, lr;
	s5 =	simm.s32 $0xFFFFFFFF;
	p2 =	slt.u32 s8, $0xFFFFF086  }
0x1c: {  	p1 =	slt.u32 s9, $0xF7A;
	s5 =	simm.s32 @!p2 $0x0  }
0x1d: {  	s5 =	simm.s32 @p1 $0x1;
	p0 =	seq.s32 s7, s2  }
0x1e: {  	s7 =	smul.u32 @!p0 $0xF7A, s2;
	p2 =	seq.s32 @!p0 s5, $0x0  }
0x1f: {  	s9 =	smul.u32 $0xF7A, s1;
	s8 =	simm.s32 @!p0 $0x1BF5;
	p2 =	por !p2, p0  }
0x20: {  	[sflag:s8] =	ssyncset.s32 @!p0 $0xFFFFF086;
	s6 =	sadd.s32 @!p0 s3, s7;
	s7 =	simm.s32 @!p0 $0x108  }
0x21: {  	s3 =	sadd.s32 s3, s9;
	s6 =	sadd.s32 @!p0 $0x88, s6;
	s7 =	simm.s32 @p2 $0x1082  }
0x22: {  	[simem:s7], [sflag:s8] =	dma.local @!p0 [hbm:s6], $0xF7A  }
0x23: {  	s9 =	sor.u32 $0xD0000000, s2;
	s6 =	simm.s32 $0x108;
	_ =	swait.ge @!p0 [sflag:s8], $0x0  }
0x24: {  	s3 =	sadd.s32 $0x88, s3;
	s6 =	simm.s32 @!p1 $0x1082;
	[sflag:s4] =	ssyncset.s32 $0xFFFFF086  }
0x25: {  	[simem:s6], [sflag:s4] =	dma.local [hbm:s3], $0xF7A  }
0x26: {  	[smem:$0x3F9B] =	sst s1;
	(tag) =	ssettag s2;
	_ =	strace s9  }
0x27: {  	s1 =	sld [smem:$0x3FAB]  }
0x28: {  	s2 =	sld [smem:$0x3FAC]  }
0x29: {  	s4 =	sld [smem:$0x3FAE]  }
0x2a: {  	p0 =	seq.s32 s5, $0x0;
	s5 =	sld [smem:$0x3FAF]  }
0x2b: {  	s6 =	sld [smem:$0x3FB0]  }
0x2c: {  	s7 =	sld [smem:$0x3FB1]  }
0x2d: {  	s3 =	simm.s32 $0x108;
	s8 =	sld [smem:$0x3FB2]  }
0x2e: {  	s3 =	simm.s32 @!p0 $0x1082;
	s9 =	sld [smem:$0x3FB3]  }
0x2f: {  	lr =	sadd.s32 s0, s3;
	s0 =	sld [smem:$0x3FAA]  }
0x30: {  	s3 =	sld [smem:$0x3FAD]  }
0x31: {  	[smem:$0x3FB6] =	sst s10  }
0x32: {  	s10 =	sld [smem:$0x3FB4];
	_ =	sdelay $0x3  }
0x33: {  	p0 =	seq.s32 s10, $0x1;
	s10 =	sld [smem:$0x3FB6];
	_ =	sdelay $0x3  }
0x34: {  	[smem:$0x3FB6] =	sst s10  }
0x35: {  	s10 =	sld [smem:$0x3FB5];
	_ =	sdelay $0x3  }
0x36: {  	p1 =	seq.s32 s10, $0x1;
	s10 =	sld [smem:$0x3FB6];
	_ =	sdelay $0x3  }
0x37: {  	[smem:$0x3FB6] =	sst s10  }
0x38: {  	s10 =	sld [smem:$0x3FB7]  }
0x39: {  	_ = 	snop;
	(pc) =	sbr.ind lr, $3  }
0x3a: {  	_ = 	snop  }
0x3b: {  	_ = 	snop  }
0x3c: {  	p2 =	seq.s32 s10, $0x1;
	s10 =	sld [smem:$0x3FB6]  }
0x3d: {  	_ =	shalt  }
0x3e: {  	_ =	shalt  }
0x3f: {  	_ =	shalt  }
0x40: {  	_ =	shalt  }
0x41: {  	_ =	shalt  }
0x42: {  	_ =	shalt  }
0x43: {  	_ =	shalt  }
0x44: {  	_ =	shalt  }
0x45: {  	_ =	shalt  }
0x46: {  	_ =	shalt  }
0x47: {  	_ =	shalt  }
0x48: {  	_ =	shalt  }
0x49: {  	_ =	shalt  }
0x4a: {  	_ =	shalt  }
0x4b: {  	_ =	shalt  }
0x4c: {  	_ =	shalt  }
0x4d: {  	_ =	shalt  }
0x4e: {  	_ =	shalt  }
0x4f: {  	_ =	shalt  }
0x50: {  	_ =	shalt  }
0x51: {  	_ =	shalt  }
0x52: {  	_ =	shalt  }
0x53: {  	_ =	shalt  }
0x54: {  	_ =	shalt  }
0x55: {  	_ =	shalt  }
0x56: {  	_ =	shalt  }
0x57: {  	_ =	shalt  }
0x58: {  	_ =	shalt  }
0x59: {  	_ =	shalt  }
0x5a: {  	_ =	shalt  }
0x5b: {  	_ =	shalt  }
0x5c: {  	_ =	shalt  }
0x5d: {  	_ =	shalt  }
0x5e: {  	_ =	shalt  }
0x5f: {  	_ =	shalt  }
0x60: {  	_ =	shalt  }
0x61: {  	_ =	shalt  }
0x62: {  	_ =	shalt  }
0x63: {  	_ =	shalt  }
0x64: {  	_ =	shalt  }
0x65: {  	_ =	shalt  }
0x66: {  	_ =	shalt  }
0x67: {  	_ =	shalt  }
0x68: {  	_ =	shalt  }
0x69: {  	_ =	shalt  }
0x6a: {  	_ =	shalt  }
0x6b: {  	_ =	shalt  }
0x6c: {  	_ =	shalt  }
0x6d: {  	_ =	shalt  }
0x6e: {  	_ =	shalt  }
0x6f: {  	_ =	shalt  }
0x70: {  	_ =	shalt  }
0x71: {  	_ =	shalt  }
0x72: {  	_ =	shalt  }
0x73: {  	_ =	shalt  }
0x74: {  	_ =	shalt  }
0x75: {  	_ =	shalt  }
0x76: {  	_ =	shalt  }
0x77: {  	_ =	shalt  }
0x78: {  	_ =	shalt  }
0x79: {  	_ =	shalt  }
0x7a: {  	_ =	shalt  }
0x7b: {  	_ =	shalt  }
0x7c: {  	_ =	shalt  }
0x7d: {  	_ =	shalt  }
0x7e: {  	_ =	shalt  }
0x7f: {  	_ =	shalt  }
0x80: {  	_ =	shalt  }
0x81: {  	_ =	shalt  }
0x82: {  	_ =	shalt  }
0x83: {  	_ =	shalt  }
0x84: {  	_ =	shalt  }
0x85: {  	_ =	shalt  }
0x86: {  	_ =	shalt  }
0x87: {  	_ =	shalt  }
.Lfunc_end0:
.L_simem_size_0:
called_computation.2_lowered:
.L_overlay_start_0:
0x88: {  	s2 =	sld [smem:$0x3FD9]  }
0x89: {  	s3 =	sld [smem:$0x3FFE];
	_ =	sdelay $0x1  }
0x8a: {  	s1 =	srdreg.scid  }
0x8b: {  	s0 =	sand.u32 $0x1, s1  }
0x8c: {  	s17 =	sshll.u32 s0, $0xA;
	s2 =	sadd.s32 s3, s2  }
0x8d: {  	s2 =	sadd.s32 s2, s17  }
0x8e: {  	[smem:$0x3FC2] =	sst s2  }
0x8f: {  	_ = 	snop  }
0x90: {  	s2 =	sld [smem:$0x3FD0];
	(tm) =	ssettm $0x1  }
0x91: {  	s18 =	sld [smem:$0x3FFB];
	_ =	sdelay $0x3  }
0x92: {  	_ =	strace s18  }
0x93: {  	s3 =	sld [smem:$0x3FFC];
	_ =	sdelay $0x3  }
0x94: {  	_ =	strace s3  }
0x95: {  	s3 =	sld [smem:$0x3FFD];
	_ =	sdelay $0x3  }
0x96: {  	_ =	strace s3  }
0x97: {  	_ =	strace $0x8FFFFFFF  }
0x98: {  	s19 =	sld [smem:$0x3FDB];
	_ =	sdelay $0x1  }
0x99: {  	s4 =	simm.s32 $_scs_section_size  }
0x9a: {  	s5 =	simm.s32 $_size__tile_overlayer_lowered;
	s6 =	simm.s32 $_tile_overlayer_lowered  }
0x9b: {  	s22 =	simm.s32 $0x1BFF;
	s21 =	sshll.u32 s6, $0x1;
	s3 =	sadd.s32 s4, s19  }
0x9c: {  	s7 =	simm.s32 $0x0;
	s20 =	sshll.u32 s5, $0x1;
	s5 =	sadd.s32 s21, s3  }
0x9d: {  	[timem:s7], [sflag:s22] =	dma.local [hbm:s5], s20  }
0x9e: {  	_ =	swait.ge [sflag:s22], s20  }
0x9f: {  	s4 =	ssub.s32 $0x0, s20;
	[sflag:s22] =	ssyncset.done $0x0  }
0xa0: {  	[sflag:s22] =	ssyncadd.s32 s4;
	_ =	sdelay $0x1  }
0xa1: {  	s23 =	simm.s32 $0x1B8B  }
0xa2: {  	_ =	swait.ge [sflag:s23], $0x1  }
0xa3: {  	[sflag:s23] =	ssyncset.done $0x0  }
0xa4: {  	s25 =	simm.s32 $0x1B8E;
	s24 =	sld [smem:$0x3FFE];
	[sflag:s23] =	ssyncadd.s32 $0xFFFFFFFF  }
0xa5: {  	s26 =	simm.s32 $execute0_lowered;
	[smem:$0x3FD2] =	sst s25  }
0xa6: {  	s5 =	sshll.u32 s26, $0x1;
	_ =	strace $0x8000004C;
	[dreg:$0x1] =	wrdreg $0xFFFFFFFF  }
0xa7: {  	s28 =	simm.s32 $_size_execute0_lowered;
	s3 =	sadd.s32 s3, s5;
	[dreg:$0x0] =	wrdreg $0x0  }
0xa8: {  	s5 =	sshll.u32 s28, $0x1;
	[dreg:$0x2] =	wrdreg s3  }
0xa9: {  	[dreg:$0x3] =	wrdreg s5  }
0xaa: {  	[dreg:$0x4] =	wrdreg $0xC0  }
0xab: {  	_ =	task [dreg:s7], $0x5FFFF  }
0xac: {  	[dreg:$0x1] =	wrdreg $0xFFFFFFFF  }
0xad: {  	[dreg:$0x0] =	wrdreg $0x60  }
0xae: {  	[dreg:$0x2] =	wrdreg s24  }
0xaf: {  	[dreg:$0x3] =	wrdreg s2  }
0xb0: {  	[dreg:$0x4] =	wrdreg $0xA8000  }
0xb1: {  	[dreg:$0x5] =	wrdreg $0x9  }
0xb2: {  	_ =	task.clear_ibuf [dreg:s7], $0x6FFFF;
	_ =	strace $0x9000004C  }
0xb3: {  	s29 =	simm.s32 $0x9;
	_ =	strace $0x8000004E  }
0xb4: {  	_ =	swait.ge [sflag:s29], $0x1  }
0xb5: {  	[sflag:s29] =	ssyncadd.s32 $0xFFFFFFFF  }
0xb6: {  	_ =	strace $0x9000004E  }
0xb7: {  	_ =	sfence  }
0xb8: {  	s30 =	sld [smem:$0x0];
	_ =	sdelay $0x2  }
0xb9: {  	s31 =	sshll.u32 s1, $0xD;
	s1 =	sshrl.u32 s1, $0x2  }
0xba: {  	s3 =	sand.u32 $0x4000, s31;
	s1 =	sadd.s32 s1, s30  }
0xbb: {  	s0 =	sor.u32 s3, s0;
	s1 =	sshll.u32 s1, $0x11  }
0xbc: {  	s0 =	sor.u32 s1, s0  }
0xbd: {  	s0 =	sadd.s32 $0x8F2B, s0  }
0xbe: {  	[sflag:s0] =	ssyncadd.remote.s32 $0x1  }
0xbf: {  	_ =	sfence.sel $0xFFFF  }
0xc0: {  	[dreg:$0x0] =	wrdreg $0xFFFFFFFF;
	(pc) =	sbr.abs _section_cstart, $3  }
0xc1: {  	[dreg:$0x1] =	wrdreg $0xFFFFFFFF  }
0xc2: {  	_ =	task.clear_ibuf [dreg:s7], $0x2FFFF;
	_ =	strace $0x9FFFFFFF  }
0xc3: {  	(tm) =	ssettm $0x7FFFFFFF  }
tec
execute0_lowered:
.L_overlay_start_1:
0x0: {  	(tag) =	ssettag $0x1  }
0x1: {  	s5 =	rddreg [dreg:$0x0]  }
0x2: {  	s6 =	rddreg [dreg:$0x1]  }
0x3: {  	s1 =	rddreg [dreg:$0x2]  }
0x4: {  	s0 =	rddreg [dreg:$0x3];
	s3 =	simm.s32 $0x0  }
0x5: {  	s4 =	srdreg.scid;
	s2 =	stileid.u32;
	s14 =	simm.s32 $0x80  }
0x6: {  	s15 =	simm.s32 $0x2800;
	s16 =	simm.s32 $0x6800;
	s17 =	simm.s32 $0x1  }
0x7: {  	s18 =	simm.s32 $0x2;
	s19 =	simm.s32 $0x1380;
	s20 =	simm.s32 $0x2700  }
0x8: {  	s21 =	simm.s32 $0x2780;
	s22 =	simm.s32 $0x0;
	[smem:$0x7FF] =	sst s3  }
0x9: {  	s7 =	sand.u32 $0x1, s4;
	s28 =	sshll.u32 s2, $0x1;
	s8 =	smul.u32 $0x2800, s2  }
0xa: {  	s4 =	sadd.s32 $0x7000, s5;
	s12 =	smul.u32 $0x50000, s2;
	s31 =	sshll.u32 s2, $0x6  }
0xb: {  	s9 =	sor.u32 s7, s28;
	s10 =	smul.u32 $0x28000, s7;
	s7 =	ssub.s32 $0x2, s7  }
0xc: {  	_ =	strace $0x8000004D;
	s9 =	smul.u32 $0x280, s9;
	s11 =	sshrl.u32 s7, $0x1  }
0xd: {  	s29 =	sshrl.u32 s12, $0x2;
	s12 =	sor.u32 $0x1C03, s31;
	s10 =	sadd.s32 s8, s10  }
0xe: {  	s11 =	ssub.s32 s7, s11;
	s30 =	sadd.s32 s29, s1;
	s7 =	sadd.s32 s4, s8  }
0xf: {  	s13 =	sadd.s32 s9, s5;
	s10 =	sadd.s32 s10, s5;
	s6 =	sadd.s32 s6, s9  }
0x10: {  	s9 =	smax.u32 s11, $0x1;
	s11 =	simm.s32 $0x1400;
	s5 =	sadd.s32 $0x2000, s13  }
0x11: {  	s8 =	sadd.s32 $0x2F000, s10;
	s10 =	simm.s32 $0x3;
	s13 =	sshrl.u32 s30, $0x3  }
.LBB2_1:
0x12: {  	[tilespmem:s3], [sflag:$0x3] =	stream.linear.gather [hbm4b:s5+s3], $0x1400, $0x38;
	[tilespmem:$0x1E800] =	vst v63  }
0x13: {  	_ =	swait.ge [sflag:s10], $0x1400  }
0x14: {  	[sflag:s10] =	ssyncset.done $0x0  }
0x15: {  	[sflag:s10] =	ssyncadd.s32 $0xFFFFEC00  }
0x16: {  	[tilespmem:s11], [sflag:$0x3] =	stream.linear.gather [hbm4b:s6+s3], $0x1400, $0x38;
	[tilespmem:$0x1E800] =	vst v63  }
0x17: {  	_ =	swait.ge [sflag:s10], $0x1400  }
0x18: {  	[sflag:s10] =	ssyncset.done $0x0  }
0x19: {  	[sflag:s10] =	ssyncadd.s32 $0xFFFFEC00  }
0x1a: {  	[spmem:s13], [sflag:s12] =	dma.local [hbm:s7], $0x2800  }
0x1b: {  	_ =	swait.ge [sflag:s10], $0x2800  }
0x1c: {  	[sflag:s10] =	ssyncset.done $0x0  }
0x1d: {  	[sflag:s10] =	ssyncadd.s32 $0xFFFFD800  }
0x1e: {  	[bflag:$0x0] =	sbarrier.arrive $0xFFFF  }
0x1f: {  	[tilespmem:s15], [sflag:$0x1] =	stream.indirect.gather [hbm4b:s4+s14], $0x80, s3, s14, $0xb8;
	[tilespmem:$0x1E800] =	vst v63  }
0x20: {  	s23 =	simm.s32 $0x80  }
0x21: {  	[tilespmem:s16], [sflag:$0x2] =	stream.indirect.gather [hbm4b:s4+s14], $0x80, s23, s14, $0xb8;
	[tilespmem:$0x1E800] =	vst v63  }
0x22: {  	_ =	swait.ge [sflag:s17], $0x4000  }
0x23: {  	[sflag:s17] =	ssyncset.done $0x0  }
0x24: {  	s29 =	simm.s32 $0x1400;
	[sflag:s17] =	ssyncadd.s32 $0xFFFFC000  }
0x25: {  	[spmem:s1] =	stream.indirect.scatter.add.f32 [tilespmem:s15], [sflag:$0x3], $0x80, s29, s14, $0xb8;
	[tilespmem:$0x1E800] =	vst v63  }
0x26: {  	_ =	swait.ge [sflag:s10], $0x4000  }
0x27: {  	[sflag:s10] =	ssyncset.done $0x0  }
0x28: {  	s30 =	simm.s32 $0x100;
	[sflag:s10] =	ssyncadd.s32 $0xFFFFC000  }
0x29: {  	[tilespmem:s15], [sflag:$0x1] =	stream.indirect.gather [hbm4b:s4+s14], $0x80, s30, s14, $0xb8;
	[tilespmem:$0x1E800] =	vst v63  }
0x2a: {  	_ =	swait.ge [sflag:s18], $0x4000  }
0x2b: {  	[sflag:s18] =	ssyncset.done $0x0  }
0x2c: {  	s31 =	simm.s32 $0x1480;
	[sflag:s18] =	ssyncadd.s32 $0xFFFFC000  }
0x2d: {  	[spmem:s1] =	stream.indirect.scatter.add.f32 [tilespmem:s16], [sflag:$0x3], $0x80, s31, s14, $0xb8;
	[tilespmem:$0x1E800] =	vst v63  }
0x2e: {  	_ =	swait.ge [sflag:s10], $0x4000  }
0x2f: {  	s24 =	simm.s32 $0x800;
	s23 =	simm.s32 $0x100;
	[sflag:s10] =	ssyncset.done $0x0  }
.LBB2_2:
0x30: {  	s25 =	sadd.s32 $0x80, s23  }
0x31: {  	[sflag:s10] =	ssyncadd.s32 $0xFFFFC000;
	s26 =	smov.u32 s24;
	s28 =	sadd.s32 $0x400, s24  }
0x32: {  	[tilespmem:s16], [sflag:$0x2] =	stream.indirect.gather [hbm4b:s4+s14], $0x80, s25, s14, $0xb8;
	[tilespmem:$0x1E800] =	vst v63  }
0x33: {  	p0 =	sne.s32 s24, $0x4800;
	_ =	swait.ge [sflag:s17], $0x4000  }
0x34: {  	[sflag:s17] =	ssyncset.done $0x0  }
0x35: {  	s24 =	sadd.s32 $0x1400, s23;
	[sflag:s17] =	ssyncadd.s32 $0xFFFFC000  }
0x36: {  	[spmem:s1] =	stream.indirect.scatter.add.f32 [tilespmem:s15], [sflag:$0x3], $0x80, s24, s14, $0xb8;
	[tilespmem:$0x1E800] =	vst v63  }
0x37: {  	_ =	swait.ge [sflag:s10], $0x4000  }
0x38: {  	[sflag:s10] =	ssyncset.done $0x0  }
0x39: {  	s24 =	sadd.s32 $0x100, s23;
	[sflag:s10] =	ssyncadd.s32 $0xFFFFC000  }
0x3a: {  	[tilespmem:s15], [sflag:$0x1] =	stream.indirect.gather [hbm4b:s4+s14], $0x80, s24, s14, $0xb8;
	[tilespmem:$0x1E800] =	vst v63  }
0x3b: {  	_ =	swait.ge [sflag:s18], $0x4000  }
.Ltmp0:
0x3c: {  	[sflag:s18] =	ssyncset.done $0x0;
	(pc) =	sbr.rel @p0 .LBB2_2-.Ltmp0, $4  }
0x3d: {  	s23 =	sadd.s32 $0x1480, s23;
	[sflag:s18] =	ssyncadd.s32 $0xFFFFC000  }
0x3e: {  	[spmem:s1] =	stream.indirect.scatter.add.f32 [tilespmem:s16], [sflag:$0x3], $0x80, s23, s14, $0xb8;
	[tilespmem:$0x1E800] =	vst v63  }
0x3f: {  	_ =	swait.ge [sflag:s10], $0x4000  }
0x40: {  	s24 =	smov.u32 s28;
	s23 =	sshra.s32 s26, $0x2;
	[sflag:s10] =	ssyncset.done $0x0  }
0x41: {  	s24 =	sadd.s32 $0x80, s23;
	[sflag:s10] =	ssyncadd.s32 $0xFFFFC000  }
0x42: {  	[tilespmem:s16], [sflag:$0x2] =	stream.indirect.gather [hbm4b:s4+s14], $0x80, s24, s14, $0xb8;
	[tilespmem:$0x1E800] =	vst v63  }
0x43: {  	_ =	swait.ge [sflag:s17], $0x4000  }
0x44: {  	[sflag:s17] =	ssyncset.done $0x0  }
0x45: {  	s29 =	sadd.s32 $0x1400, s23;
	[sflag:s17] =	ssyncadd.s32 $0xFFFFC000  }
0x46: {  	[spmem:s1] =	stream.indirect.scatter.add.f32 [tilespmem:s15], [sflag:$0x3], $0x80, s29, s14, $0xb8;
	[tilespmem:$0x1E800] =	vst v63  }
0x47: {  	_ =	swait.ge [sflag:s10], $0x4000  }
0x48: {  	[sflag:s10] =	ssyncset.done $0x0  }
0x49: {  	s30 =	sadd.s32 $0x100, s23;
	[sflag:s10] =	ssyncadd.s32 $0xFFFFC000  }
0x4a: {  	[tilespmem:s15], [sflag:$0x1] =	stream.indirect.gather [hbm4b:s4+s14], $0x80, s30, s14, $0xb8;
	[tilespmem:$0x1E800] =	vst v63  }
0x4b: {  	_ =	swait.ge [sflag:s18], $0x4000  }
0x4c: {  	[sflag:s18] =	ssyncset.done $0x0  }
0x4d: {  	s31 =	sadd.s32 $0x1480, s23;
	[sflag:s18] =	ssyncadd.s32 $0xFFFFC000  }
0x4e: {  	[spmem:s1] =	stream.indirect.scatter.add.f32 [tilespmem:s16], [sflag:$0x3], $0x80, s31, s14, $0xb8;
	[tilespmem:$0x1E800] =	vst v63  }
0x4f: {  	_ =	swait.ge [sflag:s10], $0x4000  }
0x50: {  	[sflag:s10] =	ssyncset.done $0x0  }
0x51: {  	[sflag:s10] =	ssyncadd.s32 $0xFFFFC000  }
0x52: {  	[tilespmem:s16], [sflag:$0x2] =	stream.indirect.gather [hbm4b:s4+s14], $0x80, s19, s14, $0xb8;
	[tilespmem:$0x1E800] =	vst v63  }
0x53: {  	_ =	swait.ge [sflag:s17], $0x4000  }
0x54: {  	[sflag:s17] =	ssyncset.done $0x0  }
0x55: {  	[sflag:s17] =	ssyncadd.s32 $0xFFFFC000  }
0x56: {  	[spmem:s1] =	stream.indirect.scatter.add.f32 [tilespmem:s15], [sflag:$0x3], $0x80, s20, s14, $0xb8;
	[tilespmem:$0x1E800] =	vst v63  }
0x57: {  	_ =	swait.ge [sflag:s10], $0x4000  }
0x58: {  	[sflag:s10] =	ssyncset.done $0x0  }
0x59: {  	[sflag:s10] =	ssyncadd.s32 $0xFFFFC000  }
0x5a: {  	_ =	swait.ge [sflag:s18], $0x4000  }
0x5b: {  	[sflag:s18] =	ssyncset.done $0x0  }
0x5c: {  	[sflag:s18] =	ssyncadd.s32 $0xFFFFC000  }
0x5d: {  	[spmem:s1] =	stream.indirect.scatter.add.f32 [tilespmem:s16], [sflag:$0x3], $0x80, s21, s14, $0xb8;
	[tilespmem:$0x1E800] =	vst v63  }
0x5e: {  	_ =	swait.ge [sflag:s10], $0x4000  }
0x5f: {  	[sflag:s10] =	ssyncset.done $0x0  }
0x60: {  	s22 =	sadd.s32 $0x1, s22;
	[sflag:s10] =	ssyncadd.s32 $0xFFFFC000  }
0x61: {  	p0 =	sne.s32 s22, s9;
	[bflag:$0x0] =	sbarrier.arrive $0xFFFF  }
0x62: {  	[hbm:s8], [sflag:s12] =	dma.local [spmem:s13], $0x2800  }
.Ltmp1:
0x63: {  	_ =	swait.ge [sflag:s10], $0x2800;
	(pc) =	sbr.rel @p0 .LBB2_1-.Ltmp1, $3  }
0x64: {  	[sflag:s10] =	ssyncset.done $0x0  }
0x65: {  	[sflag:s10] =	ssyncadd.s32 $0xFFFFD800  }
0x66: {  	[bflag:$0x0] =	sbarrier.arrive $0xFFFF;
	_ =	sdelay $0x1  }
0x67: {  	_ =	sfence.sel $0x180000  }
0x68: {  	[bflag:$0x0] =	sbarrier.arrive $0xFFFF  }
0x69: {  	p0 =	sne.s32 s2, $0x0;
	_ =	strace $0x9000004D  }
0x6a: {  	s0 =	sadd.s32 @!p0 $0x100000, s0;
	[bflag:$0x2] =	sbarrier.arrive $0xFFFF  }
0x6b: {  	[sflag:s0] =	ssyncadd.tile.s32 @!p0 $0x1;
	_ =	shalt  }
.Lfunc_end2:
_tile_overlayer_lowered:
.L_overlay_start_2:
0x6c: {  	(tag) =	ssettag $0x2  }
0x6d: {  	s0 =	rddreg [dreg:$0x0];
	s2 =	stileid.u32  }
0x6e: {  	s1 =	rddreg [dreg:$0x1];
	p0 =	sne.s32 s2, $0x0  }
0x6f: {  	s3 =	rddreg [dreg:$0x2];
	[bflag:$0x3] =	sbarrier.arrive $0xFFFF;
	s2 =	simm.s32 @!p0 $0x1C03  }
0x70: {  	[timem:s3], [sflag:s2] =	dma.local @!p0 [hbm:s0], s1  }
0x71: {  	s0 =	simm.s32 @!p0 $0x3  }
0x72: {  	_ =	swait.ge @!p0 [sflag:s0], s1  }
0x73: {  	s1 =	ssub.s32 @!p0 $0x0, s1;
	[sflag:s0] =	ssyncset.done @!p0 $0x0  }
0x74: {  	[sflag:s0] =	ssyncadd.s32 @!p0 s1  }
0x75: {  	[bflag:$0x3] =	sbarrier.arrive $0xFFFF  }
0x76: {  	_ =	shalt  }

// kernel: kernel.8.cloned.1.call-start
scs
__scs_entry_jumppad:
0x0: {  	(pc) =	sbr.rel $0x88, $3  }
0x1: {  	(tag) =	ssettag $0x0;
	lr =	simm.s32 $0x1  }
0x2: {  	[smem:$0x3F9B] =	sst lr;
	_ =	strace $0xD0000000  }
0x3: {  	_ = 	snop  }
0x4: {  	_ = 	snop  }
0x5: {  	_ = 	snop  }
0x6: {  	_ = 	snop  }
0x7: {  	_ = 	snop  }
__scs_overlays_trampoline_lowered:
0x8: {  	[smem:$0x3FAA] =	sst s0  }
0x9: {  	[smem:$0x3FAB] =	sst s1  }
0xa: {  	[smem:$0x3FAC] =	sst s2  }
0xb: {  	[smem:$0x3FAD] =	sst s3  }
0xc: {  	[smem:$0x3FAE] =	sst s4  }
0xd: {  	[smem:$0x3FAF] =	sst s5  }
0xe: {  	[smem:$0x3FB0] =	sst s6  }
0xf: {  	[smem:$0x3FB1] =	sst s7  }
0x10: {  	[smem:$0x3FB2] =	sst s8  }
0x11: {  	[smem:$0x3FB3] =	sst s9;
	s0 =	simm.s32 @!p0 $0x0  }
0x12: {  	s1 =	sld [smem:$0x3F99];
	s0 =	simm.s32 @p0 $0x1  }
0x13: {  	[smem:$0x3FB4] =	sst s0;
	s0 =	simm.s32 @!p1 $0x0  }
0x14: {  	s2 =	sld [smem:$0x3F98];
	s0 =	simm.s32 @p1 $0x1  }
0x15: {  	[smem:$0x3FB5] =	sst s0;
	s0 =	simm.s32 @!p2 $0x0  }
0x16: {  	s3 =	sld [smem:$0x3FDB];
	s0 =	simm.s32 @p2 $0x1  }
0x17: {  	s4 =	simm.s32 $0x1BF5;
	[smem:$0x3FB7] =	sst s0  }
0x18: {  	s0 =	sld [smem:$0x3F9A];
	_ =	swait.ge [sflag:s4], $0x0  }
0x19: {  	s7 =	sld [smem:$0x3F9B]  }
0x1a: {  	s8 =	sadd.s32 $0xFFFFE003, lr  }
0x1b: {  	s9 =	sadd.s32 $0xFFFFFEF7, lr;
	s5 =	simm.s32 $0xFFFFFFFF;
	p2 =	slt.u32 s8, $0xFFFFF086  }
0x1c: {  	p1 =	slt.u32 s9, $0xF7A;
	s5 =	simm.s32 @!p2 $0x0  }
0x1d: {  	s5 =	simm.s32 @p1 $0x1;
	p0 =	seq.s32 s7, s2  }
0x1e: {  	s7 =	smul.u32 @!p0 $0xF7A, s2;
	p2 =	seq.s32 @!p0 s5, $0x0  }
0x1f: {  	s9 =	smul.u32 $0xF7A, s1;
	s8 =	simm.s32 @!p0 $0x1BF5;
	p2 =	por !p2, p0  }
0x20: {  	[sflag:s8] =	ssyncset.s32 @!p0 $0xFFFFF086;
	s6 =	sadd.s32 @!p0 s3, s7;
	s7 =	simm.s32 @!p0 $0x108  }
0x21: {  	s3 =	sadd.s32 s3, s9;
	s6 =	sadd.s32 @!p0 $0x88, s6;
	s7 =	simm.s32 @p2 $0x1082  }
0x22: {  	[simem:s7], [sflag:s8] =	dma.local @!p0 [hbm:s6], $0xF7A  }
0x23: {  	s9 =	sor.u32 $0xD0000000, s2;
	s6 =	simm.s32 $0x108;
	_ =	swait.ge @!p0 [sflag:s8], $0x0  }
0x24: {  	s3 =	sadd.s32 $0x88, s3;
	s6 =	simm.s32 @!p1 $0x1082;
	[sflag:s4] =	ssyncset.s32 $0xFFFFF086  }
0x25: {  	[simem:s6], [sflag:s4] =	dma.local [hbm:s3], $0xF7A  }
0x26: {  	[smem:$0x3F9B] =	sst s1;
	(tag) =	ssettag s2;
	_ =	strace s9  }
0x27: {  	s1 =	sld [smem:$0x3FAB]  }
0x28: {  	s2 =	sld [smem:$0x3FAC]  }
0x29: {  	s4 =	sld [smem:$0x3FAE]  }
0x2a: {  	p0 =	seq.s32 s5, $0x0;
	s5 =	sld [smem:$0x3FAF]  }
0x2b: {  	s6 =	sld [smem:$0x3FB0]  }
0x2c: {  	s7 =	sld [smem:$0x3FB1]  }
0x2d: {  	s3 =	simm.s32 $0x108;
	s8 =	sld [smem:$0x3FB2]  }
0x2e: {  	s3 =	simm.s32 @!p0 $0x1082;
	s9 =	sld [smem:$0x3FB3]  }
0x2f: {  	lr =	sadd.s32 s0, s3;
	s0 =	sld [smem:$0x3FAA]  }
0x30: {  	s3 =	sld [smem:$0x3FAD]  }
0x31: {  	[smem:$0x3FB6] =	sst s10  }
0x32: {  	s10 =	sld [smem:$0x3FB4];
	_ =	sdelay $0x3  }
0x33: {  	p0 =	seq.s32 s10, $0x1;
	s10 =	sld [smem:$0x3FB6];
	_ =	sdelay $0x3  }
0x34: {  	[smem:$0x3FB6] =	sst s10  }
0x35: {  	s10 =	sld [smem:$0x3FB5];
	_ =	sdelay $0x3  }
0x36: {  	p1 =	seq.s32 s10, $0x1;
	s10 =	sld [smem:$0x3FB6];
	_ =	sdelay $0x3  }
0x37: {  	[smem:$0x3FB6] =	sst s10  }
0x38: {  	s10 =	sld [smem:$0x3FB7]  }
0x39: {  	_ = 	snop;
	(pc) =	sbr.ind lr, $3  }
0x3a: {  	_ = 	snop  }
0x3b: {  	_ = 	snop  }
0x3c: {  	p2 =	seq.s32 s10, $0x1;
	s10 =	sld [smem:$0x3FB6]  }
0x3d: {  	_ =	shalt  }
0x3e: {  	_ =	shalt  }
0x3f: {  	_ =	shalt  }
0x40: {  	_ =	shalt  }
0x41: {  	_ =	shalt  }
0x42: {  	_ =	shalt  }
0x43: {  	_ =	shalt  }
0x44: {  	_ =	shalt  }
0x45: {  	_ =	shalt  }
0x46: {  	_ =	shalt  }
0x47: {  	_ =	shalt  }
0x48: {  	_ =	shalt  }
0x49: {  	_ =	shalt  }
0x4a: {  	_ =	shalt  }
0x4b: {  	_ =	shalt  }
0x4c: {  	_ =	shalt  }
0x4d: {  	_ =	shalt  }
0x4e: {  	_ =	shalt  }
0x4f: {  	_ =	shalt  }
0x50: {  	_ =	shalt  }
0x51: {  	_ =	shalt  }
0x52: {  	_ =	shalt  }
0x53: {  	_ =	shalt  }
0x54: {  	_ =	shalt  }
0x55: {  	_ =	shalt  }
0x56: {  	_ =	shalt  }
0x57: {  	_ =	shalt  }
0x58: {  	_ =	shalt  }
0x59: {  	_ =	shalt  }
0x5a: {  	_ =	shalt  }
0x5b: {  	_ =	shalt  }
0x5c: {  	_ =	shalt  }
0x5d: {  	_ =	shalt  }
0x5e: {  	_ =	shalt  }
0x5f: {  	_ =	shalt  }
0x60: {  	_ =	shalt  }
0x61: {  	_ =	shalt  }
0x62: {  	_ =	shalt  }
0x63: {  	_ =	shalt  }
0x64: {  	_ =	shalt  }
0x65: {  	_ =	shalt  }
0x66: {  	_ =	shalt  }
0x67: {  	_ =	shalt  }
0x68: {  	_ =	shalt  }
0x69: {  	_ =	shalt  }
0x6a: {  	_ =	shalt  }
0x6b: {  	_ =	shalt  }
0x6c: {  	_ =	shalt  }
0x6d: {  	_ =	shalt  }
0x6e: {  	_ =	shalt  }
0x6f: {  	_ =	shalt  }
0x70: {  	_ =	shalt  }
0x71: {  	_ =	shalt  }
0x72: {  	_ =	shalt  }
0x73: {  	_ =	shalt  }
0x74: {  	_ =	shalt  }
0x75: {  	_ =	shalt  }
0x76: {  	_ =	shalt  }
0x77: {  	_ =	shalt  }
0x78: {  	_ =	shalt  }
0x79: {  	_ =	shalt  }
0x7a: {  	_ =	shalt  }
0x7b: {  	_ =	shalt  }
0x7c: {  	_ =	shalt  }
0x7d: {  	_ =	shalt  }
0x7e: {  	_ =	shalt  }
0x7f: {  	_ =	shalt  }
0x80: {  	_ =	shalt  }
0x81: {  	_ =	shalt  }
0x82: {  	_ =	shalt  }
0x83: {  	_ =	shalt  }
0x84: {  	_ =	shalt  }
0x85: {  	_ =	shalt  }
0x86: {  	_ =	shalt  }
0x87: {  	_ =	shalt  }
.Lfunc_end0:
.L_simem_size_0:
called_computation_lowered:
.L_overlay_start_0:
0x88: {  	s2 =	sld [smem:$0x3FD9]  }
0x89: {  	s3 =	sld [smem:$0x3FFE];
	_ =	sdelay $0x1  }
0x8a: {  	s1 =	srdreg.scid  }
0x8b: {  	s0 =	sand.u32 $0x1, s1  }
0x8c: {  	s17 =	sshll.u32 s0, $0xA;
	s2 =	sadd.s32 s3, s2  }
0x8d: {  	s2 =	sadd.s32 s2, s17  }
0x8e: {  	[smem:$0x3FC2] =	sst s2  }
0x8f: {  	_ = 	snop  }
0x90: {  	s2 =	sld [smem:$0x3FD0];
	(tm) =	ssettm $0x1  }
0x91: {  	s18 =	sld [smem:$0x3FFB];
	_ =	sdelay $0x3  }
0x92: {  	_ =	strace s18  }
0x93: {  	s3 =	sld [smem:$0x3FFC];
	_ =	sdelay $0x3  }
0x94: {  	_ =	strace s3  }
0x95: {  	s3 =	sld [smem:$0x3FFD];
	_ =	sdelay $0x3  }
0x96: {  	_ =	strace s3  }
0x97: {  	_ =	strace $0x8FFFFFFF  }
0x98: {  	s19 =	sld [smem:$0x3FDB];
	_ =	sdelay $0x1  }
0x99: {  	s4 =	simm.s32 $_scs_section_size  }
0x9a: {  	s5 =	simm.s32 $_size__tile_overlayer_lowered;
	s6 =	simm.s32 $_tile_overlayer_lowered  }
0x9b: {  	s22 =	simm.s32 $0x1BFF;
	s21 =	sshll.u32 s6, $0x1;
	s3 =	sadd.s32 s4, s19  }
0x9c: {  	s7 =	simm.s32 $0x0;
	s20 =	sshll.u32 s5, $0x1;
	s5 =	sadd.s32 s21, s3  }
0x9d: {  	[timem:s7], [sflag:s22] =	dma.local [hbm:s5], s20  }
0x9e: {  	_ =	swait.ge [sflag:s22], s20  }
0x9f: {  	s4 =	ssub.s32 $0x0, s20;
	[sflag:s22] =	ssyncset.done $0x0  }
0xa0: {  	[sflag:s22] =	ssyncadd.s32 s4;
	_ =	sdelay $0x1  }
0xa1: {  	s23 =	simm.s32 $0x1B8B  }
0xa2: {  	_ =	swait.ge [sflag:s23], $0x1  }
0xa3: {  	[sflag:s23] =	ssyncset.done $0x0  }
0xa4: {  	s25 =	simm.s32 $0x1B8E;
	s24 =	sld [smem:$0x3FFE];
	[sflag:s23] =	ssyncadd.s32 $0xFFFFFFFF  }
0xa5: {  	s26 =	simm.s32 $execute0_lowered;
	[smem:$0x3FD2] =	sst s25  }
0xa6: {  	s5 =	sshll.u32 s26, $0x1;
	_ =	strace $0x80000046;
	[dreg:$0x1] =	wrdreg $0xFFFFFFFF  }
0xa7: {  	s28 =	simm.s32 $_size_execute0_lowered;
	s3 =	sadd.s32 s3, s5;
	[dreg:$0x0] =	wrdreg $0x0  }
0xa8: {  	s5 =	sshll.u32 s28, $0x1;
	[dreg:$0x2] =	wrdreg s3  }
0xa9: {  	[dreg:$0x3] =	wrdreg s5  }
0xaa: {  	[dreg:$0x4] =	wrdreg $0xC0  }
0xab: {  	_ =	task [dreg:s7], $0x5FFFF  }
0xac: {  	[dreg:$0x1] =	wrdreg $0xFFFFFFFF  }
0xad: {  	[dreg:$0x0] =	wrdreg $0x60  }
0xae: {  	[dreg:$0x2] =	wrdreg s2  }
0xaf: {  	[dreg:$0x3] =	wrdreg s24  }
0xb0: {  	[dreg:$0x4] =	wrdreg $0x17000  }
0xb1: {  	[dreg:$0x5] =	wrdreg $0x9  }
0xb2: {  	_ =	task.clear_ibuf [dreg:s7], $0x6FFFF;
	_ =	strace $0x90000046  }
0xb3: {  	s29 =	simm.s32 $0x9;
	_ =	strace $0x80000048  }
0xb4: {  	_ =	swait.ge [sflag:s29], $0x1  }
0xb5: {  	[sflag:s29] =	ssyncadd.s32 $0xFFFFFFFF  }
0xb6: {  	_ =	strace $0x90000048  }
0xb7: {  	_ =	sfence  }
0xb8: {  	s30 =	sld [smem:$0x0];
	_ =	sdelay $0x2  }
0xb9: {  	s31 =	sshll.u32 s1, $0xD;
	s1 =	sshrl.u32 s1, $0x2  }
0xba: {  	s3 =	sand.u32 $0x4000, s31;
	s1 =	sadd.s32 s1, s30  }
0xbb: {  	s0 =	sor.u32 s3, s0;
	s1 =	sshll.u32 s1, $0x11  }
0xbc: {  	s0 =	sor.u32 s1, s0  }
0xbd: {  	s0 =	sadd.s32 $0x8F2B, s0  }
0xbe: {  	[sflag:s0] =	ssyncadd.remote.s32 $0x1  }
0xbf: {  	_ =	sfence.sel $0xFFFF  }
0xc0: {  	[dreg:$0x0] =	wrdreg $0xFFFFFFFF;
	(pc) =	sbr.abs _section_cstart, $3  }
0xc1: {  	[dreg:$0x1] =	wrdreg $0xFFFFFFFF  }
0xc2: {  	_ =	task.clear_ibuf [dreg:s7], $0x2FFFF;
	_ =	strace $0x9FFFFFFF  }
0xc3: {  	(tm) =	ssettm $0x7FFFFFFF  }
tec
execute0_lowered:
.L_overlay_start_1:
0x0: {  	(tag) =	ssettag $0x1  }
0x1: {  	s4 =	rddreg [dreg:$0x0]  }
0x2: {  	s5 =	rddreg [dreg:$0x1];
	s2 =	simm.s32 $0x0  }
0x3: {  	v0 =	vimm.f32 $1.000000000e+00;
	[smem:$0x7FF] =	sst s2  }
0x4: {  	s1 =	rddreg [dreg:$0x2];
	v1 =	vimm.f32 $0.0e+00;
	_ =	strace $0x80000047;
	[tilespmem:$0x1400] =	vst v0  }
0x5: {  	[tilespmem:$0x16F0] =	vst v1  }
0x6: {  	[tilespmem:$0x16E0] =	vst v1  }
0x7: {  	[tilespmem:$0x16D0] =	vst v1  }
0x8: {  	[tilespmem:$0x16C0] =	vst v1  }
0x9: {  	[tilespmem:$0x16B0] =	vst v1  }
0xa: {  	[tilespmem:$0x16A0] =	vst v1  }
0xb: {  	[tilespmem:$0x1690] =	vst v1  }
0xc: {  	[tilespmem:$0x1680] =	vst v1  }
0xd: {  	[tilespmem:$0x1670] =	vst v1  }
0xe: {  	[tilespmem:$0x1660] =	vst v1  }
0xf: {  	[tilespmem:$0x1650] =	vst v1  }
0x10: {  	[tilespmem:$0x1640] =	vst v1  }
0x11: {  	[tilespmem:$0x1630] =	vst v1  }
0x12: {  	[tilespmem:$0x1620] =	vst v1  }
0x13: {  	[tilespmem:$0x1610] =	vst v1  }
0x14: {  	[tilespmem:$0x1600] =	vst v1  }
0x15: {  	[tilespmem:$0x15F0] =	vst v1  }
0x16: {  	[tilespmem:$0x15E0] =	vst v1  }
0x17: {  	[tilespmem:$0x15D0] =	vst v1  }
0x18: {  	[tilespmem:$0x15C0] =	vst v1  }
0x19: {  	[tilespmem:$0x15B0] =	vst v1  }
0x1a: {  	[tilespmem:$0x15A0] =	vst v1  }
0x1b: {  	[tilespmem:$0x1590] =	vst v1  }
0x1c: {  	[tilespmem:$0x1580] =	vst v1  }
0x1d: {  	[tilespmem:$0x1570] =	vst v1  }
0x1e: {  	[tilespmem:$0x1560] =	vst v1  }
0x1f: {  	s14 =	simm.s32 $0x180;
	[tilespmem:$0x1550] =	vst v1  }
0x20: {  	s15 =	simm.s32 $0x200;
	[tilespmem:$0x1540] =	vst v1;
	[dreg:$0x6] =	wrdreg s14  }
0x21: {  	s16 =	simm.s32 $0x280;
	[tilespmem:$0x1530] =	vst v1;
	[dreg:$0x7] =	wrdreg s15  }
0x22: {  	s17 =	simm.s32 $0x300;
	[tilespmem:$0x1520] =	vst v1;
	[dreg:$0x8] =	wrdreg s16  }
0x23: {  	s18 =	simm.s32 $0x380;
	[tilespmem:$0x1510] =	vst v1;
	[dreg:$0x9] =	wrdreg s17  }
0x24: {  	s0 =	srdreg.scid;
	s19 =	simm.s32 $0x400;
	[tilespmem:$0x1500] =	vst v1;
	[dreg:$0xa] =	wrdreg s18  }
0x25: {  	s3 =	stileid.u32;
	s20 =	simm.s32 $0x480;
	[tilespmem:$0x14F0] =	vst v1;
	[dreg:$0xb] =	wrdreg s19  }
0x26: {  	s21 =	simm.s32 $0x500;
	s22 =	simm.s32 $0x580;
	[tilespmem:$0x14E0] =	vst v1;
	[dreg:$0xc] =	wrdreg s20  }
0x27: {  	s23 =	simm.s32 $0x600;
	s24 =	simm.s32 $0x680;
	[tilespmem:$0x14D0] =	vst v1;
	[dreg:$0xd] =	wrdreg s21  }
0x28: {  	s25 =	simm.s32 $0x700;
	s26 =	simm.s32 $0x780;
	[tilespmem:$0x14C0] =	vst v1;
	[dreg:$0xe] =	wrdreg s22  }
0x29: {  	s0 =	sand.u32 $0x1, s0;
	s7 =	sshll.u32 s3, $0x1;
	[tilespmem:$0x14B0] =	vst v1;
	[dreg:$0xf] =	wrdreg s23  }
0x2a: {  	s6 =	smul.u32 $0x500, s3;
	s7 =	sor.u32 s0, s7;
	[tilespmem:$0x14A0] =	vst v1;
	[dreg:$0x10] =	wrdreg s24  }
0x2b: {  	s8 =	sshll.u32 s0, $0x7;
	[tilespmem:$0x1490] =	vst v1;
	[dreg:$0x11] =	wrdreg s25;
	s7 =	smul.u32 $0x280, s7  }
0x2c: {  	s9 =	simm.s32 $0x980;
	[tilespmem:$0x1480] =	vst v1;
	[dreg:$0x12] =	wrdreg s26;
	s6 =	sor.u32 s8, s6  }
0x2d: {  	[tilespmem:$0x1470] =	vst v0;
	[dreg:$0x16] =	wrdreg s9;
	s6 =	sshrl.u32 s6, $0x3;
	s4 =	sadd.s32 s4, s7  }
0x2e: {  	[tilespmem:$0x1460] =	vst v0;
	s5 =	sadd.s32 s6, s5;
	s6 =	simm.s32 $0x880;
	[dreg:$0x4] =	wrdreg s4  }
0x2f: {  	[tilespmem:$0x1450] =	vst v0;
	s7 =	simm.s32 $0x900;
	[dreg:$0x14] =	wrdreg s6  }
0x30: {  	[tilespmem:$0x1440] =	vst v0;
	s13 =	sadd.s32 $0x7000, s5;
	[dreg:$0x15] =	wrdreg s7  }
0x31: {  	[tilespmem:$0x1430] =	vst v0;
	s5 =	simm.s32 $0x800;
	[dreg:$0x5] =	wrdreg s13  }
0x32: {  	[tilespmem:$0x1420] =	vst v0;
	[dreg:$0x13] =	wrdreg s5  }
0x33: {  	s10 =	smul.u32 $0xA00, s3;
	[tilespmem:$0x1410] =	vst v0;
	s4 =	simm.s32 $0x2;
	s8 =	rddreg [dreg:$0x4]  }
0x34: {  	[tilespmem:s2], [sflag:$0x2] =	stream.linear.gather [hbm4b:s8+s2], $0x1400, $0x38;
	[tilespmem:$0x1980] =	vst v63  }
0x35: {  	_ =	swait.ge [sflag:s4], $0x1400  }
0x36: {  	s11 =	sshrl.u32 s10, $0x2;
	[sflag:s4] =	ssyncset.done $0x0  }
0x37: {  	s6 =	simm.s32 $0x1480;
	s5 =	sadd.s32 s11, s1;
	[sflag:s4] =	ssyncadd.s32 $0xFFFFEC00  }
0x38: {  	[spmem:s5] =	stream.linear.scatter [tilespmem:s6], [sflag:$0x2], $0x280, $0x38;
	[tilespmem:$0x1980] =	vst v63  }
0x39: {  	_ =	swait.ge [sflag:s4], $0x280  }
0x3a: {  	[sflag:s4] =	ssyncset.done $0x0  }
0x3b: {  	[sflag:s4] =	ssyncadd.s32 $0xFFFFFD80  }
0x3c: {  	s7 =	simm.s32 $0x80;
	s8 =	simm.s32 $0x1400;
	[bflag:$0x0] =	sbarrier.arrive $0xFFFF  }
0x3d: {  	[spmem:s1] =	stream.indirect.scatter.add.f32 [tilespmem:s8], [sflag:$0x1], $0x1, s2, s7, $0xb8;
	[tilespmem:$0x1980] =	vst v63  }
0x3e: {  	_ = 	snop  }
0x3f: {  	[spmem:s1] =	stream.indirect.scatter.add.f32 [tilespmem:s8], [sflag:$0x1], $0x1, s7, s7, $0xb8;
	[tilespmem:$0x1980] =	vst v63  }
0x40: {  	s9 =	simm.s32 $0x100  }
0x41: {  	[spmem:s1] =	stream.indirect.scatter.add.f32 [tilespmem:s8], [sflag:$0x1], $0x1, s9, s7, $0xb8;
	[tilespmem:$0x1980] =	vst v63  }
0x42: {  	s10 =	rddreg [dreg:$0x6]  }
0x43: {  	[spmem:s1] =	stream.indirect.scatter.add.f32 [tilespmem:s8], [sflag:$0x1], $0x1, s10, s7, $0xb8;
	[tilespmem:$0x1980] =	vst v63  }
0x44: {  	s11 =	rddreg [dreg:$0x7]  }
0x45: {  	[spmem:s1] =	stream.indirect.scatter.add.f32 [tilespmem:s8], [sflag:$0x1], $0x1, s11, s7, $0xb8;
	[tilespmem:$0x1980] =	vst v63  }
0x46: {  	s12 =	rddreg [dreg:$0x8]  }
0x47: {  	[spmem:s1] =	stream.indirect.scatter.add.f32 [tilespmem:s8], [sflag:$0x1], $0x1, s12, s7, $0xb8;
	[tilespmem:$0x1980] =	vst v63  }
0x48: {  	s13 =	rddreg [dreg:$0x9]  }
0x49: {  	[spmem:s1] =	stream.indirect.scatter.add.f32 [tilespmem:s8], [sflag:$0x1], $0x1, s13, s7, $0xb8;
	[tilespmem:$0x1980] =	vst v63  }
0x4a: {  	s10 =	simm.s32 $0x1;
	s12 =	rddreg [dreg:$0xa]  }
0x4b: {  	[spmem:s1] =	stream.indirect.scatter.add.f32 [tilespmem:s8], [sflag:$0x1], $0x1, s12, s7, $0xb8;
	[tilespmem:$0x1980] =	vst v63  }
0x4c: {  	_ =	swait.ge [sflag:s10], $0x80  }
0x4d: {  	[sflag:s10] =	ssyncset.done $0x0  }
0x4e: {  	[sflag:s10] =	ssyncadd.s32 $0xFFFFFF80  }
0x4f: {  	_ =	swait.ge [sflag:s10], $0x80  }
0x50: {  	[sflag:s10] =	ssyncset.done $0x0  }
0x51: {  	[sflag:s10] =	ssyncadd.s32 $0xFFFFFF80  }
0x52: {  	_ =	swait.ge [sflag:s10], $0x80  }
0x53: {  	[sflag:s10] =	ssyncset.done $0x0  }
0x54: {  	[sflag:s10] =	ssyncadd.s32 $0xFFFFFF80  }
0x55: {  	_ =	swait.ge [sflag:s10], $0x80  }
0x56: {  	[sflag:s10] =	ssyncset.done $0x0  }
0x57: {  	[sflag:s10] =	ssyncadd.s32 $0xFFFFFF80  }
0x58: {  	_ =	swait.ge [sflag:s10], $0x80  }
0x59: {  	[sflag:s10] =	ssyncset.done $0x0  }
0x5a: {  	[sflag:s10] =	ssyncadd.s32 $0xFFFFFF80  }
0x5b: {  	_ =	swait.ge [sflag:s10], $0x80  }
0x5c: {  	[sflag:s10] =	ssyncset.done $0x0  }
0x5d: {  	[sflag:s10] =	ssyncadd.s32 $0xFFFFFF80  }
0x5e: {  	_ =	swait.ge [sflag:s10], $0x80  }
0x5f: {  	[sflag:s10] =	ssyncset.done $0x0  }
0x60: {  	[sflag:s10] =	ssyncadd.s32 $0xFFFFFF80  }
0x61: {  	_ =	swait.ge [sflag:s10], $0x80  }
0x62: {  	[sflag:s10] =	ssyncset.done $0x0  }
0x63: {  	s14 =	rddreg [dreg:$0xb];
	[sflag:s10] =	ssyncadd.s32 $0xFFFFFF80  }
0x64: {  	[spmem:s1] =	stream.indirect.scatter.add.f32 [tilespmem:s8], [sflag:$0x1], $0x1, s14, s7, $0xb8;
	[tilespmem:$0x1980] =	vst v63  }
0x65: {  	s15 =	rddreg [dreg:$0xc]  }
0x66: {  	[spmem:s1] =	stream.indirect.scatter.add.f32 [tilespmem:s8], [sflag:$0x1], $0x1, s15, s7, $0xb8;
	[tilespmem:$0x1980] =	vst v63  }
0x67: {  	s16 =	rddreg [dreg:$0xd]  }
0x68: {  	[spmem:s1] =	stream.indirect.scatter.add.f32 [tilespmem:s8], [sflag:$0x1], $0x1, s16, s7, $0xb8;
	[tilespmem:$0x1980] =	vst v63  }
0x69: {  	s17 =	rddreg [dreg:$0xe]  }
0x6a: {  	[spmem:s1] =	stream.indirect.scatter.add.f32 [tilespmem:s8], [sflag:$0x1], $0x1, s17, s7, $0xb8;
	[tilespmem:$0x1980] =	vst v63  }
0x6b: {  	s18 =	rddreg [dreg:$0xf]  }
0x6c: {  	[spmem:s1] =	stream.indirect.scatter.add.f32 [tilespmem:s8], [sflag:$0x1], $0x1, s18, s7, $0xb8;
	[tilespmem:$0x1980] =	vst v63  }
0x6d: {  	s19 =	rddreg [dreg:$0x10]  }
0x6e: {  	[spmem:s1] =	stream.indirect.scatter.add.f32 [tilespmem:s8], [sflag:$0x1], $0x1, s19, s7, $0xb8;
	[tilespmem:$0x1980] =	vst v63  }
0x6f: {  	s20 =	rddreg [dreg:$0x11]  }
0x70: {  	[spmem:s1] =	stream.indirect.scatter.add.f32 [tilespmem:s8], [sflag:$0x1], $0x1, s20, s7, $0xb8;
	[tilespmem:$0x1980] =	vst v63  }
0x71: {  	s21 =	rddreg [dreg:$0x12]  }
0x72: {  	[spmem:s1] =	stream.indirect.scatter.add.f32 [tilespmem:s8], [sflag:$0x1], $0x1, s21, s7, $0xb8;
	[tilespmem:$0x1980] =	vst v63  }
0x73: {  	_ =	swait.ge [sflag:s10], $0x80  }
0x74: {  	[sflag:s10] =	ssyncset.done $0x0  }
0x75: {  	[sflag:s10] =	ssyncadd.s32 $0xFFFFFF80  }
0x76: {  	_ =	swait.ge [sflag:s10], $0x80  }
0x77: {  	[sflag:s10] =	ssyncset.done $0x0  }
0x78: {  	[sflag:s10] =	ssyncadd.s32 $0xFFFFFF80  }
0x79: {  	_ =	swait.ge [sflag:s10], $0x80  }
0x7a: {  	[sflag:s10] =	ssyncset.done $0x0  }
0x7b: {  	[sflag:s10] =	ssyncadd.s32 $0xFFFFFF80  }
0x7c: {  	_ =	swait.ge [sflag:s10], $0x80  }
0x7d: {  	[sflag:s10] =	ssyncset.done $0x0  }
0x7e: {  	[sflag:s10] =	ssyncadd.s32 $0xFFFFFF80  }
0x7f: {  	_ =	swait.ge [sflag:s10], $0x80  }
0x80: {  	[sflag:s10] =	ssyncset.done $0x0  }
0x81: {  	[sflag:s10] =	ssyncadd.s32 $0xFFFFFF80  }
0x82: {  	_ =	swait.ge [sflag:s10], $0x80  }
0x83: {  	[sflag:s10] =	ssyncset.done $0x0  }
0x84: {  	[sflag:s10] =	ssyncadd.s32 $0xFFFFFF80  }
0x85: {  	_ =	swait.ge [sflag:s10], $0x80  }
0x86: {  	[sflag:s10] =	ssyncset.done $0x0  }
0x87: {  	[sflag:s10] =	ssyncadd.s32 $0xFFFFFF80  }
0x88: {  	_ =	swait.ge [sflag:s10], $0x80  }
0x89: {  	[sflag:s10] =	ssyncset.done $0x0  }
0x8a: {  	s22 =	rddreg [dreg:$0x13];
	[sflag:s10] =	ssyncadd.s32 $0xFFFFFF80  }
0x8b: {  	[spmem:s1] =	stream.indirect.scatter.add.f32 [tilespmem:s8], [sflag:$0x1], $0x1, s22, s7, $0xb8;
	[tilespmem:$0x1980] =	vst v63  }
0x8c: {  	s23 =	rddreg [dreg:$0x14]  }
0x8d: {  	[spmem:s1] =	stream.indirect.scatter.add.f32 [tilespmem:s8], [sflag:$0x1], $0x1, s23, s7, $0xb8;
	[tilespmem:$0x1980] =	vst v63  }
0x8e: {  	s24 =	rddreg [dreg:$0x15]  }
0x8f: {  	[spmem:s1] =	stream.indirect.scatter.add.f32 [tilespmem:s8], [sflag:$0x1], $0x1, s24, s7, $0xb8;
	[tilespmem:$0x1980] =	vst v63  }
0x90: {  	s25 =	rddreg [dreg:$0x16]  }
0x91: {  	[spmem:s1] =	stream.indirect.scatter.add.f32 [tilespmem:s8], [sflag:$0x1], $0x1, s25, s7, $0xb8;
	[tilespmem:$0x1980] =	vst v63  }
0x92: {  	s26 =	simm.s32 $0xA00  }
0x93: {  	[spmem:s1] =	stream.indirect.scatter.add.f32 [tilespmem:s8], [sflag:$0x1], $0x1, s26, s7, $0xb8;
	[tilespmem:$0x1980] =	vst v63  }
0x94: {  	s12 =	simm.s32 $0xA80  }
0x95: {  	[spmem:s1] =	stream.indirect.scatter.add.f32 [tilespmem:s8], [sflag:$0x1], $0x1, s12, s7, $0xb8;
	[tilespmem:$0x1980] =	vst v63  }
0x96: {  	s13 =	simm.s32 $0xB00  }
0x97: {  	[spmem:s1] =	stream.indirect.scatter.add.f32 [tilespmem:s8], [sflag:$0x1], $0x1, s13, s7, $0xb8;
	[tilespmem:$0x1980] =	vst v63  }
0x98: {  	s14 =	simm.s32 $0xB80  }
0x99: {  	[spmem:s1] =	stream.indirect.scatter.add.f32 [tilespmem:s8], [sflag:$0x1], $0x1, s14, s7, $0xb8;
	[tilespmem:$0x1980] =	vst v63  }
0x9a: {  	_ =	swait.ge [sflag:s10], $0x80  }
0x9b: {  	[sflag:s10] =	ssyncset.done $0x0  }
0x9c: {  	[sflag:s10] =	ssyncadd.s32 $0xFFFFFF80  }
0x9d: {  	_ =	swait.ge [sflag:s10], $0x80  }
0x9e: {  	[sflag:s10] =	ssyncset.done $0x0  }
0x9f: {  	[sflag:s10] =	ssyncadd.s32 $0xFFFFFF80  }
0xa0: {  	_ =	swait.ge [sflag:s10], $0x80  }
0xa1: {  	[sflag:s10] =	ssyncset.done $0x0  }
0xa2: {  	[sflag:s10] =	ssyncadd.s32 $0xFFFFFF80  }
0xa3: {  	_ =	swait.ge [sflag:s10], $0x80  }
0xa4: {  	[sflag:s10] =	ssyncset.done $0x0  }
0xa5: {  	[sflag:s10] =	ssyncadd.s32 $0xFFFFFF80  }
0xa6: {  	_ =	swait.ge [sflag:s10], $0x80  }
0xa7: {  	[sflag:s10] =	ssyncset.done $0x0  }
0xa8: {  	[sflag:s10] =	ssyncadd.s32 $0xFFFFFF80  }
0xa9: {  	_ =	swait.ge [sflag:s10], $0x80  }
0xaa: {  	[sflag:s10] =	ssyncset.done $0x0  }
0xab: {  	[sflag:s10] =	ssyncadd.s32 $0xFFFFFF80  }
0xac: {  	_ =	swait.ge [sflag:s10], $0x80  }
0xad: {  	[sflag:s10] =	ssyncset.done $0x0  }
0xae: {  	[sflag:s10] =	ssyncadd.s32 $0xFFFFFF80  }
0xaf: {  	_ =	swait.ge [sflag:s10], $0x80  }
0xb0: {  	[sflag:s10] =	ssyncset.done $0x0  }
0xb1: {  	s15 =	simm.s32 $0xC00;
	[sflag:s10] =	ssyncadd.s32 $0xFFFFFF80  }
0xb2: {  	[spmem:s1] =	stream.indirect.scatter.add.f32 [tilespmem:s8], [sflag:$0x1], $0x1, s15, s7, $0xb8;
	[tilespmem:$0x1980] =	vst v63  }
0xb3: {  	s16 =	simm.s32 $0xC80  }
0xb4: {  	[spmem:s1] =	stream.indirect.scatter.add.f32 [tilespmem:s8], [sflag:$0x1], $0x1, s16, s7, $0xb8;
	[tilespmem:$0x1980] =	vst v63  }
0xb5: {  	s17 =	simm.s32 $0xD00  }
0xb6: {  	[spmem:s1] =	stream.indirect.scatter.add.f32 [tilespmem:s8], [sflag:$0x1], $0x1, s17, s7, $0xb8;
	[tilespmem:$0x1980] =	vst v63  }
0xb7: {  	s18 =	simm.s32 $0xD80  }
0xb8: {  	[spmem:s1] =	stream.indirect.scatter.add.f32 [tilespmem:s8], [sflag:$0x1], $0x1, s18, s7, $0xb8;
	[tilespmem:$0x1980] =	vst v63  }
0xb9: {  	s19 =	simm.s32 $0xE00  }
0xba: {  	[spmem:s1] =	stream.indirect.scatter.add.f32 [tilespmem:s8], [sflag:$0x1], $0x1, s19, s7, $0xb8;
	[tilespmem:$0x1980] =	vst v63  }
0xbb: {  	s20 =	simm.s32 $0xE80  }
0xbc: {  	[spmem:s1] =	stream.indirect.scatter.add.f32 [tilespmem:s8], [sflag:$0x1], $0x1, s20, s7, $0xb8;
	[tilespmem:$0x1980] =	vst v63  }
0xbd: {  	s21 =	simm.s32 $0xF00  }
0xbe: {  	[spmem:s1] =	stream.indirect.scatter.add.f32 [tilespmem:s8], [sflag:$0x1], $0x1, s21, s7, $0xb8;
	[tilespmem:$0x1980] =	vst v63  }
0xbf: {  	s22 =	simm.s32 $0xF80  }
0xc0: {  	[spmem:s1] =	stream.indirect.scatter.add.f32 [tilespmem:s8], [sflag:$0x1], $0x1, s22, s7, $0xb8;
	[tilespmem:$0x1980] =	vst v63  }
0xc1: {  	_ =	swait.ge [sflag:s10], $0x80  }
0xc2: {  	[sflag:s10] =	ssyncset.done $0x0  }
0xc3: {  	[sflag:s10] =	ssyncadd.s32 $0xFFFFFF80  }
0xc4: {  	_ =	swait.ge [sflag:s10], $0x80  }
0xc5: {  	[sflag:s10] =	ssyncset.done $0x0  }
0xc6: {  	[sflag:s10] =	ssyncadd.s32 $0xFFFFFF80  }
0xc7: {  	_ =	swait.ge [sflag:s10], $0x80  }
0xc8: {  	[sflag:s10] =	ssyncset.done $0x0  }
0xc9: {  	[sflag:s10] =	ssyncadd.s32 $0xFFFFFF80  }
0xca: {  	_ =	swait.ge [sflag:s10], $0x80  }
0xcb: {  	[sflag:s10] =	ssyncset.done $0x0  }
0xcc: {  	[sflag:s10] =	ssyncadd.s32 $0xFFFFFF80  }
0xcd: {  	_ =	swait.ge [sflag:s10], $0x80  }
0xce: {  	[sflag:s10] =	ssyncset.done $0x0  }
0xcf: {  	[sflag:s10] =	ssyncadd.s32 $0xFFFFFF80  }
0xd0: {  	_ =	swait.ge [sflag:s10], $0x80  }
0xd1: {  	[sflag:s10] =	ssyncset.done $0x0  }
0xd2: {  	[sflag:s10] =	ssyncadd.s32 $0xFFFFFF80  }
0xd3: {  	_ =	swait.ge [sflag:s10], $0x80  }
0xd4: {  	[sflag:s10] =	ssyncset.done $0x0  }
0xd5: {  	[sflag:s10] =	ssyncadd.s32 $0xFFFFFF80  }
0xd6: {  	_ =	swait.ge [sflag:s10], $0x80  }
0xd7: {  	[sflag:s10] =	ssyncset.done $0x0  }
0xd8: {  	s23 =	simm.s32 $0x1000;
	[sflag:s10] =	ssyncadd.s32 $0xFFFFFF80  }
0xd9: {  	[spmem:s1] =	stream.indirect.scatter.add.f32 [tilespmem:s8], [sflag:$0x1], $0x1, s23, s7, $0xb8;
	[tilespmem:$0x1980] =	vst v63  }
0xda: {  	s24 =	simm.s32 $0x1080  }
0xdb: {  	[spmem:s1] =	stream.indirect.scatter.add.f32 [tilespmem:s8], [sflag:$0x1], $0x1, s24, s7, $0xb8;
	[tilespmem:$0x1980] =	vst v63  }
0xdc: {  	s25 =	simm.s32 $0x1100  }
0xdd: {  	[spmem:s1] =	stream.indirect.scatter.add.f32 [tilespmem:s8], [sflag:$0x1], $0x1, s25, s7, $0xb8;
	[tilespmem:$0x1980] =	vst v63  }
0xde: {  	s26 =	simm.s32 $0x1180  }
0xdf: {  	[spmem:s1] =	stream.indirect.scatter.add.f32 [tilespmem:s8], [sflag:$0x1], $0x1, s26, s7, $0xb8;
	[tilespmem:$0x1980] =	vst v63  }
0xe0: {  	s28 =	simm.s32 $0x1200  }
0xe1: {  	[spmem:s1] =	stream.indirect.scatter.add.f32 [tilespmem:s8], [sflag:$0x1], $0x1, s28, s7, $0xb8;
	[tilespmem:$0x1980] =	vst v63  }
0xe2: {  	s29 =	simm.s32 $0x1280  }
0xe3: {  	[spmem:s1] =	stream.indirect.scatter.add.f32 [tilespmem:s8], [sflag:$0x1], $0x1, s29, s7, $0xb8;
	[tilespmem:$0x1980] =	vst v63  }
0xe4: {  	s30 =	simm.s32 $0x1300  }
0xe5: {  	[spmem:s1] =	stream.indirect.scatter.add.f32 [tilespmem:s8], [sflag:$0x1], $0x1, s30, s7, $0xb8;
	[tilespmem:$0x1980] =	vst v63  }
0xe6: {  	s31 =	simm.s32 $0x1380  }
0xe7: {  	[spmem:s1] =	stream.indirect.scatter.add.f32 [tilespmem:s8], [sflag:$0x1], $0x1, s31, s7, $0xb8;
	[tilespmem:$0x1980] =	vst v63  }
0xe8: {  	_ =	swait.ge [sflag:s10], $0x80  }
0xe9: {  	[sflag:s10] =	ssyncset.done $0x0  }
0xea: {  	[sflag:s10] =	ssyncadd.s32 $0xFFFFFF80  }
0xeb: {  	_ =	swait.ge [sflag:s10], $0x80  }
0xec: {  	[sflag:s10] =	ssyncset.done $0x0  }
0xed: {  	[sflag:s10] =	ssyncadd.s32 $0xFFFFFF80  }
0xee: {  	_ =	swait.ge [sflag:s10], $0x80  }
0xef: {  	[sflag:s10] =	ssyncset.done $0x0  }
0xf0: {  	[sflag:s10] =	ssyncadd.s32 $0xFFFFFF80  }
0xf1: {  	_ =	swait.ge [sflag:s10], $0x80  }
0xf2: {  	[sflag:s10] =	ssyncset.done $0x0  }
0xf3: {  	[sflag:s10] =	ssyncadd.s32 $0xFFFFFF80  }
0xf4: {  	_ =	swait.ge [sflag:s10], $0x80  }
0xf5: {  	[sflag:s10] =	ssyncset.done $0x0  }
0xf6: {  	[sflag:s10] =	ssyncadd.s32 $0xFFFFFF80  }
0xf7: {  	_ =	swait.ge [sflag:s10], $0x80  }
0xf8: {  	[sflag:s10] =	ssyncset.done $0x0  }
0xf9: {  	[sflag:s10] =	ssyncadd.s32 $0xFFFFFF80  }
0xfa: {  	_ =	swait.ge [sflag:s10], $0x80  }
0xfb: {  	[sflag:s10] =	ssyncset.done $0x0  }
0xfc: {  	[sflag:s10] =	ssyncadd.s32 $0xFFFFFF80  }
0xfd: {  	s0 =	ssub.s32 $0x2, s0;
	_ =	swait.ge [sflag:s10], $0x80  }
0xfe: {  	s3 =	sshrl.u32 s0, $0x1;
	[sflag:s10] =	ssyncset.done $0x0  }
0xff: {  	s0 =	ssub.s32 s0, s3;
	[sflag:s10] =	ssyncadd.s32 $0xFFFFFF80  }
0x100: {  	s0 =	smax.u32 s0, $0x1;
	[bflag:$0x0] =	sbarrier.arrive $0xFFFF  }
0x101: {  	[tilespmem:s6], [sflag:$0x2] =	stream.linear.gather [spmem:s5], $0x280, $0x38;
	[tilespmem:$0x1980] =	vst v63  }
0x102: {  	p0 =	sne.s32 s0, $0x1;
	_ =	swait.ge [sflag:s4], $0x280  }
.Ltmp0:
0x103: {  	[sflag:s4] =	ssyncset.done $0x0;
	(pc) =	sbr.rel @!p0 .LBB2_2-.Ltmp0, $4  }
0x104: {  	s11 =	rddreg [dreg:$0x5];
	[sflag:s4] =	ssyncadd.s32 $0xFFFFFD80  }
0x105: {  	[hbm4b:s11+s7] =	stream.strided.scatter [tilespmem:s6], [sflag:$0x2], $0x280, s9, s7, $0x38;
	[tilespmem:$0x1980] =	vst v63  }
0x106: {  	_ =	swait.ge [sflag:s4], $0x280  }
0x107: {  	s0 =	sadd.s32 $0xFFFFFFFF, s0;
	[sflag:s4] =	ssyncset.done $0x0  }
.LBB2_1:
0x108: {  	[sflag:s4] =	ssyncadd.s32 $0xFFFFFD80  }
0x109: {  	[tilespmem:$0x1400] =	vst v0  }
0x10a: {  	[tilespmem:$0x16F0] =	vst v1  }
0x10b: {  	[tilespmem:$0x16E0] =	vst v1  }
0x10c: {  	[tilespmem:$0x16D0] =	vst v1  }
0x10d: {  	[tilespmem:$0x16C0] =	vst v1  }
0x10e: {  	[tilespmem:$0x16B0] =	vst v1  }
0x10f: {  	[tilespmem:$0x16A0] =	vst v1  }
0x110: {  	[tilespmem:$0x1690] =	vst v1  }
0x111: {  	[tilespmem:$0x1680] =	vst v1  }
0x112: {  	[tilespmem:$0x1670] =	vst v1  }
0x113: {  	[tilespmem:$0x1660] =	vst v1  }
0x114: {  	[tilespmem:$0x1650] =	vst v1  }
0x115: {  	[tilespmem:$0x1640] =	vst v1  }
0x116: {  	[tilespmem:$0x1630] =	vst v1  }
0x117: {  	[tilespmem:$0x1620] =	vst v1  }
0x118: {  	[tilespmem:$0x1610] =	vst v1  }
0x119: {  	[tilespmem:$0x1600] =	vst v1  }
0x11a: {  	[tilespmem:$0x15F0] =	vst v1  }
0x11b: {  	[tilespmem:$0x15E0] =	vst v1  }
0x11c: {  	[tilespmem:$0x15D0] =	vst v1  }
0x11d: {  	[tilespmem:$0x15C0] =	vst v1  }
0x11e: {  	[tilespmem:$0x15B0] =	vst v1  }
0x11f: {  	[tilespmem:$0x15A0] =	vst v1  }
0x120: {  	[tilespmem:$0x1590] =	vst v1  }
0x121: {  	[tilespmem:$0x1580] =	vst v1  }
0x122: {  	[tilespmem:$0x1570] =	vst v1  }
0x123: {  	[tilespmem:$0x1560] =	vst v1  }
0x124: {  	[tilespmem:$0x1550] =	vst v1  }
0x125: {  	[tilespmem:$0x1540] =	vst v1  }
0x126: {  	[tilespmem:$0x1530] =	vst v1  }
0x127: {  	[tilespmem:$0x1520] =	vst v1  }
0x128: {  	[tilespmem:$0x1510] =	vst v1  }
0x129: {  	[tilespmem:$0x1500] =	vst v1  }
0x12a: {  	[tilespmem:$0x14F0] =	vst v1  }
0x12b: {  	[tilespmem:$0x14E0] =	vst v1  }
0x12c: {  	[tilespmem:$0x14D0] =	vst v1  }
0x12d: {  	[tilespmem:$0x14C0] =	vst v1  }
0x12e: {  	[tilespmem:$0x14B0] =	vst v1  }
0x12f: {  	[tilespmem:$0x14A0] =	vst v1  }
0x130: {  	[tilespmem:$0x1490] =	vst v1  }
0x131: {  	[tilespmem:$0x1480] =	vst v1  }
0x132: {  	[tilespmem:$0x1470] =	vst v0  }
0x133: {  	[tilespmem:$0x1460] =	vst v0  }
0x134: {  	[tilespmem:$0x1450] =	vst v0  }
0x135: {  	[tilespmem:$0x1440] =	vst v0  }
0x136: {  	[tilespmem:$0x1430] =	vst v0  }
0x137: {  	[tilespmem:$0x1420] =	vst v0  }
0x138: {  	s3 =	rddreg [dreg:$0x4];
	[tilespmem:$0x1410] =	vst v0  }
0x139: {  	[tilespmem:s2], [sflag:$0x2] =	stream.linear.gather [hbm4b:s3+s2], $0x1400, $0x38;
	[tilespmem:$0x1980] =	vst v63  }
0x13a: {  	_ =	swait.ge [sflag:s4], $0x1400  }
0x13b: {  	[sflag:s4] =	ssyncset.done $0x0  }
0x13c: {  	[sflag:s4] =	ssyncadd.s32 $0xFFFFEC00  }
0x13d: {  	[spmem:s5] =	stream.linear.scatter [tilespmem:s6], [sflag:$0x2], $0x280, $0x38;
	[tilespmem:$0x1980] =	vst v63  }
0x13e: {  	_ =	swait.ge [sflag:s4], $0x280  }
0x13f: {  	[sflag:s4] =	ssyncset.done $0x0  }
0x140: {  	[sflag:s4] =	ssyncadd.s32 $0xFFFFFD80  }
0x141: {  	[bflag:$0x0] =	sbarrier.arrive $0xFFFF  }
0x142: {  	[spmem:s1] =	stream.indirect.scatter.add.f32 [tilespmem:s8], [sflag:$0x1], $0x1, s2, s7, $0xb8;
	[tilespmem:$0x1980] =	vst v63  }
0x143: {  	_ = 	snop  }
0x144: {  	[spmem:s1] =	stream.indirect.scatter.add.f32 [tilespmem:s8], [sflag:$0x1], $0x1, s7, s7, $0xb8;
	[tilespmem:$0x1980] =	vst v63  }
0x145: {  	_ = 	snop  }
0x146: {  	[spmem:s1] =	stream.indirect.scatter.add.f32 [tilespmem:s8], [sflag:$0x1], $0x1, s9, s7, $0xb8;
	[tilespmem:$0x1980] =	vst v63  }
0x147: {  	s3 =	rddreg [dreg:$0x6]  }
0x148: {  	[spmem:s1] =	stream.indirect.scatter.add.f32 [tilespmem:s8], [sflag:$0x1], $0x1, s3, s7, $0xb8;
	[tilespmem:$0x1980] =	vst v63  }
0x149: {  	s11 =	rddreg [dreg:$0x7]  }
0x14a: {  	[spmem:s1] =	stream.indirect.scatter.add.f32 [tilespmem:s8], [sflag:$0x1], $0x1, s11, s7, $0xb8;
	[tilespmem:$0x1980] =	vst v63  }
0x14b: {  	s3 =	rddreg [dreg:$0x8]  }
0x14c: {  	[spmem:s1] =	stream.indirect.scatter.add.f32 [tilespmem:s8], [sflag:$0x1], $0x1, s3, s7, $0xb8;
	[tilespmem:$0x1980] =	vst v63  }
0x14d: {  	s11 =	rddreg [dreg:$0x9]  }
0x14e: {  	[spmem:s1] =	stream.indirect.scatter.add.f32 [tilespmem:s8], [sflag:$0x1], $0x1, s11, s7, $0xb8;
	[tilespmem:$0x1980] =	vst v63  }
0x14f: {  	s3 =	rddreg [dreg:$0xa]  }
0x150: {  	[spmem:s1] =	stream.indirect.scatter.add.f32 [tilespmem:s8], [sflag:$0x1], $0x1, s3, s7, $0xb8;
	[tilespmem:$0x1980] =	vst v63  }
0x151: {  	_ =	swait.ge [sflag:s10], $0x80  }
0x152: {  	[sflag:s10] =	ssyncset.done $0x0  }
0x153: {  	[sflag:s10] =	ssyncadd.s32 $0xFFFFFF80  }
0x154: {  	_ =	swait.ge [sflag:s10], $0x80  }
0x155: {  	[sflag:s10] =	ssyncset.done $0x0  }
0x156: {  	[sflag:s10] =	ssyncadd.s32 $0xFFFFFF80  }
0x157: {  	_ =	swait.ge [sflag:s10], $0x80  }
0x158: {  	[sflag:s10] =	ssyncset.done $0x0  }
0x159: {  	[sflag:s10] =	ssyncadd.s32 $0xFFFFFF80  }
0x15a: {  	_ =	swait.ge [sflag:s10], $0x80  }
0x15b: {  	[sflag:s10] =	ssyncset.done $0x0  }
0x15c: {  	[sflag:s10] =	ssyncadd.s32 $0xFFFFFF80  }
0x15d: {  	_ =	swait.ge [sflag:s10], $0x80  }
0x15e: {  	[sflag:s10] =	ssyncset.done $0x0  }
0x15f: {  	[sflag:s10] =	ssyncadd.s32 $0xFFFFFF80  }
0x160: {  	_ =	swait.ge [sflag:s10], $0x80  }
0x161: {  	[sflag:s10] =	ssyncset.done $0x0  }
0x162: {  	[sflag:s10] =	ssyncadd.s32 $0xFFFFFF80  }
0x163: {  	_ =	swait.ge [sflag:s10], $0x80  }
0x164: {  	[sflag:s10] =	ssyncset.done $0x0  }
0x165: {  	[sflag:s10] =	ssyncadd.s32 $0xFFFFFF80  }
0x166: {  	_ =	swait.ge [sflag:s10], $0x80  }
0x167: {  	[sflag:s10] =	ssyncset.done $0x0  }
0x168: {  	s3 =	rddreg [dreg:$0xb];
	[sflag:s10] =	ssyncadd.s32 $0xFFFFFF80  }
0x169: {  	[spmem:s1] =	stream.indirect.scatter.add.f32 [tilespmem:s8], [sflag:$0x1], $0x1, s3, s7, $0xb8;
	[tilespmem:$0x1980] =	vst v63  }
0x16a: {  	s11 =	rddreg [dreg:$0xc]  }
0x16b: {  	[spmem:s1] =	stream.indirect.scatter.add.f32 [tilespmem:s8], [sflag:$0x1], $0x1, s11, s7, $0xb8;
	[tilespmem:$0x1980] =	vst v63  }
0x16c: {  	s3 =	rddreg [dreg:$0xd]  }
0x16d: {  	[spmem:s1] =	stream.indirect.scatter.add.f32 [tilespmem:s8], [sflag:$0x1], $0x1, s3, s7, $0xb8;
	[tilespmem:$0x1980] =	vst v63  }
0x16e: {  	s11 =	rddreg [dreg:$0xe]  }
0x16f: {  	[spmem:s1] =	stream.indirect.scatter.add.f32 [tilespmem:s8], [sflag:$0x1], $0x1, s11, s7, $0xb8;
	[tilespmem:$0x1980] =	vst v63  }
0x170: {  	s3 =	rddreg [dreg:$0xf]  }
0x171: {  	[spmem:s1] =	stream.indirect.scatter.add.f32 [tilespmem:s8], [sflag:$0x1], $0x1, s3, s7, $0xb8;
	[tilespmem:$0x1980] =	vst v63  }
0x172: {  	s11 =	rddreg [dreg:$0x10]  }
0x173: {  	[spmem:s1] =	stream.indirect.scatter.add.f32 [tilespmem:s8], [sflag:$0x1], $0x1, s11, s7, $0xb8;
	[tilespmem:$0x1980] =	vst v63  }
0x174: {  	s3 =	rddreg [dreg:$0x11]  }
0x175: {  	[spmem:s1] =	stream.indirect.scatter.add.f32 [tilespmem:s8], [sflag:$0x1], $0x1, s3, s7, $0xb8;
	[tilespmem:$0x1980] =	vst v63  }
0x176: {  	s11 =	rddreg [dreg:$0x12]  }
0x177: {  	[spmem:s1] =	stream.indirect.scatter.add.f32 [tilespmem:s8], [sflag:$0x1], $0x1, s11, s7, $0xb8;
	[tilespmem:$0x1980] =	vst v63  }
0x178: {  	_ =	swait.ge [sflag:s10], $0x80  }
0x179: {  	[sflag:s10] =	ssyncset.done $0x0  }
0x17a: {  	[sflag:s10] =	ssyncadd.s32 $0xFFFFFF80  }
0x17b: {  	_ =	swait.ge [sflag:s10], $0x80  }
0x17c: {  	[sflag:s10] =	ssyncset.done $0x0  }
0x17d: {  	[sflag:s10] =	ssyncadd.s32 $0xFFFFFF80  }
0x17e: {  	_ =	swait.ge [sflag:s10], $0x80  }
0x17f: {  	[sflag:s10] =	ssyncset.done $0x0  }
0x180: {  	[sflag:s10] =	ssyncadd.s32 $0xFFFFFF80  }
0x181: {  	_ =	swait.ge [sflag:s10], $0x80  }
0x182: {  	[sflag:s10] =	ssyncset.done $0x0  }
0x183: {  	[sflag:s10] =	ssyncadd.s32 $0xFFFFFF80  }
0x184: {  	_ =	swait.ge [sflag:s10], $0x80  }
0x185: {  	[sflag:s10] =	ssyncset.done $0x0  }
0x186: {  	[sflag:s10] =	ssyncadd.s32 $0xFFFFFF80  }
0x187: {  	_ =	swait.ge [sflag:s10], $0x80  }
0x188: {  	[sflag:s10] =	ssyncset.done $0x0  }
0x189: {  	[sflag:s10] =	ssyncadd.s32 $0xFFFFFF80  }
0x18a: {  	_ =	swait.ge [sflag:s10], $0x80  }
0x18b: {  	[sflag:s10] =	ssyncset.done $0x0  }
0x18c: {  	[sflag:s10] =	ssyncadd.s32 $0xFFFFFF80  }
0x18d: {  	_ =	swait.ge [sflag:s10], $0x80  }
0x18e: {  	[sflag:s10] =	ssyncset.done $0x0  }
0x18f: {  	s3 =	rddreg [dreg:$0x13];
	[sflag:s10] =	ssyncadd.s32 $0xFFFFFF80  }
0x190: {  	[spmem:s1] =	stream.indirect.scatter.add.f32 [tilespmem:s8], [sflag:$0x1], $0x1, s3, s7, $0xb8;
	[tilespmem:$0x1980] =	vst v63  }
0x191: {  	s11 =	rddreg [dreg:$0x14]  }
0x192: {  	[spmem:s1] =	stream.indirect.scatter.add.f32 [tilespmem:s8], [sflag:$0x1], $0x1, s11, s7, $0xb8;
	[tilespmem:$0x1980] =	vst v63  }
0x193: {  	s3 =	rddreg [dreg:$0x15]  }
0x194: {  	[spmem:s1] =	stream.indirect.scatter.add.f32 [tilespmem:s8], [sflag:$0x1], $0x1, s3, s7, $0xb8;
	[tilespmem:$0x1980] =	vst v63  }
0x195: {  	s11 =	rddreg [dreg:$0x16]  }
0x196: {  	[spmem:s1] =	stream.indirect.scatter.add.f32 [tilespmem:s8], [sflag:$0x1], $0x1, s11, s7, $0xb8;
	[tilespmem:$0x1980] =	vst v63  }
0x197: {  	s11 =	simm.s32 $0xA00  }
0x198: {  	[spmem:s1] =	stream.indirect.scatter.add.f32 [tilespmem:s8], [sflag:$0x1], $0x1, s11, s7, $0xb8;
	[tilespmem:$0x1980] =	vst v63  }
0x199: {  	_ = 	snop  }
0x19a: {  	[spmem:s1] =	stream.indirect.scatter.add.f32 [tilespmem:s8], [sflag:$0x1], $0x1, s12, s7, $0xb8;
	[tilespmem:$0x1980] =	vst v63  }
0x19b: {  	_ = 	snop  }
0x19c: {  	[spmem:s1] =	stream.indirect.scatter.add.f32 [tilespmem:s8], [sflag:$0x1], $0x1, s13, s7, $0xb8;
	[tilespmem:$0x1980] =	vst v63  }
0x19d: {  	_ = 	snop  }
0x19e: {  	[spmem:s1] =	stream.indirect.scatter.add.f32 [tilespmem:s8], [sflag:$0x1], $0x1, s14, s7, $0xb8;
	[tilespmem:$0x1980] =	vst v63  }
0x19f: {  	_ =	swait.ge [sflag:s10], $0x80  }
0x1a0: {  	[sflag:s10] =	ssyncset.done $0x0  }
0x1a1: {  	[sflag:s10] =	ssyncadd.s32 $0xFFFFFF80  }
0x1a2: {  	_ =	swait.ge [sflag:s10], $0x80  }
0x1a3: {  	[sflag:s10] =	ssyncset.done $0x0  }
0x1a4: {  	[sflag:s10] =	ssyncadd.s32 $0xFFFFFF80  }
0x1a5: {  	_ =	swait.ge [sflag:s10], $0x80  }
0x1a6: {  	[sflag:s10] =	ssyncset.done $0x0  }
0x1a7: {  	[sflag:s10] =	ssyncadd.s32 $0xFFFFFF80  }
0x1a8: {  	_ =	swait.ge [sflag:s10], $0x80  }
0x1a9: {  	[sflag:s10] =	ssyncset.done $0x0  }
0x1aa: {  	[sflag:s10] =	ssyncadd.s32 $0xFFFFFF80  }
0x1ab: {  	_ =	swait.ge [sflag:s10], $0x80  }
0x1ac: {  	[sflag:s10] =	ssyncset.done $0x0  }
0x1ad: {  	[sflag:s10] =	ssyncadd.s32 $0xFFFFFF80  }
0x1ae: {  	_ =	swait.ge [sflag:s10], $0x80  }
0x1af: {  	[sflag:s10] =	ssyncset.done $0x0  }
0x1b0: {  	[sflag:s10] =	ssyncadd.s32 $0xFFFFFF80  }
0x1b1: {  	_ =	swait.ge [sflag:s10], $0x80  }
0x1b2: {  	[sflag:s10] =	ssyncset.done $0x0  }
0x1b3: {  	[sflag:s10] =	ssyncadd.s32 $0xFFFFFF80  }
0x1b4: {  	_ =	swait.ge [sflag:s10], $0x80  }
0x1b5: {  	[sflag:s10] =	ssyncset.done $0x0  }
0x1b6: {  	[sflag:s10] =	ssyncadd.s32 $0xFFFFFF80  }
0x1b7: {  	[spmem:s1] =	stream.indirect.scatter.add.f32 [tilespmem:s8], [sflag:$0x1], $0x1, s15, s7, $0xb8;
	[tilespmem:$0x1980] =	vst v63  }
0x1b8: {  	_ = 	snop  }
0x1b9: {  	[spmem:s1] =	stream.indirect.scatter.add.f32 [tilespmem:s8], [sflag:$0x1], $0x1, s16, s7, $0xb8;
	[tilespmem:$0x1980] =	vst v63  }
0x1ba: {  	_ = 	snop  }
0x1bb: {  	[spmem:s1] =	stream.indirect.scatter.add.f32 [tilespmem:s8], [sflag:$0x1], $0x1, s17, s7, $0xb8;
	[tilespmem:$0x1980] =	vst v63  }
0x1bc: {  	_ = 	snop  }
0x1bd: {  	[spmem:s1] =	stream.indirect.scatter.add.f32 [tilespmem:s8], [sflag:$0x1], $0x1, s18, s7, $0xb8;
	[tilespmem:$0x1980] =	vst v63  }
0x1be: {  	_ = 	snop  }
0x1bf: {  	[spmem:s1] =	stream.indirect.scatter.add.f32 [tilespmem:s8], [sflag:$0x1], $0x1, s19, s7, $0xb8;
	[tilespmem:$0x1980] =	vst v63  }
0x1c0: {  	_ = 	snop  }
0x1c1: {  	[spmem:s1] =	stream.indirect.scatter.add.f32 [tilespmem:s8], [sflag:$0x1], $0x1, s20, s7, $0xb8;
	[tilespmem:$0x1980] =	vst v63  }
0x1c2: {  	_ = 	snop  }
0x1c3: {  	[spmem:s1] =	stream.indirect.scatter.add.f32 [tilespmem:s8], [sflag:$0x1], $0x1, s21, s7, $0xb8;
	[tilespmem:$0x1980] =	vst v63  }
0x1c4: {  	_ = 	snop  }
0x1c5: {  	[spmem:s1] =	stream.indirect.scatter.add.f32 [tilespmem:s8], [sflag:$0x1], $0x1, s22, s7, $0xb8;
	[tilespmem:$0x1980] =	vst v63  }
0x1c6: {  	_ =	swait.ge [sflag:s10], $0x80  }
0x1c7: {  	[sflag:s10] =	ssyncset.done $0x0  }
0x1c8: {  	[sflag:s10] =	ssyncadd.s32 $0xFFFFFF80  }
0x1c9: {  	_ =	swait.ge [sflag:s10], $0x80  }
0x1ca: {  	[sflag:s10] =	ssyncset.done $0x0  }
0x1cb: {  	[sflag:s10] =	ssyncadd.s32 $0xFFFFFF80  }
0x1cc: {  	_ =	swait.ge [sflag:s10], $0x80  }
0x1cd: {  	[sflag:s10] =	ssyncset.done $0x0  }
0x1ce: {  	[sflag:s10] =	ssyncadd.s32 $0xFFFFFF80  }
0x1cf: {  	_ =	swait.ge [sflag:s10], $0x80  }
0x1d0: {  	[sflag:s10] =	ssyncset.done $0x0  }
0x1d1: {  	[sflag:s10] =	ssyncadd.s32 $0xFFFFFF80  }
0x1d2: {  	_ =	swait.ge [sflag:s10], $0x80  }
0x1d3: {  	[sflag:s10] =	ssyncset.done $0x0  }
0x1d4: {  	[sflag:s10] =	ssyncadd.s32 $0xFFFFFF80  }
0x1d5: {  	_ =	swait.ge [sflag:s10], $0x80  }
0x1d6: {  	[sflag:s10] =	ssyncset.done $0x0  }
0x1d7: {  	[sflag:s10] =	ssyncadd.s32 $0xFFFFFF80  }
0x1d8: {  	_ =	swait.ge [sflag:s10], $0x80  }
0x1d9: {  	[sflag:s10] =	ssyncset.done $0x0  }
0x1da: {  	[sflag:s10] =	ssyncadd.s32 $0xFFFFFF80  }
0x1db: {  	_ =	swait.ge [sflag:s10], $0x80  }
0x1dc: {  	[sflag:s10] =	ssyncset.done $0x0  }
0x1dd: {  	[sflag:s10] =	ssyncadd.s32 $0xFFFFFF80  }
0x1de: {  	[spmem:s1] =	stream.indirect.scatter.add.f32 [tilespmem:s8], [sflag:$0x1], $0x1, s23, s7, $0xb8;
	[tilespmem:$0x1980] =	vst v63  }
0x1df: {  	_ = 	snop  }
0x1e0: {  	[spmem:s1] =	stream.indirect.scatter.add.f32 [tilespmem:s8], [sflag:$0x1], $0x1, s24, s7, $0xb8;
	[tilespmem:$0x1980] =	vst v63  }
0x1e1: {  	_ = 	snop  }
0x1e2: {  	[spmem:s1] =	stream.indirect.scatter.add.f32 [tilespmem:s8], [sflag:$0x1], $0x1, s25, s7, $0xb8;
	[tilespmem:$0x1980] =	vst v63  }
0x1e3: {  	_ = 	snop  }
0x1e4: {  	[spmem:s1] =	stream.indirect.scatter.add.f32 [tilespmem:s8], [sflag:$0x1], $0x1, s26, s7, $0xb8;
	[tilespmem:$0x1980] =	vst v63  }
0x1e5: {  	_ = 	snop  }
0x1e6: {  	[spmem:s1] =	stream.indirect.scatter.add.f32 [tilespmem:s8], [sflag:$0x1], $0x1, s28, s7, $0xb8;
	[tilespmem:$0x1980] =	vst v63  }
0x1e7: {  	_ = 	snop  }
0x1e8: {  	[spmem:s1] =	stream.indirect.scatter.add.f32 [tilespmem:s8], [sflag:$0x1], $0x1, s29, s7, $0xb8;
	[tilespmem:$0x1980] =	vst v63  }
0x1e9: {  	_ = 	snop  }
0x1ea: {  	[spmem:s1] =	stream.indirect.scatter.add.f32 [tilespmem:s8], [sflag:$0x1], $0x1, s30, s7, $0xb8;
	[tilespmem:$0x1980] =	vst v63  }
0x1eb: {  	_ = 	snop  }
0x1ec: {  	[spmem:s1] =	stream.indirect.scatter.add.f32 [tilespmem:s8], [sflag:$0x1], $0x1, s31, s7, $0xb8;
	[tilespmem:$0x1980] =	vst v63  }
0x1ed: {  	_ =	swait.ge [sflag:s10], $0x80  }
0x1ee: {  	[sflag:s10] =	ssyncset.done $0x0  }
0x1ef: {  	[sflag:s10] =	ssyncadd.s32 $0xFFFFFF80  }
0x1f0: {  	_ =	swait.ge [sflag:s10], $0x80  }
0x1f1: {  	[sflag:s10] =	ssyncset.done $0x0  }
0x1f2: {  	[sflag:s10] =	ssyncadd.s32 $0xFFFFFF80  }
0x1f3: {  	_ =	swait.ge [sflag:s10], $0x80  }
0x1f4: {  	[sflag:s10] =	ssyncset.done $0x0  }
0x1f5: {  	[sflag:s10] =	ssyncadd.s32 $0xFFFFFF80  }
0x1f6: {  	_ =	swait.ge [sflag:s10], $0x80  }
0x1f7: {  	[sflag:s10] =	ssyncset.done $0x0  }
0x1f8: {  	[sflag:s10] =	ssyncadd.s32 $0xFFFFFF80  }
0x1f9: {  	_ =	swait.ge [sflag:s10], $0x80  }
0x1fa: {  	[sflag:s10] =	ssyncset.done $0x0  }
0x1fb: {  	[sflag:s10] =	ssyncadd.s32 $0xFFFFFF80  }
0x1fc: {  	_ =	swait.ge [sflag:s10], $0x80  }
0x1fd: {  	[sflag:s10] =	ssyncset.done $0x0  }
0x1fe: {  	[sflag:s10] =	ssyncadd.s32 $0xFFFFFF80  }
0x1ff: {  	_ =	swait.ge [sflag:s10], $0x80  }
0x200: {  	[sflag:s10] =	ssyncset.done $0x0  }
0x201: {  	[sflag:s10] =	ssyncadd.s32 $0xFFFFFF80  }
0x202: {  	_ =	swait.ge [sflag:s10], $0x80  }
0x203: {  	[sflag:s10] =	ssyncset.done $0x0  }
0x204: {  	[sflag:s10] =	ssyncadd.s32 $0xFFFFFF80  }
0x205: {  	[bflag:$0x0] =	sbarrier.arrive $0xFFFF  }
0x206: {  	[tilespmem:s6], [sflag:$0x2] =	stream.linear.gather [spmem:s5], $0x280, $0x38;
	[tilespmem:$0x1980] =	vst v63  }
0x207: {  	p0 =	sne.s32 s0, $0x1;
	_ =	swait.ge [sflag:s4], $0x280  }
.Ltmp1:
0x208: {  	[sflag:s4] =	ssyncset.done $0x0;
	(pc) =	sbr.rel @p0 .LBB2_1-.Ltmp1, $4  }
0x209: {  	s11 =	rddreg [dreg:$0x5];
	[sflag:s4] =	ssyncadd.s32 $0xFFFFFD80  }
0x20a: {  	[hbm4b:s11+s7] =	stream.strided.scatter [tilespmem:s6], [sflag:$0x2], $0x280, s9, s7, $0x38;
	[tilespmem:$0x1980] =	vst v63  }
0x20b: {  	_ =	swait.ge [sflag:s4], $0x280  }
0x20c: {  	s0 =	sadd.s32 $0xFFFFFFFF, s0;
	[sflag:s4] =	ssyncset.done $0x0  }
.LBB2_2:
0x20d: {  	[sflag:s4] =	ssyncadd.s32 $0xFFFFFD80  }
0x20e: {  	_ =	sfence.sel $0x180000  }
0x20f: {  	[bflag:$0x0] =	sbarrier.arrive $0xFFFF  }
0x210: {  	_ =	strace $0x90000047  }
0x211: {  	s0 =	stileid.u32;
	[bflag:$0x2] =	sbarrier.arrive $0xFFFF  }
0x212: {  	p0 =	sne.s32 s0, $0x0;
	s0 =	rddreg [dreg:$0x3]  }
0x213: {  	s0 =	sadd.s32 @!p0 $0x100000, s0  }
0x214: {  	[sflag:s0] =	ssyncadd.tile.s32 @!p0 $0x1;
	_ =	shalt  }
.Lfunc_end2:
_tile_overlayer_lowered:
.L_overlay_start_2:
0x215: {  	(tag) =	ssettag $0x2  }
0x216: {  	s0 =	rddreg [dreg:$0x0];
	s2 =	stileid.u32  }
0x217: {  	s1 =	rddreg [dreg:$0x1];
	p0 =	sne.s32 s2, $0x0  }
0x218: {  	s3 =	rddreg [dreg:$0x2];
	[bflag:$0x3] =	sbarrier.arrive $0xFFFF;
	s2 =	simm.s32 @!p0 $0x1C02  }
0x219: {  	[timem:s3], [sflag:s2] =	dma.local @!p0 [hbm:s0], s1  }
0x21a: {  	s0 =	simm.s32 @!p0 $0x2  }
0x21b: {  	_ =	swait.ge @!p0 [sflag:s0], s1  }
0x21c: {  	s1 =	ssub.s32 @!p0 $0x0, s1;
	[sflag:s0] =	ssyncset.done @!p0 $0x0  }
0x21d: {  	[sflag:s0] =	ssyncadd.s32 @!p0 s1  }
0x21e: {  	[bflag:$0x3] =	sbarrier.arrive $0xFFFF  }
0x21f: {  	_ =	shalt  }

</sc_bundles>
